<compile_context>
chip_gen: v7x
topology: tpu7x:2x2x1
jax: 0.10.2.dev20260603
libtpu: 0.0.44.dev20260713+nightly
codegen_flags: <defaults>
</compile_context>

<pallas_src>
import functools

import jax
import jax.numpy as jnp
from jax import lax
from jax.experimental import pallas as pl
from jax.experimental.pallas import tpu as pltpu
from jax.experimental.pallas import tpu_sc as plsc

N_NODES = 10000
N_EDGES = 320000
D = 128
NC = 2
NS = 16
NW = NC * NS
N_PAD = 10240
E_PAD = 327680
CH = 128
EPW0 = 15360
EPW1 = 5120
SEG = EPW0 + EPW1
CPW0 = EPW0 // CH
CPW1 = EPW1 // CH
RPT = N_PAD // NS
CH2 = 512
CPW20 = EPW0 // CH2
CPW21 = EPW1 // CH2

_F32 = jnp.float32


def _mesh():
    return plsc.VectorSubcoreMesh(
        core_axis_name="c", subcore_axis_name="s",
        num_cores=NC, num_subcores=NS)


@functools.partial(
    pl.kernel,
    out_type=jax.ShapeDtypeStruct((NW, N_PAD), _F32),
    mesh=_mesh(),
    scratch_types=[
        pltpu.VMEM((CH2,), jnp.int32),
        pltpu.VMEM((CH2,), jnp.int32),
        pltpu.VMEM((N_PAD,), _F32),
        pltpu.SemaphoreType.DMA,
        pltpu.SemaphoreType.DMA,
    ],
    compiler_params=pltpu.CompilerParams(needs_layout_passes=False),
)
def _deg_kernel(src_hbm, out_hbm, idx0, idx1, cs, sem0, sem1):
    cid = lax.axis_index("c")
    sid = lax.axis_index("s")
    wid = sid * NC + cid
    ebase = sid * SEG + cid * EPW0
    pltpu.async_copy(src_hbm.at[pl.ds(ebase, CH2)], idx0, sem0)
    z = jnp.zeros((16,), _F32)

    def zbody(i, carry):
        cs[pl.ds(i * 64, 16)] = z
        cs[pl.ds(i * 64 + 16, 16)] = z
        cs[pl.ds(i * 64 + 32, 16)] = z
        cs[pl.ds(i * 64 + 48, 16)] = z
        return carry

    lax.fori_loop(0, N_PAD // 64, zbody, 0)
    ones16 = jnp.ones((16,), _F32)

    def count(buf):
        for j in range(CH2 // 16):
            plsc.addupdate_scatter(cs, [buf[pl.ds(j * 16, 16)]], ones16)

    def run(ncpw2):
        def body(i, carry):
            k0 = 2 * i
            pltpu.make_async_copy(
                src_hbm.at[pl.ds(ebase + k0 * CH2, CH2)], idx0, sem0).wait()
            pltpu.async_copy(
                src_hbm.at[pl.ds(ebase + ((k0 + 1) % ncpw2) * CH2, CH2)], idx1, sem1)
            count(idx0)
            pltpu.make_async_copy(
                src_hbm.at[pl.ds(ebase + ((k0 + 1) % ncpw2) * CH2, CH2)], idx1, sem1).wait()
            pltpu.async_copy(
                src_hbm.at[pl.ds(ebase + ((k0 + 2) % ncpw2) * CH2, CH2)], idx0, sem0)
            count(idx1)
            return carry

        lax.fori_loop(0, ncpw2 // 2, body, 0)

    pl.when(cid == 0)(lambda: run(CPW20))
    pl.when(cid != 0)(lambda: run(CPW21))
    pltpu.make_async_copy(src_hbm.at[pl.ds(ebase, CH2)], idx0, sem0).wait()
    pltpu.sync_copy(cs, out_hbm.at[wid])


@functools.partial(
    pl.kernel,
    out_type=(jax.ShapeDtypeStruct((NC, N_PAD, D), _F32),
              jax.ShapeDtypeStruct((NW, N_PAD), _F32)),
    mesh=_mesh(),
    scratch_types=[
        pltpu.VMEM((CH,), jnp.int32),
        pltpu.VMEM((CH,), jnp.int32),
        pltpu.VMEM((CH,), jnp.int32),
        pltpu.VMEM((CH,), jnp.int32),
        pltpu.VMEM((CH, D), _F32),
        pltpu.VMEM((CH, D), _F32),
        pltpu.VMEM((N_PAD,), _F32),
        pltpu.VMEM_SHARED((N_PAD, D), _F32),
        pltpu.SemaphoreType.DMA,
        pltpu.SemaphoreType.DMA,
        pltpu.SemaphoreType.DMA,
        pltpu.SemaphoreType.DMA,
    ],
    compiler_params=pltpu.CompilerParams(needs_layout_passes=False),
)
def _agg_kernel(h_hbm, src_hbm, dst_hbm, zrows_hbm, out_hbm, cd_hbm,
                s0, s1, d0, d1, r0, r1, cd, acc_sh,
                g0, g1, q0, q1):
    cid = lax.axis_index("c")
    sid = lax.axis_index("s")
    wid = sid * NC + cid
    ebase = sid * SEG + cid * EPW0
    sbufs = (s0, s1)
    dbufs = (d0, d1)
    rbufs = (r0, r1)
    gsems = (g0, g1)
    qsems = (q0, q1)

    pltpu.sync_copy(src_hbm.at[pl.ds(ebase, CH)], s0)
    pltpu.async_copy(h_hbm.at[s0], r0, g0)
    pltpu.sync_copy(src_hbm.at[pl.ds(ebase + CH, CH)], s1)
    pltpu.async_copy(h_hbm.at[s1], r1, g1)

    z = jnp.zeros((16,), _F32)

    def zbody(i, carry):
        cd[pl.ds(i * 64, 16)] = z
        cd[pl.ds(i * 64 + 16, 16)] = z
        cd[pl.ds(i * 64 + 32, 16)] = z
        cd[pl.ds(i * 64 + 48, 16)] = z
        return carry

    lax.fori_loop(0, N_PAD // 64, zbody, 0)
    pltpu.sync_copy(zrows_hbm, acc_sh.at[pl.ds(sid * RPT, RPT)])
    plsc.subcore_barrier()

    ones16 = jnp.ones((16,), _F32)

    def consume(k, b):
        pltpu.make_async_copy(h_hbm.at[sbufs[b]], rbufs[b], gsems[b]).wait()
        pltpu.sync_copy(dst_hbm.at[pl.ds(ebase + k * CH, CH)], dbufs[b])
        for j in range(CH // 16):
            plsc.addupdate_scatter(cd, [dbufs[b][pl.ds(j * 16, 16)]], ones16)
        pltpu.async_copy(rbufs[b], acc_sh.at[dbufs[b]], qsems[b], add=True)

    def run(ncpw):
        def prefetch(k2, b2):
            pltpu.sync_copy(
                src_hbm.at[pl.ds(ebase + (k2 % ncpw) * CH, CH)], sbufs[b2])
            pltpu.make_async_copy(rbufs[b2], acc_sh.at[dbufs[b2]],
                                  qsems[b2]).wait()
            pltpu.async_copy(h_hbm.at[sbufs[b2]], rbufs[b2], gsems[b2])

        consume(0, 0)
        prefetch(2, 0)
        consume(1, 1)
        prefetch(3, 1)

        def body(i, carry):
            k = 2 * i + 2
            consume(k, 0)
            prefetch(k + 2, 0)
            consume(k + 1, 1)
            prefetch(k + 3, 1)
            return carry

        lax.fori_loop(0, (ncpw - 2) // 2, body, 0)

    pl.when(cid == 0)(lambda: run(CPW0))
    pl.when(cid != 0)(lambda: run(CPW1))
    pltpu.make_async_copy(h_hbm.at[s0], r0, g0).wait()
    pltpu.make_async_copy(h_hbm.at[s1], r1, g1).wait()
    plsc.subcore_barrier()
    pltpu.sync_copy(acc_sh.at[pl.ds(sid * RPT, RPT)],
                    out_hbm.at[cid, pl.ds(sid * RPT, RPT)])
    pltpu.sync_copy(cd, cd_hbm.at[wid])


def _scale_body(cnt_ref, feat_ref, h_ref):
    deg = jnp.maximum(jnp.sum(cnt_ref[...], axis=1, keepdims=True), 1.0)
    h_ref[...] = feat_ref[...] * lax.rsqrt(deg)


_scale = pl.pallas_call(
    _scale_body,
    grid=(N_PAD // 1024,),
    in_specs=[pl.BlockSpec((1024, NW), lambda i: (i, 0)),
              pl.BlockSpec((1024, D), lambda i: (i, 0))],
    out_specs=pl.BlockSpec((1024, D), lambda i: (i, 0)),
    out_shape=jax.ShapeDtypeStruct((N_PAD, D), _F32),
)


def _final_body(a0_ref, a1_ref, cnt_ref, w_ref, b_ref, o_ref):
    a = a0_ref[...] + a1_ref[...]
    r = jnp.dot(a, w_ref[...], preferred_element_type=_F32)
    nd = lax.rsqrt(jnp.maximum(jnp.sum(cnt_ref[...], axis=1, keepdims=True), 1.0))
    o_ref[...] = r * nd + b_ref[...]


_final = pl.pallas_call(
    _final_body,
    grid=(N_PAD // 1024,),
    in_specs=[pl.BlockSpec((1024, D), lambda i: (i, 0)),
              pl.BlockSpec((1024, D), lambda i: (i, 0)),
              pl.BlockSpec((1024, NW), lambda i: (i, 0)),
              pl.BlockSpec((D, D), lambda i: (0, 0)),
              pl.BlockSpec((1, D), lambda i: (0, 0))],
    out_specs=pl.BlockSpec((1024, D), lambda i: (i, 0)),
    out_shape=jax.ShapeDtypeStruct((N_PAD, D), _F32),
)


def kernel(feat, edge_index, W, b):
    src = edge_index[0]
    dst = edge_index[1]
    pad = jnp.full((E_PAD - N_EDGES,), N_NODES, jnp.int32)
    src_p = jnp.concatenate([src, pad])
    dst_p = jnp.concatenate([dst, pad])
    feat_p = jnp.pad(feat, ((0, N_PAD - N_NODES), (0, 0)))

    cnt_s = _deg_kernel(src_p).T
    h = _scale(cnt_s, feat_p)

    zrows = jnp.zeros((RPT, D), _F32)
    acc, cd_part = _agg_kernel(h, src_p, dst_p, zrows)

    out = _final(acc[0], acc[1], cd_part.T, W, b.reshape(1, D))
    return out[:N_NODES]

# --- scband reference (transcript-rebuilt; emitter-appended) ---
"""Pipeline reference for scband-gcnlayer-11828339933792 (READ-ONLY COPY).

The authoritative reference and input builder live on the scoring server;
editing this copy changes nothing except your own understanding.
"""

import jax, jax.numpy as jnp
import numpy as np

N_NODES = 10000
N_EDGES = 320000
D_IN = 128
D_OUT = 128


def setup_inputs(seed: int = 0) -> dict:
    key = jax.random.key(seed)
    k1, k2, k3 = jax.random.split(key, 3)
    feat = jax.random.normal(k1, (N_NODES, D_IN), dtype=jnp.float32)
    edge_index = jax.random.randint(k2, (2, N_EDGES), 0, N_NODES, dtype=jnp.int32)
    # xavier_uniform init for weight (in_feats, out_feats)
    limit = float(np.sqrt(6.0 / (D_IN + D_OUT)))
    W = jax.random.uniform(k3, (D_IN, D_OUT), minval=-limit, maxval=limit, dtype=jnp.float32)
    b = jnp.zeros((D_OUT,), dtype=jnp.float32)
    return {"feat": feat, "edge_index": edge_index, "W": W, "b": b}


def reference(feat, edge_index, W, b):
    # GCNLayer.forward with norm='both', weight=True, bias=True,
    # dropout=0.0 (identity), activation=None.
    src = edge_index[0]
    dst = edge_index[1]
    ones = jnp.ones((src.shape[0],), dtype=jnp.float32)
    # out-degree normalization on source features (norm == 'both')
    out_deg = jnp.clip(jax.ops.segment_sum(ones, src, num_segments=N_NODES), 1.0)
    norm_src = jnp.power(out_deg, -0.5)
    h = feat * norm_src[:, None]
    # in_feats > out_feats is False -> aggregate first, then matmul
    # message passing: copy_src + sum  == scatter-add of gathered src features
    msgs = h[src]  # gather [E, D_IN]
    agg = jax.ops.segment_sum(msgs, dst, num_segments=N_NODES)
    rst = jnp.matmul(agg, W)
    # in-degree normalization (norm == 'both')
    in_deg = jnp.clip(jax.ops.segment_sum(ones, dst, num_segments=N_NODES), 1.0)
    norm_dst = jnp.power(in_deg, -0.5)
    rst = rst * norm_dst[:, None]
    rst = rst + b
    return rst

if __name__ == "__main__":
    import jax
    _d = setup_inputs()
    print(jax.jit(kernel)(*tuple(_d.values())))

</pallas_src>

<mosaic_0001>
#map = affine_map<(d0, d1) -> (0)>
#map1 = affine_map<(d0, d1) -> (0, 0)>
module attributes {stable_mosaic.version = 14 : i64} {
  func.func @_deg_kernel(%arg0: i32, %arg1: i32, %arg2: memref<327680xi32, #tpu.memory_space<hbm>>, %arg3: memref<32x10240xf32, #tpu.memory_space<hbm>>, %arg4: memref<512xi32, #tpu.memory_space<vmem>>, %arg5: memref<512xi32, #tpu.memory_space<vmem>>, %arg6: memref<10240xf32, #tpu.memory_space<vmem>>, %arg7: memref<!tpu.dma_semaphore, #tpu.memory_space<semaphore_mem>>, %arg8: memref<!tpu.dma_semaphore, #tpu.memory_space<semaphore_mem>>) attributes {dimension_semantics = [#tpu.dimension_semantics<core_parallel>, #tpu.dimension_semantics<subcore_parallel>], iteration_bounds = array<i64: 2, 16>, scalar_prefetch = 0 : i64, scratch_operands = 5 : i64, tpu.core_type = #tpu.core_type<sc_vector_subcore>, window_params = [{transform_indices = #map}, {transform_indices = #map1}]} {
    %mul3A = arith.constant 2 : i32
    %mul3A_0 = arith.muli %arg1, %mul3A : i32
    %add3A = arith.addi %mul3A_0, %arg0 : i32
    %mul3A_1 = arith.constant 20480 : i32
    %mul3A_2 = arith.muli %arg1, %mul3A_1 : i32
    %mul3A_3 = arith.constant 15360 : i32
    %mul3A_4 = arith.muli %arg0, %mul3A_3 : i32
    %add3A_5 = arith.addi %mul3A_2, %mul3A_4 : i32
    %dma_start3A = tpu.memref_slice %arg2[%add3A_5] : memref<327680xi32, #tpu.memory_space<hbm>> -> memref<512xi32, #tpu.memory_space<hbm>>
    %dma_start3A_6 = tpu.memref_slice %arg2[%add3A_5] : memref<327680xi32, #tpu.memory_space<hbm>> -> memref<512xi32, #tpu.memory_space<hbm>>
    tpu.enqueue_dma source(%dma_start3A_6 : memref<512xi32, #tpu.memory_space<hbm>>) target(%arg4 : memref<512xi32, #tpu.memory_space<vmem>>) target_semaphore(%arg7 : memref<!tpu.dma_semaphore, #tpu.memory_space<semaphore_mem>>)
    %broadcast_in_dim3A = arith.constant 0.000000e+00 : f32
    %broadcast_in_dim3A_7 = vector.broadcast %broadcast_in_dim3A : f32 to vector<16xf32>
    %scan3A = arith.constant 0 : i32
    %scan3A_8 = arith.constant 0 : i32
    %scan3A_9 = arith.constant 160 : i32
    %scan3A_10 = arith.addi %scan3A_8, %scan3A_9 : i32
    %scan3A_11 = arith.constant 1 : i32
    scf.for %scan3A_22 = %scan3A_8 to %scan3A_10 step %scan3A_11  : i32 {
      %mul3A_23 = arith.constant 64 : i32
      %mul3A_24 = arith.muli %scan3A_22, %mul3A_23 : i32
      %swap3A = arith.index_cast %mul3A_24 : i32 to index
      %swap3A_25 = tpu.vector_load %arg6[%swap3A] {strides = array<i32>} : memref<10240xf32, #tpu.memory_space<vmem>>, vector<16xf32>,
      tpu.vector_store %arg6[%swap3A], %broadcast_in_dim3A_7 {strides = array<i32>} : memref<10240xf32, #tpu.memory_space<vmem>>, vector<16xf32>,
      %mul3A_26 = arith.constant 64 : i32
      %mul3A_27 = arith.muli %scan3A_22, %mul3A_26 : i32
      %add3A_28 = arith.constant 16 : i32
      %add3A_29 = arith.addi %mul3A_27, %add3A_28 : i32
      %swap3A_30 = arith.index_cast %add3A_29 : i32 to index
      %swap3A_31 = tpu.vector_load %arg6[%swap3A_30] {strides = array<i32>} : memref<10240xf32, #tpu.memory_space<vmem>>, vector<16xf32>,
      tpu.vector_store %arg6[%swap3A_30], %broadcast_in_dim3A_7 {strides = array<i32>} : memref<10240xf32, #tpu.memory_space<vmem>>, vector<16xf32>,
      %mul3A_32 = arith.constant 64 : i32
      %mul3A_33 = arith.muli %scan3A_22, %mul3A_32 : i32
      %add3A_34 = arith.constant 32 : i32
      %add3A_35 = arith.addi %mul3A_33, %add3A_34 : i32
      %swap3A_36 = arith.index_cast %add3A_35 : i32 to index
      %swap3A_37 = tpu.vector_load %arg6[%swap3A_36] {strides = array<i32>} : memref<10240xf32, #tpu.memory_space<vmem>>, vector<16xf32>,
      tpu.vector_store %arg6[%swap3A_36], %broadcast_in_dim3A_7 {strides = array<i32>} : memref<10240xf32, #tpu.memory_space<vmem>>, vector<16xf32>,
      %mul3A_38 = arith.constant 64 : i32
      %mul3A_39 = arith.muli %scan3A_22, %mul3A_38 : i32
      %add3A_40 = arith.constant 48 : i32
      %add3A_41 = arith.addi %mul3A_39, %add3A_40 : i32
      %swap3A_42 = arith.index_cast %add3A_41 : i32 to index
      %swap3A_43 = tpu.vector_load %arg6[%swap3A_42] {strides = array<i32>} : memref<10240xf32, #tpu.memory_space<vmem>>, vector<16xf32>,
      tpu.vector_store %arg6[%swap3A_42], %broadcast_in_dim3A_7 {strides = array<i32>} : memref<10240xf32, #tpu.memory_space<vmem>>, vector<16xf32>,
    }
    %scan3A_12 = arith.constant 160 : i32
    %broadcast_in_dim3A_13 = arith.constant 1.000000e+00 : f32
    %broadcast_in_dim3A_14 = vector.broadcast %broadcast_in_dim3A_13 : f32 to vector<16xf32>
    %eq3A = arith.constant 0 : i32
    %eq3A_15 = arith.cmpi eq, %arg0, %eq3A : i32
    %convert_element_type3A = arith.extui %eq3A_15 : i1 to i32
    %cond3A = arith.constant 0 : i32
    %cond3A_16 = arith.cmpi ne, %convert_element_type3A, %cond3A : i32
    scf.if %cond3A_16 {
      %scan3A_22 = arith.constant 0 : i32
      %scan3A_23 = arith.constant 0 : i32
      %scan3A_24 = arith.constant 15 : i32
      %scan3A_25 = arith.addi %scan3A_23, %scan3A_24 : i32
      %scan3A_26 = arith.constant 1 : i32
      scf.for %scan3A_28 = %scan3A_23 to %scan3A_25 step %scan3A_26  : i32 {
        %mul3A_29 = arith.constant 2 : i32
        %mul3A_30 = arith.muli %mul3A_29, %scan3A_28 : i32
        %mul3A_31 = arith.constant 512 : i32
        %mul3A_32 = arith.muli %mul3A_30, %mul3A_31 : i32
        %add3A_33 = arith.addi %add3A_5, %mul3A_32 : i32
        %dma_wait3A_34 = tpu.memref_slice %arg2[%add3A_33] : memref<327680xi32, #tpu.memory_space<hbm>> -> memref<512xi32, #tpu.memory_space<hbm>>
        %dma_wait3A_35 = tpu.memref_slice %arg2[%add3A_33] : memref<327680xi32, #tpu.memory_space<hbm>> -> memref<512xi32, #tpu.memory_space<hbm>>
        tpu.wait_dma2 semaphore(%arg7 : memref<!tpu.dma_semaphore, #tpu.memory_space<semaphore_mem>>) src(%dma_wait3A_35 : memref<512xi32, #tpu.memory_space<hbm>>) dst(%arg4 : memref<512xi32, #tpu.memory_space<vmem>>)
        %add3A_36 = arith.constant 1 : i32
        %add3A_37 = arith.addi %mul3A_30, %add3A_36 : i32
        %jit3A = arith.constant 30 : i32
        %eq3A_38 = arith.constant 0 : i32
        %eq3A_39 = arith.cmpi eq, %jit3A, %eq3A_38 : i32
        %jit3A_40 = arith.constant 1 : i32
        %select_n3A = arith.select %eq3A_39, %jit3A_40, %jit3A : i32
        %rem3A = arith.remsi %add3A_37, %select_n3A : i32
        %ne3A_41 = arith.constant 0 : i32
        %ne3A_42 = arith.cmpi ne, %rem3A, %ne3A_41 : i32
        %lt3A = arith.constant 0 : i32
        %lt3A_43 = arith.cmpi slt, %rem3A, %lt3A : i32
        %lt3A_44 = arith.constant 0 : i32
        %lt3A_45 = arith.cmpi slt, %select_n3A, %lt3A_44 : i32
        %ne3A_46 = arith.xori %lt3A_43, %lt3A_45 : i1
        %and3A = arith.andi %ne3A_46, %ne3A_42 : i1
        %add3A_47 = arith.addi %rem3A, %select_n3A : i32
        %select_n3A_48 = arith.select %and3A, %add3A_47, %rem3A : i32
        %mul3A_49 = arith.constant 512 : i32
        %mul3A_50 = arith.muli %select_n3A_48, %mul3A_49 : i32
        %add3A_51 = arith.addi %add3A_5, %mul3A_50 : i32
        %dma_start3A_52 = tpu.memref_slice %arg2[%add3A_51] : memref<327680xi32, #tpu.memory_space<hbm>> -> memref<512xi32, #tpu.memory_space<hbm>>
        %dma_start3A_53 = tpu.memref_slice %arg2[%add3A_51] : memref<327680xi32, #tpu.memory_space<hbm>> -> memref<512xi32, #tpu.memory_space<hbm>>
        tpu.enqueue_dma source(%dma_start3A_53 : memref<512xi32, #tpu.memory_space<hbm>>) target(%arg5 : memref<512xi32, #tpu.memory_space<vmem>>) target_semaphore(%arg8 : memref<!tpu.dma_semaphore, #tpu.memory_space<semaphore_mem>>)
        %get3A = arith.constant 0 : index
        %get3A_54 = tpu.vector_load %arg4[%get3A] {strides = array<i32>} : memref<512xi32, #tpu.memory_space<vmem>>, vector<16xi32>,
        tpu.vector_store_idx %arg6[%get3A_54], %broadcast_in_dim3A_14 {add = true} : memref<10240xf32, #tpu.memory_space<vmem>>[vector<16xi32>], vector<16xf32>,
        %get3A_55 = arith.constant 16 : index
        %get3A_56 = tpu.vector_load %arg4[%get3A_55] {strides = array<i32>} : memref<512xi32, #tpu.memory_space<vmem>>, vector<16xi32>,
        tpu.vector_store_idx %arg6[%get3A_56], %broadcast_in_dim3A_14 {add = true} : memref<10240xf32, #tpu.memory_space<vmem>>[vector<16xi32>], vector<16xf32>,
        %get3A_57 = arith.constant 32 : index
        %get3A_58 = tpu.vector_load %arg4[%get3A_57] {strides = array<i32>} : memref<512xi32, #tpu.memory_space<vmem>>, vector<16xi32>,
        tpu.vector_store_idx %arg6[%get3A_58], %broadcast_in_dim3A_14 {add = true} : memref<10240xf32, #tpu.memory_space<vmem>>[vector<16xi32>], vector<16xf32>,
        %get3A_59 = arith.constant 48 : index
        %get3A_60 = tpu.vector_load %arg4[%get3A_59] {strides = array<i32>} : memref<512xi32, #tpu.memory_space<vmem>>, vector<16xi32>,
        tpu.vector_store_idx %arg6[%get3A_60], %broadcast_in_dim3A_14 {add = true} : memref<10240xf32, #tpu.memory_space<vmem>>[vector<16xi32>], vector<16xf32>,
        %get3A_61 = arith.constant 64 : index
        %get3A_62 = tpu.vector_load %arg4[%get3A_61] {strides = array<i32>} : memref<512xi32, #tpu.memory_space<vmem>>, vector<16xi32>,
        tpu.vector_store_idx %arg6[%get3A_62], %broadcast_in_dim3A_14 {add = true} : memref<10240xf32, #tpu.memory_space<vmem>>[vector<16xi32>], vector<16xf32>,
        %get3A_63 = arith.constant 80 : index
        %get3A_64 = tpu.vector_load %arg4[%get3A_63] {strides = array<i32>} : memref<512xi32, #tpu.memory_space<vmem>>, vector<16xi32>,
        tpu.vector_store_idx %arg6[%get3A_64], %broadcast_in_dim3A_14 {add = true} : memref<10240xf32, #tpu.memory_space<vmem>>[vector<16xi32>], vector<16xf32>,
        %get3A_65 = arith.constant 96 : index
        %get3A_66 = tpu.vector_load %arg4[%get3A_65] {strides = array<i32>} : memref<512xi32, #tpu.memory_space<vmem>>, vector<16xi32>,
        tpu.vector_store_idx %arg6[%get3A_66], %broadcast_in_dim3A_14 {add = true} : memref<10240xf32, #tpu.memory_space<vmem>>[vector<16xi32>], vector<16xf32>,
        %get3A_67 = arith.constant 112 : index
        %get3A_68 = tpu.vector_load %arg4[%get3A_67] {strides = array<i32>} : memref<512xi32, #tpu.memory_space<vmem>>, vector<16xi32>,
        tpu.vector_store_idx %arg6[%get3A_68], %broadcast_in_dim3A_14 {add = true} : memref<10240xf32, #tpu.memory_space<vmem>>[vector<16xi32>], vector<16xf32>,
        %get3A_69 = arith.constant 128 : index
        %get3A_70 = tpu.vector_load %arg4[%get3A_69] {strides = array<i32>} : memref<512xi32, #tpu.memory_space<vmem>>, vector<16xi32>,
        tpu.vector_store_idx %arg6[%get3A_70], %broadcast_in_dim3A_14 {add = true} : memref<10240xf32, #tpu.memory_space<vmem>>[vector<16xi32>], vector<16xf32>,
        %get3A_71 = arith.constant 144 : index
        %get3A_72 = tpu.vector_load %arg4[%get3A_71] {strides = array<i32>} : memref<512xi32, #tpu.memory_space<vmem>>, vector<16xi32>,
        tpu.vector_store_idx %arg6[%get3A_72], %broadcast_in_dim3A_14 {add = true} : memref<10240xf32, #tpu.memory_space<vmem>>[vector<16xi32>], vector<16xf32>,
        %get3A_73 = arith.constant 160 : index
        %get3A_74 = tpu.vector_load %arg4[%get3A_73] {strides = array<i32>} : memref<512xi32, #tpu.memory_space<vmem>>, vector<16xi32>,
        tpu.vector_store_idx %arg6[%get3A_74], %broadcast_in_dim3A_14 {add = true} : memref<10240xf32, #tpu.memory_space<vmem>>[vector<16xi32>], vector<16xf32>,
        %get3A_75 = arith.constant 176 : index
        %get3A_76 = tpu.vector_load %arg4[%get3A_75] {strides = array<i32>} : memref<512xi32, #tpu.memory_space<vmem>>, vector<16xi32>,
        tpu.vector_store_idx %arg6[%get3A_76], %broadcast_in_dim3A_14 {add = true} : memref<10240xf32, #tpu.memory_space<vmem>>[vector<16xi32>], vector<16xf32>,
        %get3A_77 = arith.constant 192 : index
        %get3A_78 = tpu.vector_load %arg4[%get3A_77] {strides = array<i32>} : memref<512xi32, #tpu.memory_space<vmem>>, vector<16xi32>,
        tpu.vector_store_idx %arg6[%get3A_78], %broadcast_in_dim3A_14 {add = true} : memref<10240xf32, #tpu.memory_space<vmem>>[vector<16xi32>], vector<16xf32>,
        %get3A_79 = arith.constant 208 : index
        %get3A_80 = tpu.vector_load %arg4[%get3A_79] {strides = array<i32>} : memref<512xi32, #tpu.memory_space<vmem>>, vector<16xi32>,
        tpu.vector_store_idx %arg6[%get3A_80], %broadcast_in_dim3A_14 {add = true} : memref<10240xf32, #tpu.memory_space<vmem>>[vector<16xi32>], vector<16xf32>,
        %get3A_81 = arith.constant 224 : index
        %get3A_82 = tpu.vector_load %arg4[%get3A_81] {strides = array<i32>} : memref<512xi32, #tpu.memory_space<vmem>>, vector<16xi32>,
        tpu.vector_store_idx %arg6[%get3A_82], %broadcast_in_dim3A_14 {add = true} : memref<10240xf32, #tpu.memory_space<vmem>>[vector<16xi32>], vector<16xf32>,
        %get3A_83 = arith.constant 240 : index
        %get3A_84 = tpu.vector_load %arg4[%get3A_83] {strides = array<i32>} : memref<512xi32, #tpu.memory_space<vmem>>, vector<16xi32>,
        tpu.vector_store_idx %arg6[%get3A_84], %broadcast_in_dim3A_14 {add = true} : memref<10240xf32, #tpu.memory_space<vmem>>[vector<16xi32>], vector<16xf32>,
        %get3A_85 = arith.constant 256 : index
        %get3A_86 = tpu.vector_load %arg4[%get3A_85] {strides = array<i32>} : memref<512xi32, #tpu.memory_space<vmem>>, vector<16xi32>,
        tpu.vector_store_idx %arg6[%get3A_86], %broadcast_in_dim3A_14 {add = true} : memref<10240xf32, #tpu.memory_space<vmem>>[vector<16xi32>], vector<16xf32>,
        %get3A_87 = arith.constant 272 : index
        %get3A_88 = tpu.vector_load %arg4[%get3A_87] {strides = array<i32>} : memref<512xi32, #tpu.memory_space<vmem>>, vector<16xi32>,
        tpu.vector_store_idx %arg6[%get3A_88], %broadcast_in_dim3A_14 {add = true} : memref<10240xf32, #tpu.memory_space<vmem>>[vector<16xi32>], vector<16xf32>,
        %get3A_89 = arith.constant 288 : index
        %get3A_90 = tpu.vector_load %arg4[%get3A_89] {strides = array<i32>} : memref<512xi32, #tpu.memory_space<vmem>>, vector<16xi32>,
        tpu.vector_store_idx %arg6[%get3A_90], %broadcast_in_dim3A_14 {add = true} : memref<10240xf32, #tpu.memory_space<vmem>>[vector<16xi32>], vector<16xf32>,
        %get3A_91 = arith.constant 304 : index
        %get3A_92 = tpu.vector_load %arg4[%get3A_91] {strides = array<i32>} : memref<512xi32, #tpu.memory_space<vmem>>, vector<16xi32>,
        tpu.vector_store_idx %arg6[%get3A_92], %broadcast_in_dim3A_14 {add = true} : memref<10240xf32, #tpu.memory_space<vmem>>[vector<16xi32>], vector<16xf32>,
        %get3A_93 = arith.constant 320 : index
        %get3A_94 = tpu.vector_load %arg4[%get3A_93] {strides = array<i32>} : memref<512xi32, #tpu.memory_space<vmem>>, vector<16xi32>,
        tpu.vector_store_idx %arg6[%get3A_94], %broadcast_in_dim3A_14 {add = true} : memref<10240xf32, #tpu.memory_space<vmem>>[vector<16xi32>], vector<16xf32>,
        %get3A_95 = arith.constant 336 : index
        %get3A_96 = tpu.vector_load %arg4[%get3A_95] {strides = array<i32>} : memref<512xi32, #tpu.memory_space<vmem>>, vector<16xi32>,
        tpu.vector_store_idx %arg6[%get3A_96], %broadcast_in_dim3A_14 {add = true} : memref<10240xf32, #tpu.memory_space<vmem>>[vector<16xi32>], vector<16xf32>,
        %get3A_97 = arith.constant 352 : index
        %get3A_98 = tpu.vector_load %arg4[%get3A_97] {strides = array<i32>} : memref<512xi32, #tpu.memory_space<vmem>>, vector<16xi32>,
        tpu.vector_store_idx %arg6[%get3A_98], %broadcast_in_dim3A_14 {add = true} : memref<10240xf32, #tpu.memory_space<vmem>>[vector<16xi32>], vector<16xf32>,
        %get3A_99 = arith.constant 368 : index
        %get3A_100 = tpu.vector_load %arg4[%get3A_99] {strides = array<i32>} : memref<512xi32, #tpu.memory_space<vmem>>, vector<16xi32>,
        tpu.vector_store_idx %arg6[%get3A_100], %broadcast_in_dim3A_14 {add = true} : memref<10240xf32, #tpu.memory_space<vmem>>[vector<16xi32>], vector<16xf32>,
        %get3A_101 = arith.constant 384 : index
        %get3A_102 = tpu.vector_load %arg4[%get3A_101] {strides = array<i32>} : memref<512xi32, #tpu.memory_space<vmem>>, vector<16xi32>,
        tpu.vector_store_idx %arg6[%get3A_102], %broadcast_in_dim3A_14 {add = true} : memref<10240xf32, #tpu.memory_space<vmem>>[vector<16xi32>], vector<16xf32>,
        %get3A_103 = arith.constant 400 : index
        %get3A_104 = tpu.vector_load %arg4[%get3A_103] {strides = array<i32>} : memref<512xi32, #tpu.memory_space<vmem>>, vector<16xi32>,
        tpu.vector_store_idx %arg6[%get3A_104], %broadcast_in_dim3A_14 {add = true} : memref<10240xf32, #tpu.memory_space<vmem>>[vector<16xi32>], vector<16xf32>,
        %get3A_105 = arith.constant 416 : index
        %get3A_106 = tpu.vector_load %arg4[%get3A_105] {strides = array<i32>} : memref<512xi32, #tpu.memory_space<vmem>>, vector<16xi32>,
        tpu.vector_store_idx %arg6[%get3A_106], %broadcast_in_dim3A_14 {add = true} : memref<10240xf32, #tpu.memory_space<vmem>>[vector<16xi32>], vector<16xf32>,
        %get3A_107 = arith.constant 432 : index
        %get3A_108 = tpu.vector_load %arg4[%get3A_107] {strides = array<i32>} : memref<512xi32, #tpu.memory_space<vmem>>, vector<16xi32>,
        tpu.vector_store_idx %arg6[%get3A_108], %broadcast_in_dim3A_14 {add = true} : memref<10240xf32, #tpu.memory_space<vmem>>[vector<16xi32>], vector<16xf32>,
        %get3A_109 = arith.constant 448 : index
        %get3A_110 = tpu.vector_load %arg4[%get3A_109] {strides = array<i32>} : memref<512xi32, #tpu.memory_space<vmem>>, vector<16xi32>,
        tpu.vector_store_idx %arg6[%get3A_110], %broadcast_in_dim3A_14 {add = true} : memref<10240xf32, #tpu.memory_space<vmem>>[vector<16xi32>], vector<16xf32>,
        %get3A_111 = arith.constant 464 : index
        %get3A_112 = tpu.vector_load %arg4[%get3A_111] {strides = array<i32>} : memref<512xi32, #tpu.memory_space<vmem>>, vector<16xi32>,
        tpu.vector_store_idx %arg6[%get3A_112], %broadcast_in_dim3A_14 {add = true} : memref<10240xf32, #tpu.memory_space<vmem>>[vector<16xi32>], vector<16xf32>,
        %get3A_113 = arith.constant 480 : index
        %get3A_114 = tpu.vector_load %arg4[%get3A_113] {strides = array<i32>} : memref<512xi32, #tpu.memory_space<vmem>>, vector<16xi32>,
        tpu.vector_store_idx %arg6[%get3A_114], %broadcast_in_dim3A_14 {add = true} : memref<10240xf32, #tpu.memory_space<vmem>>[vector<16xi32>], vector<16xf32>,
        %get3A_115 = arith.constant 496 : index
        %get3A_116 = tpu.vector_load %arg4[%get3A_115] {strides = array<i32>} : memref<512xi32, #tpu.memory_space<vmem>>, vector<16xi32>,
        tpu.vector_store_idx %arg6[%get3A_116], %broadcast_in_dim3A_14 {add = true} : memref<10240xf32, #tpu.memory_space<vmem>>[vector<16xi32>], vector<16xf32>,
        %add3A_117 = arith.constant 1 : i32
        %add3A_118 = arith.addi %mul3A_30, %add3A_117 : i32
        %jit3A_119 = arith.constant 30 : i32
        %eq3A_120 = arith.constant 0 : i32
        %eq3A_121 = arith.cmpi eq, %jit3A_119, %eq3A_120 : i32
        %jit3A_122 = arith.constant 1 : i32
        %select_n3A_123 = arith.select %eq3A_121, %jit3A_122, %jit3A_119 : i32
        %rem3A_124 = arith.remsi %add3A_118, %select_n3A_123 : i32
        %ne3A_125 = arith.constant 0 : i32
        %ne3A_126 = arith.cmpi ne, %rem3A_124, %ne3A_125 : i32
        %lt3A_127 = arith.constant 0 : i32
        %lt3A_128 = arith.cmpi slt, %rem3A_124, %lt3A_127 : i32
        %lt3A_129 = arith.constant 0 : i32
        %lt3A_130 = arith.cmpi slt, %select_n3A_123, %lt3A_129 : i32
        %ne3A_131 = arith.xori %lt3A_128, %lt3A_130 : i1
        %and3A_132 = arith.andi %ne3A_131, %ne3A_126 : i1
        %add3A_133 = arith.addi %rem3A_124, %select_n3A_123 : i32
        %select_n3A_134 = arith.select %and3A_132, %add3A_133, %rem3A_124 : i32
        %mul3A_135 = arith.constant 512 : i32
        %mul3A_136 = arith.muli %select_n3A_134, %mul3A_135 : i32
        %add3A_137 = arith.addi %add3A_5, %mul3A_136 : i32
        %dma_wait3A_138 = tpu.memref_slice %arg2[%add3A_137] : memref<327680xi32, #tpu.memory_space<hbm>> -> memref<512xi32, #tpu.memory_space<hbm>>
        %dma_wait3A_139 = tpu.memref_slice %arg2[%add3A_137] : memref<327680xi32, #tpu.memory_space<hbm>> -> memref<512xi32, #tpu.memory_space<hbm>>
        tpu.wait_dma2 semaphore(%arg8 : memref<!tpu.dma_semaphore, #tpu.memory_space<semaphore_mem>>) src(%dma_wait3A_139 : memref<512xi32, #tpu.memory_space<hbm>>) dst(%arg5 : memref<512xi32, #tpu.memory_space<vmem>>)
        %add3A_140 = arith.constant 2 : i32
        %add3A_141 = arith.addi %mul3A_30, %add3A_140 : i32
        %jit3A_142 = arith.constant 30 : i32
        %eq3A_143 = arith.constant 0 : i32
        %eq3A_144 = arith.cmpi eq, %jit3A_142, %eq3A_143 : i32
        %jit3A_145 = arith.constant 1 : i32
        %select_n3A_146 = arith.select %eq3A_144, %jit3A_145, %jit3A_142 : i32
        %rem3A_147 = arith.remsi %add3A_141, %select_n3A_146 : i32
        %ne3A_148 = arith.constant 0 : i32
        %ne3A_149 = arith.cmpi ne, %rem3A_147, %ne3A_148 : i32
        %lt3A_150 = arith.constant 0 : i32
        %lt3A_151 = arith.cmpi slt, %rem3A_147, %lt3A_150 : i32
        %lt3A_152 = arith.constant 0 : i32
        %lt3A_153 = arith.cmpi slt, %select_n3A_146, %lt3A_152 : i32
        %ne3A_154 = arith.xori %lt3A_151, %lt3A_153 : i1
        %and3A_155 = arith.andi %ne3A_154, %ne3A_149 : i1
        %add3A_156 = arith.addi %rem3A_147, %select_n3A_146 : i32
        %select_n3A_157 = arith.select %and3A_155, %add3A_156, %rem3A_147 : i32
        %mul3A_158 = arith.constant 512 : i32
        %mul3A_159 = arith.muli %select_n3A_157, %mul3A_158 : i32
        %add3A_160 = arith.addi %add3A_5, %mul3A_159 : i32
        %dma_start3A_161 = tpu.memref_slice %arg2[%add3A_160] : memref<327680xi32, #tpu.memory_space<hbm>> -> memref<512xi32, #tpu.memory_space<hbm>>
        %dma_start3A_162 = tpu.memref_slice %arg2[%add3A_160] : memref<327680xi32, #tpu.memory_space<hbm>> -> memref<512xi32, #tpu.memory_space<hbm>>
        tpu.enqueue_dma source(%dma_start3A_162 : memref<512xi32, #tpu.memory_space<hbm>>) target(%arg4 : memref<512xi32, #tpu.memory_space<vmem>>) target_semaphore(%arg7 : memref<!tpu.dma_semaphore, #tpu.memory_space<semaphore_mem>>)
        %get3A_163 = arith.constant 0 : index
        %get3A_164 = tpu.vector_load %arg5[%get3A_163] {strides = array<i32>} : memref<512xi32, #tpu.memory_space<vmem>>, vector<16xi32>,
        tpu.vector_store_idx %arg6[%get3A_164], %broadcast_in_dim3A_14 {add = true} : memref<10240xf32, #tpu.memory_space<vmem>>[vector<16xi32>], vector<16xf32>,
        %get3A_165 = arith.constant 16 : index
        %get3A_166 = tpu.vector_load %arg5[%get3A_165] {strides = array<i32>} : memref<512xi32, #tpu.memory_space<vmem>>, vector<16xi32>,
        tpu.vector_store_idx %arg6[%get3A_166], %broadcast_in_dim3A_14 {add = true} : memref<10240xf32, #tpu.memory_space<vmem>>[vector<16xi32>], vector<16xf32>,
        %get3A_167 = arith.constant 32 : index
        %get3A_168 = tpu.vector_load %arg5[%get3A_167] {strides = array<i32>} : memref<512xi32, #tpu.memory_space<vmem>>, vector<16xi32>,
        tpu.vector_store_idx %arg6[%get3A_168], %broadcast_in_dim3A_14 {add = true} : memref<10240xf32, #tpu.memory_space<vmem>>[vector<16xi32>], vector<16xf32>,
        %get3A_169 = arith.constant 48 : index
        %get3A_170 = tpu.vector_load %arg5[%get3A_169] {strides = array<i32>} : memref<512xi32, #tpu.memory_space<vmem>>, vector<16xi32>,
        tpu.vector_store_idx %arg6[%get3A_170], %broadcast_in_dim3A_14 {add = true} : memref<10240xf32, #tpu.memory_space<vmem>>[vector<16xi32>], vector<16xf32>,
        %get3A_171 = arith.constant 64 : index
        %get3A_172 = tpu.vector_load %arg5[%get3A_171] {strides = array<i32>} : memref<512xi32, #tpu.memory_space<vmem>>, vector<16xi32>,
        tpu.vector_store_idx %arg6[%get3A_172], %broadcast_in_dim3A_14 {add = true} : memref<10240xf32, #tpu.memory_space<vmem>>[vector<16xi32>], vector<16xf32>,
        %get3A_173 = arith.constant 80 : index
        %get3A_174 = tpu.vector_load %arg5[%get3A_173] {strides = array<i32>} : memref<512xi32, #tpu.memory_space<vmem>>, vector<16xi32>,
        tpu.vector_store_idx %arg6[%get3A_174], %broadcast_in_dim3A_14 {add = true} : memref<10240xf32, #tpu.memory_space<vmem>>[vector<16xi32>], vector<16xf32>,
        %get3A_175 = arith.constant 96 : index
        %get3A_176 = tpu.vector_load %arg5[%get3A_175] {strides = array<i32>} : memref<512xi32, #tpu.memory_space<vmem>>, vector<16xi32>,
        tpu.vector_store_idx %arg6[%get3A_176], %broadcast_in_dim3A_14 {add = true} : memref<10240xf32, #tpu.memory_space<vmem>>[vector<16xi32>], vector<16xf32>,
        %get3A_177 = arith.constant 112 : index
        %get3A_178 = tpu.vector_load %arg5[%get3A_177] {strides = array<i32>} : memref<512xi32, #tpu.memory_space<vmem>>, vector<16xi32>,
        tpu.vector_store_idx %arg6[%get3A_178], %broadcast_in_dim3A_14 {add = true} : memref<10240xf32, #tpu.memory_space<vmem>>[vector<16xi32>], vector<16xf32>,
        %get3A_179 = arith.constant 128 : index
        %get3A_180 = tpu.vector_load %arg5[%get3A_179] {strides = array<i32>} : memref<512xi32, #tpu.memory_space<vmem>>, vector<16xi32>,
        tpu.vector_store_idx %arg6[%get3A_180], %broadcast_in_dim3A_14 {add = true} : memref<10240xf32, #tpu.memory_space<vmem>>[vector<16xi32>], vector<16xf32>,
        %get3A_181 = arith.constant 144 : index
        %get3A_182 = tpu.vector_load %arg5[%get3A_181] {strides = array<i32>} : memref<512xi32, #tpu.memory_space<vmem>>, vector<16xi32>,
        tpu.vector_store_idx %arg6[%get3A_182], %broadcast_in_dim3A_14 {add = true} : memref<10240xf32, #tpu.memory_space<vmem>>[vector<16xi32>], vector<16xf32>,
        %get3A_183 = arith.constant 160 : index
        %get3A_184 = tpu.vector_load %arg5[%get3A_183] {strides = array<i32>} : memref<512xi32, #tpu.memory_space<vmem>>, vector<16xi32>,
        tpu.vector_store_idx %arg6[%get3A_184], %broadcast_in_dim3A_14 {add = true} : memref<10240xf32, #tpu.memory_space<vmem>>[vector<16xi32>], vector<16xf32>,
        %get3A_185 = arith.constant 176 : index
        %get3A_186 = tpu.vector_load %arg5[%get3A_185] {strides = array<i32>} : memref<512xi32, #tpu.memory_space<vmem>>, vector<16xi32>,
        tpu.vector_store_idx %arg6[%get3A_186], %broadcast_in_dim3A_14 {add = true} : memref<10240xf32, #tpu.memory_space<vmem>>[vector<16xi32>], vector<16xf32>,
        %get3A_187 = arith.constant 192 : index
        %get3A_188 = tpu.vector_load %arg5[%get3A_187] {strides = array<i32>} : memref<512xi32, #tpu.memory_space<vmem>>, vector<16xi32>,
        tpu.vector_store_idx %arg6[%get3A_188], %broadcast_in_dim3A_14 {add = true} : memref<10240xf32, #tpu.memory_space<vmem>>[vector<16xi32>], vector<16xf32>,
        %get3A_189 = arith.constant 208 : index
        %get3A_190 = tpu.vector_load %arg5[%get3A_189] {strides = array<i32>} : memref<512xi32, #tpu.memory_space<vmem>>, vector<16xi32>,
        tpu.vector_store_idx %arg6[%get3A_190], %broadcast_in_dim3A_14 {add = true} : memref<10240xf32, #tpu.memory_space<vmem>>[vector<16xi32>], vector<16xf32>,
        %get3A_191 = arith.constant 224 : index
        %get3A_192 = tpu.vector_load %arg5[%get3A_191] {strides = array<i32>} : memref<512xi32, #tpu.memory_space<vmem>>, vector<16xi32>,
        tpu.vector_store_idx %arg6[%get3A_192], %broadcast_in_dim3A_14 {add = true} : memref<10240xf32, #tpu.memory_space<vmem>>[vector<16xi32>], vector<16xf32>,
        %get3A_193 = arith.constant 240 : index
        %get3A_194 = tpu.vector_load %arg5[%get3A_193] {strides = array<i32>} : memref<512xi32, #tpu.memory_space<vmem>>, vector<16xi32>,
        tpu.vector_store_idx %arg6[%get3A_194], %broadcast_in_dim3A_14 {add = true} : memref<10240xf32, #tpu.memory_space<vmem>>[vector<16xi32>], vector<16xf32>,
        %get3A_195 = arith.constant 256 : index
        %get3A_196 = tpu.vector_load %arg5[%get3A_195] {strides = array<i32>} : memref<512xi32, #tpu.memory_space<vmem>>, vector<16xi32>,
        tpu.vector_store_idx %arg6[%get3A_196], %broadcast_in_dim3A_14 {add = true} : memref<10240xf32, #tpu.memory_space<vmem>>[vector<16xi32>], vector<16xf32>,
        %get3A_197 = arith.constant 272 : index
        %get3A_198 = tpu.vector_load %arg5[%get3A_197] {strides = array<i32>} : memref<512xi32, #tpu.memory_space<vmem>>, vector<16xi32>,
        tpu.vector_store_idx %arg6[%get3A_198], %broadcast_in_dim3A_14 {add = true} : memref<10240xf32, #tpu.memory_space<vmem>>[vector<16xi32>], vector<16xf32>,
        %get3A_199 = arith.constant 288 : index
        %get3A_200 = tpu.vector_load %arg5[%get3A_199] {strides = array<i32>} : memref<512xi32, #tpu.memory_space<vmem>>, vector<16xi32>,
        tpu.vector_store_idx %arg6[%get3A_200], %broadcast_in_dim3A_14 {add = true} : memref<10240xf32, #tpu.memory_space<vmem>>[vector<16xi32>], vector<16xf32>,
        %get3A_201 = arith.constant 304 : index
        %get3A_202 = tpu.vector_load %arg5[%get3A_201] {strides = array<i32>} : memref<512xi32, #tpu.memory_space<vmem>>, vector<16xi32>,
        tpu.vector_store_idx %arg6[%get3A_202], %broadcast_in_dim3A_14 {add = true} : memref<10240xf32, #tpu.memory_space<vmem>>[vector<16xi32>], vector<16xf32>,
        %get3A_203 = arith.constant 320 : index
        %get3A_204 = tpu.vector_load %arg5[%get3A_203] {strides = array<i32>} : memref<512xi32, #tpu.memory_space<vmem>>, vector<16xi32>,
        tpu.vector_store_idx %arg6[%get3A_204], %broadcast_in_dim3A_14 {add = true} : memref<10240xf32, #tpu.memory_space<vmem>>[vector<16xi32>], vector<16xf32>,
        %get3A_205 = arith.constant 336 : index
        %get3A_206 = tpu.vector_load %arg5[%get3A_205] {strides = array<i32>} : memref<512xi32, #tpu.memory_space<vmem>>, vector<16xi32>,
        tpu.vector_store_idx %arg6[%get3A_206], %broadcast_in_dim3A_14 {add = true} : memref<10240xf32, #tpu.memory_space<vmem>>[vector<16xi32>], vector<16xf32>,
        %get3A_207 = arith.constant 352 : index
        %get3A_208 = tpu.vector_load %arg5[%get3A_207] {strides = array<i32>} : memref<512xi32, #tpu.memory_space<vmem>>, vector<16xi32>,
        tpu.vector_store_idx %arg6[%get3A_208], %broadcast_in_dim3A_14 {add = true} : memref<10240xf32, #tpu.memory_space<vmem>>[vector<16xi32>], vector<16xf32>,
        %get3A_209 = arith.constant 368 : index
        %get3A_210 = tpu.vector_load %arg5[%get3A_209] {strides = array<i32>} : memref<512xi32, #tpu.memory_space<vmem>>, vector<16xi32>,
        tpu.vector_store_idx %arg6[%get3A_210], %broadcast_in_dim3A_14 {add = true} : memref<10240xf32, #tpu.memory_space<vmem>>[vector<16xi32>], vector<16xf32>,
        %get3A_211 = arith.constant 384 : index
        %get3A_212 = tpu.vector_load %arg5[%get3A_211] {strides = array<i32>} : memref<512xi32, #tpu.memory_space<vmem>>, vector<16xi32>,
        tpu.vector_store_idx %arg6[%get3A_212], %broadcast_in_dim3A_14 {add = true} : memref<10240xf32, #tpu.memory_space<vmem>>[vector<16xi32>], vector<16xf32>,
        %get3A_213 = arith.constant 400 : index
        %get3A_214 = tpu.vector_load %arg5[%get3A_213] {strides = array<i32>} : memref<512xi32, #tpu.memory_space<vmem>>, vector<16xi32>,
        tpu.vector_store_idx %arg6[%get3A_214], %broadcast_in_dim3A_14 {add = true} : memref<10240xf32, #tpu.memory_space<vmem>>[vector<16xi32>], vector<16xf32>,
        %get3A_215 = arith.constant 416 : index
        %get3A_216 = tpu.vector_load %arg5[%get3A_215] {strides = array<i32>} : memref<512xi32, #tpu.memory_space<vmem>>, vector<16xi32>,
        tpu.vector_store_idx %arg6[%get3A_216], %broadcast_in_dim3A_14 {add = true} : memref<10240xf32, #tpu.memory_space<vmem>>[vector<16xi32>], vector<16xf32>,
        %get3A_217 = arith.constant 432 : index
        %get3A_218 = tpu.vector_load %arg5[%get3A_217] {strides = array<i32>} : memref<512xi32, #tpu.memory_space<vmem>>, vector<16xi32>,
        tpu.vector_store_idx %arg6[%get3A_218], %broadcast_in_dim3A_14 {add = true} : memref<10240xf32, #tpu.memory_space<vmem>>[vector<16xi32>], vector<16xf32>,
        %get3A_219 = arith.constant 448 : index
        %get3A_220 = tpu.vector_load %arg5[%get3A_219] {strides = array<i32>} : memref<512xi32, #tpu.memory_space<vmem>>, vector<16xi32>,
        tpu.vector_store_idx %arg6[%get3A_220], %broadcast_in_dim3A_14 {add = true} : memref<10240xf32, #tpu.memory_space<vmem>>[vector<16xi32>], vector<16xf32>,
        %get3A_221 = arith.constant 464 : index
        %get3A_222 = tpu.vector_load %arg5[%get3A_221] {strides = array<i32>} : memref<512xi32, #tpu.memory_space<vmem>>, vector<16xi32>,
        tpu.vector_store_idx %arg6[%get3A_222], %broadcast_in_dim3A_14 {add = true} : memref<10240xf32, #tpu.memory_space<vmem>>[vector<16xi32>], vector<16xf32>,
        %get3A_223 = arith.constant 480 : index
        %get3A_224 = tpu.vector_load %arg5[%get3A_223] {strides = array<i32>} : memref<512xi32, #tpu.memory_space<vmem>>, vector<16xi32>,
        tpu.vector_store_idx %arg6[%get3A_224], %broadcast_in_dim3A_14 {add = true} : memref<10240xf32, #tpu.memory_space<vmem>>[vector<16xi32>], vector<16xf32>,
        %get3A_225 = arith.constant 496 : index
        %get3A_226 = tpu.vector_load %arg5[%get3A_225] {strides = array<i32>} : memref<512xi32, #tpu.memory_space<vmem>>, vector<16xi32>,
        tpu.vector_store_idx %arg6[%get3A_226], %broadcast_in_dim3A_14 {add = true} : memref<10240xf32, #tpu.memory_space<vmem>>[vector<16xi32>], vector<16xf32>,
      }
      %scan3A_27 = arith.constant 15 : i32
    } else {
    }
    %ne3A = arith.constant 0 : i32
    %ne3A_17 = arith.cmpi ne, %arg0, %ne3A : i32
    %convert_element_type3A_18 = arith.extui %ne3A_17 : i1 to i32
    %cond3A_19 = arith.constant 0 : i32
    %cond3A_20 = arith.cmpi ne, %convert_element_type3A_18, %cond3A_19 : i32
    scf.if %cond3A_20 {
      %scan3A_22 = arith.constant 0 : i32
      %scan3A_23 = arith.constant 0 : i32
      %scan3A_24 = arith.constant 5 : i32
      %scan3A_25 = arith.addi %scan3A_23, %scan3A_24 : i32
      %scan3A_26 = arith.constant 1 : i32
      scf.for %scan3A_28 = %scan3A_23 to %scan3A_25 step %scan3A_26  : i32 {
        %mul3A_29 = arith.constant 2 : i32
        %mul3A_30 = arith.muli %mul3A_29, %scan3A_28 : i32
        %mul3A_31 = arith.constant 512 : i32
        %mul3A_32 = arith.muli %mul3A_30, %mul3A_31 : i32
        %add3A_33 = arith.addi %add3A_5, %mul3A_32 : i32
        %dma_wait3A_34 = tpu.memref_slice %arg2[%add3A_33] : memref<327680xi32, #tpu.memory_space<hbm>> -> memref<512xi32, #tpu.memory_space<hbm>>
        %dma_wait3A_35 = tpu.memref_slice %arg2[%add3A_33] : memref<327680xi32, #tpu.memory_space<hbm>> -> memref<512xi32, #tpu.memory_space<hbm>>
        tpu.wait_dma2 semaphore(%arg7 : memref<!tpu.dma_semaphore, #tpu.memory_space<semaphore_mem>>) src(%dma_wait3A_35 : memref<512xi32, #tpu.memory_space<hbm>>) dst(%arg4 : memref<512xi32, #tpu.memory_space<vmem>>)
        %add3A_36 = arith.constant 1 : i32
        %add3A_37 = arith.addi %mul3A_30, %add3A_36 : i32
        %jit3A = arith.constant 10 : i32
        %eq3A_38 = arith.constant 0 : i32
        %eq3A_39 = arith.cmpi eq, %jit3A, %eq3A_38 : i32
        %jit3A_40 = arith.constant 1 : i32
        %select_n3A = arith.select %eq3A_39, %jit3A_40, %jit3A : i32
        %rem3A = arith.remsi %add3A_37, %select_n3A : i32
        %ne3A_41 = arith.constant 0 : i32
        %ne3A_42 = arith.cmpi ne, %rem3A, %ne3A_41 : i32
        %lt3A = arith.constant 0 : i32
        %lt3A_43 = arith.cmpi slt, %rem3A, %lt3A : i32
        %lt3A_44 = arith.constant 0 : i32
        %lt3A_45 = arith.cmpi slt, %select_n3A, %lt3A_44 : i32
        %ne3A_46 = arith.xori %lt3A_43, %lt3A_45 : i1
        %and3A = arith.andi %ne3A_46, %ne3A_42 : i1
        %add3A_47 = arith.addi %rem3A, %select_n3A : i32
        %select_n3A_48 = arith.select %and3A, %add3A_47, %rem3A : i32
        %mul3A_49 = arith.constant 512 : i32
        %mul3A_50 = arith.muli %select_n3A_48, %mul3A_49 : i32
        %add3A_51 = arith.addi %add3A_5, %mul3A_50 : i32
        %dma_start3A_52 = tpu.memref_slice %arg2[%add3A_51] : memref<327680xi32, #tpu.memory_space<hbm>> -> memref<512xi32, #tpu.memory_space<hbm>>
        %dma_start3A_53 = tpu.memref_slice %arg2[%add3A_51] : memref<327680xi32, #tpu.memory_space<hbm>> -> memref<512xi32, #tpu.memory_space<hbm>>
        tpu.enqueue_dma source(%dma_start3A_53 : memref<512xi32, #tpu.memory_space<hbm>>) target(%arg5 : memref<512xi32, #tpu.memory_space<vmem>>) target_semaphore(%arg8 : memref<!tpu.dma_semaphore, #tpu.memory_space<semaphore_mem>>)
        %get3A = arith.constant 0 : index
        %get3A_54 = tpu.vector_load %arg4[%get3A] {strides = array<i32>} : memref<512xi32, #tpu.memory_space<vmem>>, vector<16xi32>,
        tpu.vector_store_idx %arg6[%get3A_54], %broadcast_in_dim3A_14 {add = true} : memref<10240xf32, #tpu.memory_space<vmem>>[vector<16xi32>], vector<16xf32>,
        %get3A_55 = arith.constant 16 : index
        %get3A_56 = tpu.vector_load %arg4[%get3A_55] {strides = array<i32>} : memref<512xi32, #tpu.memory_space<vmem>>, vector<16xi32>,
        tpu.vector_store_idx %arg6[%get3A_56], %broadcast_in_dim3A_14 {add = true} : memref<10240xf32, #tpu.memory_space<vmem>>[vector<16xi32>], vector<16xf32>,
        %get3A_57 = arith.constant 32 : index
        %get3A_58 = tpu.vector_load %arg4[%get3A_57] {strides = array<i32>} : memref<512xi32, #tpu.memory_space<vmem>>, vector<16xi32>,
        tpu.vector_store_idx %arg6[%get3A_58], %broadcast_in_dim3A_14 {add = true} : memref<10240xf32, #tpu.memory_space<vmem>>[vector<16xi32>], vector<16xf32>,
        %get3A_59 = arith.constant 48 : index
        %get3A_60 = tpu.vector_load %arg4[%get3A_59] {strides = array<i32>} : memref<512xi32, #tpu.memory_space<vmem>>, vector<16xi32>,
        tpu.vector_store_idx %arg6[%get3A_60], %broadcast_in_dim3A_14 {add = true} : memref<10240xf32, #tpu.memory_space<vmem>>[vector<16xi32>], vector<16xf32>,
        %get3A_61 = arith.constant 64 : index
        %get3A_62 = tpu.vector_load %arg4[%get3A_61] {strides = array<i32>} : memref<512xi32, #tpu.memory_space<vmem>>, vector<16xi32>,
        tpu.vector_store_idx %arg6[%get3A_62], %broadcast_in_dim3A_14 {add = true} : memref<10240xf32, #tpu.memory_space<vmem>>[vector<16xi32>], vector<16xf32>,
        %get3A_63 = arith.constant 80 : index
        %get3A_64 = tpu.vector_load %arg4[%get3A_63] {strides = array<i32>} : memref<512xi32, #tpu.memory_space<vmem>>, vector<16xi32>,
        tpu.vector_store_idx %arg6[%get3A_64], %broadcast_in_dim3A_14 {add = true} : memref<10240xf32, #tpu.memory_space<vmem>>[vector<16xi32>], vector<16xf32>,
        %get3A_65 = arith.constant 96 : index
        %get3A_66 = tpu.vector_load %arg4[%get3A_65] {strides = array<i32>} : memref<512xi32, #tpu.memory_space<vmem>>, vector<16xi32>,
        tpu.vector_store_idx %arg6[%get3A_66], %broadcast_in_dim3A_14 {add = true} : memref<10240xf32, #tpu.memory_space<vmem>>[vector<16xi32>], vector<16xf32>,
        %get3A_67 = arith.constant 112 : index
        %get3A_68 = tpu.vector_load %arg4[%get3A_67] {strides = array<i32>} : memref<512xi32, #tpu.memory_space<vmem>>, vector<16xi32>,
        tpu.vector_store_idx %arg6[%get3A_68], %broadcast_in_dim3A_14 {add = true} : memref<10240xf32, #tpu.memory_space<vmem>>[vector<16xi32>], vector<16xf32>,
        %get3A_69 = arith.constant 128 : index
        %get3A_70 = tpu.vector_load %arg4[%get3A_69] {strides = array<i32>} : memref<512xi32, #tpu.memory_space<vmem>>, vector<16xi32>,
        tpu.vector_store_idx %arg6[%get3A_70], %broadcast_in_dim3A_14 {add = true} : memref<10240xf32, #tpu.memory_space<vmem>>[vector<16xi32>], vector<16xf32>,
        %get3A_71 = arith.constant 144 : index
        %get3A_72 = tpu.vector_load %arg4[%get3A_71] {strides = array<i32>} : memref<512xi32, #tpu.memory_space<vmem>>, vector<16xi32>,
        tpu.vector_store_idx %arg6[%get3A_72], %broadcast_in_dim3A_14 {add = true} : memref<10240xf32, #tpu.memory_space<vmem>>[vector<16xi32>], vector<16xf32>,
        %get3A_73 = arith.constant 160 : index
        %get3A_74 = tpu.vector_load %arg4[%get3A_73] {strides = array<i32>} : memref<512xi32, #tpu.memory_space<vmem>>, vector<16xi32>,
        tpu.vector_store_idx %arg6[%get3A_74], %broadcast_in_dim3A_14 {add = true} : memref<10240xf32, #tpu.memory_space<vmem>>[vector<16xi32>], vector<16xf32>,
        %get3A_75 = arith.constant 176 : index
        %get3A_76 = tpu.vector_load %arg4[%get3A_75] {strides = array<i32>} : memref<512xi32, #tpu.memory_space<vmem>>, vector<16xi32>,
        tpu.vector_store_idx %arg6[%get3A_76], %broadcast_in_dim3A_14 {add = true} : memref<10240xf32, #tpu.memory_space<vmem>>[vector<16xi32>], vector<16xf32>,
        %get3A_77 = arith.constant 192 : index
        %get3A_78 = tpu.vector_load %arg4[%get3A_77] {strides = array<i32>} : memref<512xi32, #tpu.memory_space<vmem>>, vector<16xi32>,
        tpu.vector_store_idx %arg6[%get3A_78], %broadcast_in_dim3A_14 {add = true} : memref<10240xf32, #tpu.memory_space<vmem>>[vector<16xi32>], vector<16xf32>,
        %get3A_79 = arith.constant 208 : index
        %get3A_80 = tpu.vector_load %arg4[%get3A_79] {strides = array<i32>} : memref<512xi32, #tpu.memory_space<vmem>>, vector<16xi32>,
        tpu.vector_store_idx %arg6[%get3A_80], %broadcast_in_dim3A_14 {add = true} : memref<10240xf32, #tpu.memory_space<vmem>>[vector<16xi32>], vector<16xf32>,
        %get3A_81 = arith.constant 224 : index
        %get3A_82 = tpu.vector_load %arg4[%get3A_81] {strides = array<i32>} : memref<512xi32, #tpu.memory_space<vmem>>, vector<16xi32>,
        tpu.vector_store_idx %arg6[%get3A_82], %broadcast_in_dim3A_14 {add = true} : memref<10240xf32, #tpu.memory_space<vmem>>[vector<16xi32>], vector<16xf32>,
        %get3A_83 = arith.constant 240 : index
        %get3A_84 = tpu.vector_load %arg4[%get3A_83] {strides = array<i32>} : memref<512xi32, #tpu.memory_space<vmem>>, vector<16xi32>,
        tpu.vector_store_idx %arg6[%get3A_84], %broadcast_in_dim3A_14 {add = true} : memref<10240xf32, #tpu.memory_space<vmem>>[vector<16xi32>], vector<16xf32>,
        %get3A_85 = arith.constant 256 : index
        %get3A_86 = tpu.vector_load %arg4[%get3A_85] {strides = array<i32>} : memref<512xi32, #tpu.memory_space<vmem>>, vector<16xi32>,
        tpu.vector_store_idx %arg6[%get3A_86], %broadcast_in_dim3A_14 {add = true} : memref<10240xf32, #tpu.memory_space<vmem>>[vector<16xi32>], vector<16xf32>,
        %get3A_87 = arith.constant 272 : index
        %get3A_88 = tpu.vector_load %arg4[%get3A_87] {strides = array<i32>} : memref<512xi32, #tpu.memory_space<vmem>>, vector<16xi32>,
        tpu.vector_store_idx %arg6[%get3A_88], %broadcast_in_dim3A_14 {add = true} : memref<10240xf32, #tpu.memory_space<vmem>>[vector<16xi32>], vector<16xf32>,
        %get3A_89 = arith.constant 288 : index
        %get3A_90 = tpu.vector_load %arg4[%get3A_89] {strides = array<i32>} : memref<512xi32, #tpu.memory_space<vmem>>, vector<16xi32>,
        tpu.vector_store_idx %arg6[%get3A_90], %broadcast_in_dim3A_14 {add = true} : memref<10240xf32, #tpu.memory_space<vmem>>[vector<16xi32>], vector<16xf32>,
        %get3A_91 = arith.constant 304 : index
        %get3A_92 = tpu.vector_load %arg4[%get3A_91] {strides = array<i32>} : memref<512xi32, #tpu.memory_space<vmem>>, vector<16xi32>,
        tpu.vector_store_idx %arg6[%get3A_92], %broadcast_in_dim3A_14 {add = true} : memref<10240xf32, #tpu.memory_space<vmem>>[vector<16xi32>], vector<16xf32>,
        %get3A_93 = arith.constant 320 : index
        %get3A_94 = tpu.vector_load %arg4[%get3A_93] {strides = array<i32>} : memref<512xi32, #tpu.memory_space<vmem>>, vector<16xi32>,
        tpu.vector_store_idx %arg6[%get3A_94], %broadcast_in_dim3A_14 {add = true} : memref<10240xf32, #tpu.memory_space<vmem>>[vector<16xi32>], vector<16xf32>,
        %get3A_95 = arith.constant 336 : index
        %get3A_96 = tpu.vector_load %arg4[%get3A_95] {strides = array<i32>} : memref<512xi32, #tpu.memory_space<vmem>>, vector<16xi32>,
        tpu.vector_store_idx %arg6[%get3A_96], %broadcast_in_dim3A_14 {add = true} : memref<10240xf32, #tpu.memory_space<vmem>>[vector<16xi32>], vector<16xf32>,
        %get3A_97 = arith.constant 352 : index
        %get3A_98 = tpu.vector_load %arg4[%get3A_97] {strides = array<i32>} : memref<512xi32, #tpu.memory_space<vmem>>, vector<16xi32>,
        tpu.vector_store_idx %arg6[%get3A_98], %broadcast_in_dim3A_14 {add = true} : memref<10240xf32, #tpu.memory_space<vmem>>[vector<16xi32>], vector<16xf32>,
        %get3A_99 = arith.constant 368 : index
        %get3A_100 = tpu.vector_load %arg4[%get3A_99] {strides = array<i32>} : memref<512xi32, #tpu.memory_space<vmem>>, vector<16xi32>,
        tpu.vector_store_idx %arg6[%get3A_100], %broadcast_in_dim3A_14 {add = true} : memref<10240xf32, #tpu.memory_space<vmem>>[vector<16xi32>], vector<16xf32>,
        %get3A_101 = arith.constant 384 : index
        %get3A_102 = tpu.vector_load %arg4[%get3A_101] {strides = array<i32>} : memref<512xi32, #tpu.memory_space<vmem>>, vector<16xi32>,
        tpu.vector_store_idx %arg6[%get3A_102], %broadcast_in_dim3A_14 {add = true} : memref<10240xf32, #tpu.memory_space<vmem>>[vector<16xi32>], vector<16xf32>,
        %get3A_103 = arith.constant 400 : index
        %get3A_104 = tpu.vector_load %arg4[%get3A_103] {strides = array<i32>} : memref<512xi32, #tpu.memory_space<vmem>>, vector<16xi32>,
        tpu.vector_store_idx %arg6[%get3A_104], %broadcast_in_dim3A_14 {add = true} : memref<10240xf32, #tpu.memory_space<vmem>>[vector<16xi32>], vector<16xf32>,
        %get3A_105 = arith.constant 416 : index
        %get3A_106 = tpu.vector_load %arg4[%get3A_105] {strides = array<i32>} : memref<512xi32, #tpu.memory_space<vmem>>, vector<16xi32>,
        tpu.vector_store_idx %arg6[%get3A_106], %broadcast_in_dim3A_14 {add = true} : memref<10240xf32, #tpu.memory_space<vmem>>[vector<16xi32>], vector<16xf32>,
        %get3A_107 = arith.constant 432 : index
        %get3A_108 = tpu.vector_load %arg4[%get3A_107] {strides = array<i32>} : memref<512xi32, #tpu.memory_space<vmem>>, vector<16xi32>,
        tpu.vector_store_idx %arg6[%get3A_108], %broadcast_in_dim3A_14 {add = true} : memref<10240xf32, #tpu.memory_space<vmem>>[vector<16xi32>], vector<16xf32>,
        %get3A_109 = arith.constant 448 : index
        %get3A_110 = tpu.vector_load %arg4[%get3A_109] {strides = array<i32>} : memref<512xi32, #tpu.memory_space<vmem>>, vector<16xi32>,
        tpu.vector_store_idx %arg6[%get3A_110], %broadcast_in_dim3A_14 {add = true} : memref<10240xf32, #tpu.memory_space<vmem>>[vector<16xi32>], vector<16xf32>,
        %get3A_111 = arith.constant 464 : index
        %get3A_112 = tpu.vector_load %arg4[%get3A_111] {strides = array<i32>} : memref<512xi32, #tpu.memory_space<vmem>>, vector<16xi32>,
        tpu.vector_store_idx %arg6[%get3A_112], %broadcast_in_dim3A_14 {add = true} : memref<10240xf32, #tpu.memory_space<vmem>>[vector<16xi32>], vector<16xf32>,
        %get3A_113 = arith.constant 480 : index
        %get3A_114 = tpu.vector_load %arg4[%get3A_113] {strides = array<i32>} : memref<512xi32, #tpu.memory_space<vmem>>, vector<16xi32>,
        tpu.vector_store_idx %arg6[%get3A_114], %broadcast_in_dim3A_14 {add = true} : memref<10240xf32, #tpu.memory_space<vmem>>[vector<16xi32>], vector<16xf32>,
        %get3A_115 = arith.constant 496 : index
        %get3A_116 = tpu.vector_load %arg4[%get3A_115] {strides = array<i32>} : memref<512xi32, #tpu.memory_space<vmem>>, vector<16xi32>,
        tpu.vector_store_idx %arg6[%get3A_116], %broadcast_in_dim3A_14 {add = true} : memref<10240xf32, #tpu.memory_space<vmem>>[vector<16xi32>], vector<16xf32>,
        %add3A_117 = arith.constant 1 : i32
        %add3A_118 = arith.addi %mul3A_30, %add3A_117 : i32
        %jit3A_119 = arith.constant 10 : i32
        %eq3A_120 = arith.constant 0 : i32
        %eq3A_121 = arith.cmpi eq, %jit3A_119, %eq3A_120 : i32
        %jit3A_122 = arith.constant 1 : i32
        %select_n3A_123 = arith.select %eq3A_121, %jit3A_122, %jit3A_119 : i32
        %rem3A_124 = arith.remsi %add3A_118, %select_n3A_123 : i32
        %ne3A_125 = arith.constant 0 : i32
        %ne3A_126 = arith.cmpi ne, %rem3A_124, %ne3A_125 : i32
        %lt3A_127 = arith.constant 0 : i32
        %lt3A_128 = arith.cmpi slt, %rem3A_124, %lt3A_127 : i32
        %lt3A_129 = arith.constant 0 : i32
        %lt3A_130 = arith.cmpi slt, %select_n3A_123, %lt3A_129 : i32
        %ne3A_131 = arith.xori %lt3A_128, %lt3A_130 : i1
        %and3A_132 = arith.andi %ne3A_131, %ne3A_126 : i1
        %add3A_133 = arith.addi %rem3A_124, %select_n3A_123 : i32
        %select_n3A_134 = arith.select %and3A_132, %add3A_133, %rem3A_124 : i32
        %mul3A_135 = arith.constant 512 : i32
        %mul3A_136 = arith.muli %select_n3A_134, %mul3A_135 : i32
        %add3A_137 = arith.addi %add3A_5, %mul3A_136 : i32
        %dma_wait3A_138 = tpu.memref_slice %arg2[%add3A_137] : memref<327680xi32, #tpu.memory_space<hbm>> -> memref<512xi32, #tpu.memory_space<hbm>>
        %dma_wait3A_139 = tpu.memref_slice %arg2[%add3A_137] : memref<327680xi32, #tpu.memory_space<hbm>> -> memref<512xi32, #tpu.memory_space<hbm>>
        tpu.wait_dma2 semaphore(%arg8 : memref<!tpu.dma_semaphore, #tpu.memory_space<semaphore_mem>>) src(%dma_wait3A_139 : memref<512xi32, #tpu.memory_space<hbm>>) dst(%arg5 : memref<512xi32, #tpu.memory_space<vmem>>)
        %add3A_140 = arith.constant 2 : i32
        %add3A_141 = arith.addi %mul3A_30, %add3A_140 : i32
        %jit3A_142 = arith.constant 10 : i32
        %eq3A_143 = arith.constant 0 : i32
        %eq3A_144 = arith.cmpi eq, %jit3A_142, %eq3A_143 : i32
        %jit3A_145 = arith.constant 1 : i32
        %select_n3A_146 = arith.select %eq3A_144, %jit3A_145, %jit3A_142 : i32
        %rem3A_147 = arith.remsi %add3A_141, %select_n3A_146 : i32
        %ne3A_148 = arith.constant 0 : i32
        %ne3A_149 = arith.cmpi ne, %rem3A_147, %ne3A_148 : i32
        %lt3A_150 = arith.constant 0 : i32
        %lt3A_151 = arith.cmpi slt, %rem3A_147, %lt3A_150 : i32
        %lt3A_152 = arith.constant 0 : i32
        %lt3A_153 = arith.cmpi slt, %select_n3A_146, %lt3A_152 : i32
        %ne3A_154 = arith.xori %lt3A_151, %lt3A_153 : i1
        %and3A_155 = arith.andi %ne3A_154, %ne3A_149 : i1
        %add3A_156 = arith.addi %rem3A_147, %select_n3A_146 : i32
        %select_n3A_157 = arith.select %and3A_155, %add3A_156, %rem3A_147 : i32
        %mul3A_158 = arith.constant 512 : i32
        %mul3A_159 = arith.muli %select_n3A_157, %mul3A_158 : i32
        %add3A_160 = arith.addi %add3A_5, %mul3A_159 : i32
        %dma_start3A_161 = tpu.memref_slice %arg2[%add3A_160] : memref<327680xi32, #tpu.memory_space<hbm>> -> memref<512xi32, #tpu.memory_space<hbm>>
        %dma_start3A_162 = tpu.memref_slice %arg2[%add3A_160] : memref<327680xi32, #tpu.memory_space<hbm>> -> memref<512xi32, #tpu.memory_space<hbm>>
        tpu.enqueue_dma source(%dma_start3A_162 : memref<512xi32, #tpu.memory_space<hbm>>) target(%arg4 : memref<512xi32, #tpu.memory_space<vmem>>) target_semaphore(%arg7 : memref<!tpu.dma_semaphore, #tpu.memory_space<semaphore_mem>>)
        %get3A_163 = arith.constant 0 : index
        %get3A_164 = tpu.vector_load %arg5[%get3A_163] {strides = array<i32>} : memref<512xi32, #tpu.memory_space<vmem>>, vector<16xi32>,
        tpu.vector_store_idx %arg6[%get3A_164], %broadcast_in_dim3A_14 {add = true} : memref<10240xf32, #tpu.memory_space<vmem>>[vector<16xi32>], vector<16xf32>,
        %get3A_165 = arith.constant 16 : index
        %get3A_166 = tpu.vector_load %arg5[%get3A_165] {strides = array<i32>} : memref<512xi32, #tpu.memory_space<vmem>>, vector<16xi32>,
        tpu.vector_store_idx %arg6[%get3A_166], %broadcast_in_dim3A_14 {add = true} : memref<10240xf32, #tpu.memory_space<vmem>>[vector<16xi32>], vector<16xf32>,
        %get3A_167 = arith.constant 32 : index
        %get3A_168 = tpu.vector_load %arg5[%get3A_167] {strides = array<i32>} : memref<512xi32, #tpu.memory_space<vmem>>, vector<16xi32>,
        tpu.vector_store_idx %arg6[%get3A_168], %broadcast_in_dim3A_14 {add = true} : memref<10240xf32, #tpu.memory_space<vmem>>[vector<16xi32>], vector<16xf32>,
        %get3A_169 = arith.constant 48 : index
        %get3A_170 = tpu.vector_load %arg5[%get3A_169] {strides = array<i32>} : memref<512xi32, #tpu.memory_space<vmem>>, vector<16xi32>,
        tpu.vector_store_idx %arg6[%get3A_170], %broadcast_in_dim3A_14 {add = true} : memref<10240xf32, #tpu.memory_space<vmem>>[vector<16xi32>], vector<16xf32>,
        %get3A_171 = arith.constant 64 : index
        %get3A_172 = tpu.vector_load %arg5[%get3A_171] {strides = array<i32>} : memref<512xi32, #tpu.memory_space<vmem>>, vector<16xi32>,
        tpu.vector_store_idx %arg6[%get3A_172], %broadcast_in_dim3A_14 {add = true} : memref<10240xf32, #tpu.memory_space<vmem>>[vector<16xi32>], vector<16xf32>,
        %get3A_173 = arith.constant 80 : index
        %get3A_174 = tpu.vector_load %arg5[%get3A_173] {strides = array<i32>} : memref<512xi32, #tpu.memory_space<vmem>>, vector<16xi32>,
        tpu.vector_store_idx %arg6[%get3A_174], %broadcast_in_dim3A_14 {add = true} : memref<10240xf32, #tpu.memory_space<vmem>>[vector<16xi32>], vector<16xf32>,
        %get3A_175 = arith.constant 96 : index
        %get3A_176 = tpu.vector_load %arg5[%get3A_175] {strides = array<i32>} : memref<512xi32, #tpu.memory_space<vmem>>, vector<16xi32>,
        tpu.vector_store_idx %arg6[%get3A_176], %broadcast_in_dim3A_14 {add = true} : memref<10240xf32, #tpu.memory_space<vmem>>[vector<16xi32>], vector<16xf32>,
        %get3A_177 = arith.constant 112 : index
        %get3A_178 = tpu.vector_load %arg5[%get3A_177] {strides = array<i32>} : memref<512xi32, #tpu.memory_space<vmem>>, vector<16xi32>,
        tpu.vector_store_idx %arg6[%get3A_178], %broadcast_in_dim3A_14 {add = true} : memref<10240xf32, #tpu.memory_space<vmem>>[vector<16xi32>], vector<16xf32>,
        %get3A_179 = arith.constant 128 : index
        %get3A_180 = tpu.vector_load %arg5[%get3A_179] {strides = array<i32>} : memref<512xi32, #tpu.memory_space<vmem>>, vector<16xi32>,
        tpu.vector_store_idx %arg6[%get3A_180], %broadcast_in_dim3A_14 {add = true} : memref<10240xf32, #tpu.memory_space<vmem>>[vector<16xi32>], vector<16xf32>,
        %get3A_181 = arith.constant 144 : index
        %get3A_182 = tpu.vector_load %arg5[%get3A_181] {strides = array<i32>} : memref<512xi32, #tpu.memory_space<vmem>>, vector<16xi32>,
        tpu.vector_store_idx %arg6[%get3A_182], %broadcast_in_dim3A_14 {add = true} : memref<10240xf32, #tpu.memory_space<vmem>>[vector<16xi32>], vector<16xf32>,
        %get3A_183 = arith.constant 160 : index
        %get3A_184 = tpu.vector_load %arg5[%get3A_183] {strides = array<i32>} : memref<512xi32, #tpu.memory_space<vmem>>, vector<16xi32>,
        tpu.vector_store_idx %arg6[%get3A_184], %broadcast_in_dim3A_14 {add = true} : memref<10240xf32, #tpu.memory_space<vmem>>[vector<16xi32>], vector<16xf32>,
        %get3A_185 = arith.constant 176 : index
        %get3A_186 = tpu.vector_load %arg5[%get3A_185] {strides = array<i32>} : memref<512xi32, #tpu.memory_space<vmem>>, vector<16xi32>,
        tpu.vector_store_idx %arg6[%get3A_186], %broadcast_in_dim3A_14 {add = true} : memref<10240xf32, #tpu.memory_space<vmem>>[vector<16xi32>], vector<16xf32>,
        %get3A_187 = arith.constant 192 : index
        %get3A_188 = tpu.vector_load %arg5[%get3A_187] {strides = array<i32>} : memref<512xi32, #tpu.memory_space<vmem>>, vector<16xi32>,
        tpu.vector_store_idx %arg6[%get3A_188], %broadcast_in_dim3A_14 {add = true} : memref<10240xf32, #tpu.memory_space<vmem>>[vector<16xi32>], vector<16xf32>,
        %get3A_189 = arith.constant 208 : index
        %get3A_190 = tpu.vector_load %arg5[%get3A_189] {strides = array<i32>} : memref<512xi32, #tpu.memory_space<vmem>>, vector<16xi32>,
        tpu.vector_store_idx %arg6[%get3A_190], %broadcast_in_dim3A_14 {add = true} : memref<10240xf32, #tpu.memory_space<vmem>>[vector<16xi32>], vector<16xf32>,
        %get3A_191 = arith.constant 224 : index
        %get3A_192 = tpu.vector_load %arg5[%get3A_191] {strides = array<i32>} : memref<512xi32, #tpu.memory_space<vmem>>, vector<16xi32>,
        tpu.vector_store_idx %arg6[%get3A_192], %broadcast_in_dim3A_14 {add = true} : memref<10240xf32, #tpu.memory_space<vmem>>[vector<16xi32>], vector<16xf32>,
        %get3A_193 = arith.constant 240 : index
        %get3A_194 = tpu.vector_load %arg5[%get3A_193] {strides = array<i32>} : memref<512xi32, #tpu.memory_space<vmem>>, vector<16xi32>,
        tpu.vector_store_idx %arg6[%get3A_194], %broadcast_in_dim3A_14 {add = true} : memref<10240xf32, #tpu.memory_space<vmem>>[vector<16xi32>], vector<16xf32>,
        %get3A_195 = arith.constant 256 : index
        %get3A_196 = tpu.vector_load %arg5[%get3A_195] {strides = array<i32>} : memref<512xi32, #tpu.memory_space<vmem>>, vector<16xi32>,
        tpu.vector_store_idx %arg6[%get3A_196], %broadcast_in_dim3A_14 {add = true} : memref<10240xf32, #tpu.memory_space<vmem>>[vector<16xi32>], vector<16xf32>,
        %get3A_197 = arith.constant 272 : index
        %get3A_198 = tpu.vector_load %arg5[%get3A_197] {strides = array<i32>} : memref<512xi32, #tpu.memory_space<vmem>>, vector<16xi32>,
        tpu.vector_store_idx %arg6[%get3A_198], %broadcast_in_dim3A_14 {add = true} : memref<10240xf32, #tpu.memory_space<vmem>>[vector<16xi32>], vector<16xf32>,
        %get3A_199 = arith.constant 288 : index
        %get3A_200 = tpu.vector_load %arg5[%get3A_199] {strides = array<i32>} : memref<512xi32, #tpu.memory_space<vmem>>, vector<16xi32>,
        tpu.vector_store_idx %arg6[%get3A_200], %broadcast_in_dim3A_14 {add = true} : memref<10240xf32, #tpu.memory_space<vmem>>[vector<16xi32>], vector<16xf32>,
        %get3A_201 = arith.constant 304 : index
        %get3A_202 = tpu.vector_load %arg5[%get3A_201] {strides = array<i32>} : memref<512xi32, #tpu.memory_space<vmem>>, vector<16xi32>,
        tpu.vector_store_idx %arg6[%get3A_202], %broadcast_in_dim3A_14 {add = true} : memref<10240xf32, #tpu.memory_space<vmem>>[vector<16xi32>], vector<16xf32>,
        %get3A_203 = arith.constant 320 : index
        %get3A_204 = tpu.vector_load %arg5[%get3A_203] {strides = array<i32>} : memref<512xi32, #tpu.memory_space<vmem>>, vector<16xi32>,
        tpu.vector_store_idx %arg6[%get3A_204], %broadcast_in_dim3A_14 {add = true} : memref<10240xf32, #tpu.memory_space<vmem>>[vector<16xi32>], vector<16xf32>,
        %get3A_205 = arith.constant 336 : index
        %get3A_206 = tpu.vector_load %arg5[%get3A_205] {strides = array<i32>} : memref<512xi32, #tpu.memory_space<vmem>>, vector<16xi32>,
        tpu.vector_store_idx %arg6[%get3A_206], %broadcast_in_dim3A_14 {add = true} : memref<10240xf32, #tpu.memory_space<vmem>>[vector<16xi32>], vector<16xf32>,
        %get3A_207 = arith.constant 352 : index
        %get3A_208 = tpu.vector_load %arg5[%get3A_207] {strides = array<i32>} : memref<512xi32, #tpu.memory_space<vmem>>, vector<16xi32>,
        tpu.vector_store_idx %arg6[%get3A_208], %broadcast_in_dim3A_14 {add = true} : memref<10240xf32, #tpu.memory_space<vmem>>[vector<16xi32>], vector<16xf32>,
        %get3A_209 = arith.constant 368 : index
        %get3A_210 = tpu.vector_load %arg5[%get3A_209] {strides = array<i32>} : memref<512xi32, #tpu.memory_space<vmem>>, vector<16xi32>,
        tpu.vector_store_idx %arg6[%get3A_210], %broadcast_in_dim3A_14 {add = true} : memref<10240xf32, #tpu.memory_space<vmem>>[vector<16xi32>], vector<16xf32>,
        %get3A_211 = arith.constant 384 : index
        %get3A_212 = tpu.vector_load %arg5[%get3A_211] {strides = array<i32>} : memref<512xi32, #tpu.memory_space<vmem>>, vector<16xi32>,
        tpu.vector_store_idx %arg6[%get3A_212], %broadcast_in_dim3A_14 {add = true} : memref<10240xf32, #tpu.memory_space<vmem>>[vector<16xi32>], vector<16xf32>,
        %get3A_213 = arith.constant 400 : index
        %get3A_214 = tpu.vector_load %arg5[%get3A_213] {strides = array<i32>} : memref<512xi32, #tpu.memory_space<vmem>>, vector<16xi32>,
        tpu.vector_store_idx %arg6[%get3A_214], %broadcast_in_dim3A_14 {add = true} : memref<10240xf32, #tpu.memory_space<vmem>>[vector<16xi32>], vector<16xf32>,
        %get3A_215 = arith.constant 416 : index
        %get3A_216 = tpu.vector_load %arg5[%get3A_215] {strides = array<i32>} : memref<512xi32, #tpu.memory_space<vmem>>, vector<16xi32>,
        tpu.vector_store_idx %arg6[%get3A_216], %broadcast_in_dim3A_14 {add = true} : memref<10240xf32, #tpu.memory_space<vmem>>[vector<16xi32>], vector<16xf32>,
        %get3A_217 = arith.constant 432 : index
        %get3A_218 = tpu.vector_load %arg5[%get3A_217] {strides = array<i32>} : memref<512xi32, #tpu.memory_space<vmem>>, vector<16xi32>,
        tpu.vector_store_idx %arg6[%get3A_218], %broadcast_in_dim3A_14 {add = true} : memref<10240xf32, #tpu.memory_space<vmem>>[vector<16xi32>], vector<16xf32>,
        %get3A_219 = arith.constant 448 : index
        %get3A_220 = tpu.vector_load %arg5[%get3A_219] {strides = array<i32>} : memref<512xi32, #tpu.memory_space<vmem>>, vector<16xi32>,
        tpu.vector_store_idx %arg6[%get3A_220], %broadcast_in_dim3A_14 {add = true} : memref<10240xf32, #tpu.memory_space<vmem>>[vector<16xi32>], vector<16xf32>,
        %get3A_221 = arith.constant 464 : index
        %get3A_222 = tpu.vector_load %arg5[%get3A_221] {strides = array<i32>} : memref<512xi32, #tpu.memory_space<vmem>>, vector<16xi32>,
        tpu.vector_store_idx %arg6[%get3A_222], %broadcast_in_dim3A_14 {add = true} : memref<10240xf32, #tpu.memory_space<vmem>>[vector<16xi32>], vector<16xf32>,
        %get3A_223 = arith.constant 480 : index
        %get3A_224 = tpu.vector_load %arg5[%get3A_223] {strides = array<i32>} : memref<512xi32, #tpu.memory_space<vmem>>, vector<16xi32>,
        tpu.vector_store_idx %arg6[%get3A_224], %broadcast_in_dim3A_14 {add = true} : memref<10240xf32, #tpu.memory_space<vmem>>[vector<16xi32>], vector<16xf32>,
        %get3A_225 = arith.constant 496 : index
        %get3A_226 = tpu.vector_load %arg5[%get3A_225] {strides = array<i32>} : memref<512xi32, #tpu.memory_space<vmem>>, vector<16xi32>,
        tpu.vector_store_idx %arg6[%get3A_226], %broadcast_in_dim3A_14 {add = true} : memref<10240xf32, #tpu.memory_space<vmem>>[vector<16xi32>], vector<16xf32>,
      }
      %scan3A_27 = arith.constant 5 : i32
    } else {
    }
    %dma_wait3A = tpu.memref_slice %arg2[%add3A_5] : memref<327680xi32, #tpu.memory_space<hbm>> -> memref<512xi32, #tpu.memory_space<hbm>>
    %dma_wait3A_21 = tpu.memref_slice %arg2[%add3A_5] : memref<327680xi32, #tpu.memory_space<hbm>> -> memref<512xi32, #tpu.memory_space<hbm>>
    tpu.wait_dma2 semaphore(%arg7 : memref<!tpu.dma_semaphore, #tpu.memory_space<semaphore_mem>>) src(%dma_wait3A_21 : memref<512xi32, #tpu.memory_space<hbm>>) dst(%arg4 : memref<512xi32, #tpu.memory_space<vmem>>)
    "tpu.region"() ({
      %run_scoped3A = tpu.sem_alloc : memref<!tpu.dma_semaphore, #tpu.memory_space<semaphore_mem>>
      %dma_start3A_22 = arith.constant 0 : i32
      %dma_start3A_23 = tpu.memref_slice %arg3[%add3A, %dma_start3A_22] : memref<32x10240xf32, #tpu.memory_space<hbm>> -> memref<1x10240xf32, #tpu.memory_space<hbm>>
      %dma_start3A_24 = tpu.memref_squeeze %dma_start3A_23 : memref<1x10240xf32, #tpu.memory_space<hbm>> -> memref<10240xf32, #tpu.memory_space<hbm>>
      %dma_start3A_25 = arith.constant 0 : i32
      %dma_start3A_26 = tpu.memref_slice %arg3[%add3A, %dma_start3A_25] : memref<32x10240xf32, #tpu.memory_space<hbm>> -> memref<1x10240xf32, #tpu.memory_space<hbm>>
      %dma_start3A_27 = tpu.memref_squeeze %dma_start3A_26 : memref<1x10240xf32, #tpu.memory_space<hbm>> -> memref<10240xf32, #tpu.memory_space<hbm>>
      tpu.enqueue_dma source(%arg6 : memref<10240xf32, #tpu.memory_space<vmem>>) target(%dma_start3A_27 : memref<10240xf32, #tpu.memory_space<hbm>>) target_semaphore(%run_scoped3A : memref<!tpu.dma_semaphore, #tpu.memory_space<semaphore_mem>>)
      %dma_wait3A_28 = arith.constant 0 : i32
      %dma_wait3A_29 = tpu.memref_slice %arg3[%add3A, %dma_wait3A_28] : memref<32x10240xf32, #tpu.memory_space<hbm>> -> memref<1x10240xf32, #tpu.memory_space<hbm>>
      %dma_wait3A_30 = tpu.memref_squeeze %dma_wait3A_29 : memref<1x10240xf32, #tpu.memory_space<hbm>> -> memref<10240xf32, #tpu.memory_space<hbm>>
      %dma_wait3A_31 = arith.constant 0 : i32
      %dma_wait3A_32 = tpu.memref_slice %arg3[%add3A, %dma_wait3A_31] : memref<32x10240xf32, #tpu.memory_space<hbm>> -> memref<1x10240xf32, #tpu.memory_space<hbm>>
      %dma_wait3A_33 = tpu.memref_squeeze %dma_wait3A_32 : memref<1x10240xf32, #tpu.memory_space<hbm>> -> memref<10240xf32, #tpu.memory_space<hbm>>
      tpu.wait_dma2 semaphore(%run_scoped3A : memref<!tpu.dma_semaphore, #tpu.memory_space<semaphore_mem>>) src(%arg6 : memref<10240xf32, #tpu.memory_space<vmem>>) dst(%dma_wait3A_33 : memref<10240xf32, #tpu.memory_space<hbm>>)
      tpu.yield
    }) : () -> ()
    return
  }
}

#map = affine_map<(d0, d1) -> (0, 0)>
#map1 = affine_map<(d0, d1) -> (0)>
#map2 = affine_map<(d0, d1) -> (0, 0, 0)>
module attributes {stable_mosaic.version = 14 : i64} {
  func.func @_agg_kernel(%arg0: i32, %arg1: i32, %arg2: memref<10240x128xf32, #tpu.memory_space<hbm>>, %arg3: memref<327680xi32, #tpu.memory_space<hbm>>, %arg4: memref<327680xi32, #tpu.memory_space<hbm>>, %arg5: memref<640x128xf32, #tpu.memory_space<hbm>>, %arg6: memref<2x10240x128xf32, #tpu.memory_space<hbm>>, %arg7: memref<32x10240xf32, #tpu.memory_space<hbm>>, %arg8: memref<128xi32, #tpu.memory_space<vmem>>, %arg9: memref<128xi32, #tpu.memory_space<vmem>>, %arg10: memref<128xi32, #tpu.memory_space<vmem>>, %arg11: memref<128xi32, #tpu.memory_space<vmem>>, %arg12: memref<128x128xf32, #tpu.memory_space<vmem>>, %arg13: memref<128x128xf32, #tpu.memory_space<vmem>>, %arg14: memref<10240xf32, #tpu.memory_space<vmem>>, %arg15: memref<10240x128xf32, #tpu.memory_space<vmem_shared>>, %arg16: memref<!tpu.dma_semaphore, #tpu.memory_space<semaphore_mem>>, %arg17: memref<!tpu.dma_semaphore, #tpu.memory_space<semaphore_mem>>, %arg18: memref<!tpu.dma_semaphore, #tpu.memory_space<semaphore_mem>>, %arg19: memref<!tpu.dma_semaphore, #tpu.memory_space<semaphore_mem>>) attributes {dimension_semantics = [#tpu.dimension_semantics<core_parallel>, #tpu.dimension_semantics<subcore_parallel>], iteration_bounds = array<i64: 2, 16>, scalar_prefetch = 0 : i64, scratch_operands = 12 : i64, tpu.core_type = #tpu.core_type<sc_vector_subcore>, window_params = [{transform_indices = #map}, {transform_indices = #map1}, {transform_indices = #map1}, {transform_indices = #map}, {transform_indices = #map2}, {transform_indices = #map}]} {
    %mul3A = arith.constant 2 : i32
    %mul3A_0 = arith.muli %arg1, %mul3A : i32
    %add3A = arith.addi %mul3A_0, %arg0 : i32
    %mul3A_1 = arith.constant 20480 : i32
    %mul3A_2 = arith.muli %arg1, %mul3A_1 : i32
    %mul3A_3 = arith.constant 15360 : i32
    %mul3A_4 = arith.muli %arg0, %mul3A_3 : i32
    %add3A_5 = arith.addi %mul3A_2, %mul3A_4 : i32
    "tpu.region"() ({
      %run_scoped3A = tpu.sem_alloc : memref<!tpu.dma_semaphore, #tpu.memory_space<semaphore_mem>>
      %dma_start3A_39 = tpu.memref_slice %arg3[%add3A_5] : memref<327680xi32, #tpu.memory_space<hbm>> -> memref<128xi32, #tpu.memory_space<hbm>>
      %dma_start3A_40 = tpu.memref_slice %arg3[%add3A_5] : memref<327680xi32, #tpu.memory_space<hbm>> -> memref<128xi32, #tpu.memory_space<hbm>>
      tpu.enqueue_dma source(%dma_start3A_40 : memref<128xi32, #tpu.memory_space<hbm>>) target(%arg8 : memref<128xi32, #tpu.memory_space<vmem>>) target_semaphore(%run_scoped3A : memref<!tpu.dma_semaphore, #tpu.memory_space<semaphore_mem>>)
      %dma_wait3A_41 = tpu.memref_slice %arg3[%add3A_5] : memref<327680xi32, #tpu.memory_space<hbm>> -> memref<128xi32, #tpu.memory_space<hbm>>
      %dma_wait3A_42 = tpu.memref_slice %arg3[%add3A_5] : memref<327680xi32, #tpu.memory_space<hbm>> -> memref<128xi32, #tpu.memory_space<hbm>>
      tpu.wait_dma2 semaphore(%run_scoped3A : memref<!tpu.dma_semaphore, #tpu.memory_space<semaphore_mem>>) src(%dma_wait3A_42 : memref<128xi32, #tpu.memory_space<hbm>>) dst(%arg8 : memref<128xi32, #tpu.memory_space<vmem>>)
      tpu.yield
    }) : () -> ()
    %dma_start3A = arith.constant 0 : i32
    %dma_start3A_6 = arith.constant 0 : i32
    %dma_start3A_7 = tpu.memref_slice %arg2[%dma_start3A, %dma_start3A_6] : memref<10240x128xf32, #tpu.memory_space<hbm>> -> memref<10240x128xf32, #tpu.memory_space<hbm>>
    tpu.enqueue_indirect_dma source(%dma_start3A_7 : memref<10240x128xf32, #tpu.memory_space<hbm>>) target(%arg12 : memref<128x128xf32, #tpu.memory_space<vmem>>) offsets(%arg8 : memref<128xi32, #tpu.memory_space<vmem>>) semaphore(%arg16 : memref<!tpu.dma_semaphore, #tpu.memory_space<semaphore_mem>>)
    %add3A_8 = arith.constant 128 : i32
    %add3A_9 = arith.addi %add3A_5, %add3A_8 : i32
    "tpu.region"() ({
      %run_scoped3A = tpu.sem_alloc : memref<!tpu.dma_semaphore, #tpu.memory_space<semaphore_mem>>
      %dma_start3A_39 = tpu.memref_slice %arg3[%add3A_9] : memref<327680xi32, #tpu.memory_space<hbm>> -> memref<128xi32, #tpu.memory_space<hbm>>
      %dma_start3A_40 = tpu.memref_slice %arg3[%add3A_9] : memref<327680xi32, #tpu.memory_space<hbm>> -> memref<128xi32, #tpu.memory_space<hbm>>
      tpu.enqueue_dma source(%dma_start3A_40 : memref<128xi32, #tpu.memory_space<hbm>>) target(%arg9 : memref<128xi32, #tpu.memory_space<vmem>>) target_semaphore(%run_scoped3A : memref<!tpu.dma_semaphore, #tpu.memory_space<semaphore_mem>>)
      %dma_wait3A_41 = tpu.memref_slice %arg3[%add3A_9] : memref<327680xi32, #tpu.memory_space<hbm>> -> memref<128xi32, #tpu.memory_space<hbm>>
      %dma_wait3A_42 = tpu.memref_slice %arg3[%add3A_9] : memref<327680xi32, #tpu.memory_space<hbm>> -> memref<128xi32, #tpu.memory_space<hbm>>
      tpu.wait_dma2 semaphore(%run_scoped3A : memref<!tpu.dma_semaphore, #tpu.memory_space<semaphore_mem>>) src(%dma_wait3A_42 : memref<128xi32, #tpu.memory_space<hbm>>) dst(%arg9 : memref<128xi32, #tpu.memory_space<vmem>>)
      tpu.yield
    }) : () -> ()
    %dma_start3A_10 = arith.constant 0 : i32
    %dma_start3A_11 = arith.constant 0 : i32
    %dma_start3A_12 = tpu.memref_slice %arg2[%dma_start3A_10, %dma_start3A_11] : memref<10240x128xf32, #tpu.memory_space<hbm>> -> memref<10240x128xf32, #tpu.memory_space<hbm>>
    tpu.enqueue_indirect_dma source(%dma_start3A_12 : memref<10240x128xf32, #tpu.memory_space<hbm>>) target(%arg13 : memref<128x128xf32, #tpu.memory_space<vmem>>) offsets(%arg9 : memref<128xi32, #tpu.memory_space<vmem>>) semaphore(%arg17 : memref<!tpu.dma_semaphore, #tpu.memory_space<semaphore_mem>>)
    %broadcast_in_dim3A = arith.constant 0.000000e+00 : f32
    %broadcast_in_dim3A_13 = vector.broadcast %broadcast_in_dim3A : f32 to vector<16xf32>
    %scan3A = arith.constant 0 : i32
    %scan3A_14 = arith.constant 0 : i32
    %scan3A_15 = arith.constant 160 : i32
    %scan3A_16 = arith.addi %scan3A_14, %scan3A_15 : i32
    %scan3A_17 = arith.constant 1 : i32
    scf.for %scan3A_39 = %scan3A_14 to %scan3A_16 step %scan3A_17  : i32 {
      %mul3A_40 = arith.constant 64 : i32
      %mul3A_41 = arith.muli %scan3A_39, %mul3A_40 : i32
      %swap3A = arith.index_cast %mul3A_41 : i32 to index
      %swap3A_42 = tpu.vector_load %arg14[%swap3A] {strides = array<i32>} : memref<10240xf32, #tpu.memory_space<vmem>>, vector<16xf32>,
      tpu.vector_store %arg14[%swap3A], %broadcast_in_dim3A_13 {strides = array<i32>} : memref<10240xf32, #tpu.memory_space<vmem>>, vector<16xf32>,
      %mul3A_43 = arith.constant 64 : i32
      %mul3A_44 = arith.muli %scan3A_39, %mul3A_43 : i32
      %add3A_45 = arith.constant 16 : i32
      %add3A_46 = arith.addi %mul3A_44, %add3A_45 : i32
      %swap3A_47 = arith.index_cast %add3A_46 : i32 to index
      %swap3A_48 = tpu.vector_load %arg14[%swap3A_47] {strides = array<i32>} : memref<10240xf32, #tpu.memory_space<vmem>>, vector<16xf32>,
      tpu.vector_store %arg14[%swap3A_47], %broadcast_in_dim3A_13 {strides = array<i32>} : memref<10240xf32, #tpu.memory_space<vmem>>, vector<16xf32>,
      %mul3A_49 = arith.constant 64 : i32
      %mul3A_50 = arith.muli %scan3A_39, %mul3A_49 : i32
      %add3A_51 = arith.constant 32 : i32
      %add3A_52 = arith.addi %mul3A_50, %add3A_51 : i32
      %swap3A_53 = arith.index_cast %add3A_52 : i32 to index
      %swap3A_54 = tpu.vector_load %arg14[%swap3A_53] {strides = array<i32>} : memref<10240xf32, #tpu.memory_space<vmem>>, vector<16xf32>,
      tpu.vector_store %arg14[%swap3A_53], %broadcast_in_dim3A_13 {strides = array<i32>} : memref<10240xf32, #tpu.memory_space<vmem>>, vector<16xf32>,
      %mul3A_55 = arith.constant 64 : i32
      %mul3A_56 = arith.muli %scan3A_39, %mul3A_55 : i32
      %add3A_57 = arith.constant 48 : i32
      %add3A_58 = arith.addi %mul3A_56, %add3A_57 : i32
      %swap3A_59 = arith.index_cast %add3A_58 : i32 to index
      %swap3A_60 = tpu.vector_load %arg14[%swap3A_59] {strides = array<i32>} : memref<10240xf32, #tpu.memory_space<vmem>>, vector<16xf32>,
      tpu.vector_store %arg14[%swap3A_59], %broadcast_in_dim3A_13 {strides = array<i32>} : memref<10240xf32, #tpu.memory_space<vmem>>, vector<16xf32>,
    }
    %scan3A_18 = arith.constant 160 : i32
    %mul3A_19 = arith.constant 640 : i32
    %mul3A_20 = arith.muli %arg1, %mul3A_19 : i32
    "tpu.region"() ({
      %run_scoped3A = tpu.sem_alloc : memref<!tpu.dma_semaphore, #tpu.memory_space<semaphore_mem>>
      %dma_start3A_39 = arith.constant 0 : i32
      %dma_start3A_40 = tpu.memref_slice %arg15[%mul3A_20, %dma_start3A_39] : memref<10240x128xf32, #tpu.memory_space<vmem_shared>> -> memref<640x128xf32, #tpu.memory_space<vmem_shared>>
      tpu.enqueue_dma source(%arg5 : memref<640x128xf32, #tpu.memory_space<hbm>>) target(%dma_start3A_40 : memref<640x128xf32, #tpu.memory_space<vmem_shared>>) target_semaphore(%run_scoped3A : memref<!tpu.dma_semaphore, #tpu.memory_space<semaphore_mem>>)
      %dma_wait3A_41 = arith.constant 0 : i32
      %dma_wait3A_42 = tpu.memref_slice %arg15[%mul3A_20, %dma_wait3A_41] : memref<10240x128xf32, #tpu.memory_space<vmem_shared>> -> memref<640x128xf32, #tpu.memory_space<vmem_shared>>
      tpu.wait_dma2 semaphore(%run_scoped3A : memref<!tpu.dma_semaphore, #tpu.memory_space<semaphore_mem>>) src(%arg5 : memref<640x128xf32, #tpu.memory_space<hbm>>) dst(%dma_wait3A_42 : memref<640x128xf32, #tpu.memory_space<vmem_shared>>)
      tpu.yield
    }) : () -> ()
    %barrier3A = arith.constant 0 : index
    tpu.barrier barrier_id(%barrier3A)
    %broadcast_in_dim3A_21 = arith.constant 1.000000e+00 : f32
    %broadcast_in_dim3A_22 = vector.broadcast %broadcast_in_dim3A_21 : f32 to vector<16xf32>
    %eq3A = arith.constant 0 : i32
    %eq3A_23 = arith.cmpi eq, %arg0, %eq3A : i32
    %convert_element_type3A = arith.extui %eq3A_23 : i1 to i32
    %cond3A = arith.constant 0 : i32
    %cond3A_24 = arith.cmpi ne, %convert_element_type3A, %cond3A : i32
    scf.if %cond3A_24 {
      %dma_wait3A_39 = arith.constant 0 : i32
      %dma_wait3A_40 = arith.constant 0 : i32
      %dma_wait3A_41 = tpu.memref_slice %arg2[%dma_wait3A_39, %dma_wait3A_40] : memref<10240x128xf32, #tpu.memory_space<hbm>> -> memref<10240x128xf32, #tpu.memory_space<hbm>>
      tpu.wait_indirect_dma semaphore(%arg16 : memref<!tpu.dma_semaphore, #tpu.memory_space<semaphore_mem>>) src(%dma_wait3A_41 : memref<10240x128xf32, #tpu.memory_space<hbm>>) dst(%arg12 : memref<128x128xf32, #tpu.memory_space<vmem>>)
      %add3A_42 = arith.constant 0 : i32
      %add3A_43 = arith.addi %add3A_5, %add3A_42 : i32
      "tpu.region"() ({
        %run_scoped3A = tpu.sem_alloc : memref<!tpu.dma_semaphore, #tpu.memory_space<semaphore_mem>>
        %dma_start3A_108 = tpu.memref_slice %arg4[%add3A_43] : memref<327680xi32, #tpu.memory_space<hbm>> -> memref<128xi32, #tpu.memory_space<hbm>>
        %dma_start3A_109 = tpu.memref_slice %arg4[%add3A_43] : memref<327680xi32, #tpu.memory_space<hbm>> -> memref<128xi32, #tpu.memory_space<hbm>>
        tpu.enqueue_dma source(%dma_start3A_109 : memref<128xi32, #tpu.memory_space<hbm>>) target(%arg10 : memref<128xi32, #tpu.memory_space<vmem>>) target_semaphore(%run_scoped3A : memref<!tpu.dma_semaphore, #tpu.memory_space<semaphore_mem>>)
        %dma_wait3A_110 = tpu.memref_slice %arg4[%add3A_43] : memref<327680xi32, #tpu.memory_space<hbm>> -> memref<128xi32, #tpu.memory_space<hbm>>
        %dma_wait3A_111 = tpu.memref_slice %arg4[%add3A_43] : memref<327680xi32, #tpu.memory_space<hbm>> -> memref<128xi32, #tpu.memory_space<hbm>>
        tpu.wait_dma2 semaphore(%run_scoped3A : memref<!tpu.dma_semaphore, #tpu.memory_space<semaphore_mem>>) src(%dma_wait3A_111 : memref<128xi32, #tpu.memory_space<hbm>>) dst(%arg10 : memref<128xi32, #tpu.memory_space<vmem>>)
        tpu.yield
      }) : () -> ()
      %get3A = arith.constant 0 : index
      %get3A_44 = tpu.vector_load %arg10[%get3A] {strides = array<i32>} : memref<128xi32, #tpu.memory_space<vmem>>, vector<16xi32>,
      tpu.vector_store_idx %arg14[%get3A_44], %broadcast_in_dim3A_22 {add = true} : memref<10240xf32, #tpu.memory_space<vmem>>[vector<16xi32>], vector<16xf32>,
      %get3A_45 = arith.constant 16 : index
      %get3A_46 = tpu.vector_load %arg10[%get3A_45] {strides = array<i32>} : memref<128xi32, #tpu.memory_space<vmem>>, vector<16xi32>,
      tpu.vector_store_idx %arg14[%get3A_46], %broadcast_in_dim3A_22 {add = true} : memref<10240xf32, #tpu.memory_space<vmem>>[vector<16xi32>], vector<16xf32>,
      %get3A_47 = arith.constant 32 : index
      %get3A_48 = tpu.vector_load %arg10[%get3A_47] {strides = array<i32>} : memref<128xi32, #tpu.memory_space<vmem>>, vector<16xi32>,
      tpu.vector_store_idx %arg14[%get3A_48], %broadcast_in_dim3A_22 {add = true} : memref<10240xf32, #tpu.memory_space<vmem>>[vector<16xi32>], vector<16xf32>,
      %get3A_49 = arith.constant 48 : index
      %get3A_50 = tpu.vector_load %arg10[%get3A_49] {strides = array<i32>} : memref<128xi32, #tpu.memory_space<vmem>>, vector<16xi32>,
      tpu.vector_store_idx %arg14[%get3A_50], %broadcast_in_dim3A_22 {add = true} : memref<10240xf32, #tpu.memory_space<vmem>>[vector<16xi32>], vector<16xf32>,
      %get3A_51 = arith.constant 64 : index
      %get3A_52 = tpu.vector_load %arg10[%get3A_51] {strides = array<i32>} : memref<128xi32, #tpu.memory_space<vmem>>, vector<16xi32>,
      tpu.vector_store_idx %arg14[%get3A_52], %broadcast_in_dim3A_22 {add = true} : memref<10240xf32, #tpu.memory_space<vmem>>[vector<16xi32>], vector<16xf32>,
      %get3A_53 = arith.constant 80 : index
      %get3A_54 = tpu.vector_load %arg10[%get3A_53] {strides = array<i32>} : memref<128xi32, #tpu.memory_space<vmem>>, vector<16xi32>,
      tpu.vector_store_idx %arg14[%get3A_54], %broadcast_in_dim3A_22 {add = true} : memref<10240xf32, #tpu.memory_space<vmem>>[vector<16xi32>], vector<16xf32>,
      %get3A_55 = arith.constant 96 : index
      %get3A_56 = tpu.vector_load %arg10[%get3A_55] {strides = array<i32>} : memref<128xi32, #tpu.memory_space<vmem>>, vector<16xi32>,
      tpu.vector_store_idx %arg14[%get3A_56], %broadcast_in_dim3A_22 {add = true} : memref<10240xf32, #tpu.memory_space<vmem>>[vector<16xi32>], vector<16xf32>,
      %get3A_57 = arith.constant 112 : index
      %get3A_58 = tpu.vector_load %arg10[%get3A_57] {strides = array<i32>} : memref<128xi32, #tpu.memory_space<vmem>>, vector<16xi32>,
      tpu.vector_store_idx %arg14[%get3A_58], %broadcast_in_dim3A_22 {add = true} : memref<10240xf32, #tpu.memory_space<vmem>>[vector<16xi32>], vector<16xf32>,
      %dma_start3A_59 = arith.constant 0 : i32
      %dma_start3A_60 = arith.constant 0 : i32
      %dma_start3A_61 = tpu.memref_slice %arg15[%dma_start3A_59, %dma_start3A_60] : memref<10240x128xf32, #tpu.memory_space<vmem_shared>> -> memref<10240x128xf32, #tpu.memory_space<vmem_shared>>
      tpu.enqueue_indirect_dma source(%arg12 : memref<128x128xf32, #tpu.memory_space<vmem>>) target(%dma_start3A_61 : memref<10240x128xf32, #tpu.memory_space<vmem_shared>>) offsets(%arg10 : memref<128xi32, #tpu.memory_space<vmem>>) semaphore(%arg18 : memref<!tpu.dma_semaphore, #tpu.memory_space<semaphore_mem>>) {add = true}
      %add3A_62 = arith.constant 256 : i32
      %add3A_63 = arith.addi %add3A_5, %add3A_62 : i32
      "tpu.region"() ({
        %run_scoped3A = tpu.sem_alloc : memref<!tpu.dma_semaphore, #tpu.memory_space<semaphore_mem>>
        %dma_start3A_108 = tpu.memref_slice %arg3[%add3A_63] : memref<327680xi32, #tpu.memory_space<hbm>> -> memref<128xi32, #tpu.memory_space<hbm>>
        %dma_start3A_109 = tpu.memref_slice %arg3[%add3A_63] : memref<327680xi32, #tpu.memory_space<hbm>> -> memref<128xi32, #tpu.memory_space<hbm>>
        tpu.enqueue_dma source(%dma_start3A_109 : memref<128xi32, #tpu.memory_space<hbm>>) target(%arg8 : memref<128xi32, #tpu.memory_space<vmem>>) target_semaphore(%run_scoped3A : memref<!tpu.dma_semaphore, #tpu.memory_space<semaphore_mem>>)
        %dma_wait3A_110 = tpu.memref_slice %arg3[%add3A_63] : memref<327680xi32, #tpu.memory_space<hbm>> -> memref<128xi32, #tpu.memory_space<hbm>>
        %dma_wait3A_111 = tpu.memref_slice %arg3[%add3A_63] : memref<327680xi32, #tpu.memory_space<hbm>> -> memref<128xi32, #tpu.memory_space<hbm>>
        tpu.wait_dma2 semaphore(%run_scoped3A : memref<!tpu.dma_semaphore, #tpu.memory_space<semaphore_mem>>) src(%dma_wait3A_111 : memref<128xi32, #tpu.memory_space<hbm>>) dst(%arg8 : memref<128xi32, #tpu.memory_space<vmem>>)
        tpu.yield
      }) : () -> ()
      %dma_wait3A_64 = arith.constant 0 : i32
      %dma_wait3A_65 = arith.constant 0 : i32
      %dma_wait3A_66 = tpu.memref_slice %arg15[%dma_wait3A_64, %dma_wait3A_65] : memref<10240x128xf32, #tpu.memory_space<vmem_shared>> -> memref<10240x128xf32, #tpu.memory_space<vmem_shared>>
      tpu.wait_indirect_dma semaphore(%arg18 : memref<!tpu.dma_semaphore, #tpu.memory_space<semaphore_mem>>) src(%arg12 : memref<128x128xf32, #tpu.memory_space<vmem>>) dst(%dma_wait3A_66 : memref<10240x128xf32, #tpu.memory_space<vmem_shared>>)
      %dma_start3A_67 = arith.constant 0 : i32
      %dma_start3A_68 = arith.constant 0 : i32
      %dma_start3A_69 = tpu.memref_slice %arg2[%dma_start3A_67, %dma_start3A_68] : memref<10240x128xf32, #tpu.memory_space<hbm>> -> memref<10240x128xf32, #tpu.memory_space<hbm>>
      tpu.enqueue_indirect_dma source(%dma_start3A_69 : memref<10240x128xf32, #tpu.memory_space<hbm>>) target(%arg12 : memref<128x128xf32, #tpu.memory_space<vmem>>) offsets(%arg8 : memref<128xi32, #tpu.memory_space<vmem>>) semaphore(%arg16 : memref<!tpu.dma_semaphore, #tpu.memory_space<semaphore_mem>>)
      %dma_wait3A_70 = arith.constant 0 : i32
      %dma_wait3A_71 = arith.constant 0 : i32
      %dma_wait3A_72 = tpu.memref_slice %arg2[%dma_wait3A_70, %dma_wait3A_71] : memref<10240x128xf32, #tpu.memory_space<hbm>> -> memref<10240x128xf32, #tpu.memory_space<hbm>>
      tpu.wait_indirect_dma semaphore(%arg17 : memref<!tpu.dma_semaphore, #tpu.memory_space<semaphore_mem>>) src(%dma_wait3A_72 : memref<10240x128xf32, #tpu.memory_space<hbm>>) dst(%arg13 : memref<128x128xf32, #tpu.memory_space<vmem>>)
      %add3A_73 = arith.constant 128 : i32
      %add3A_74 = arith.addi %add3A_5, %add3A_73 : i32
      "tpu.region"() ({
        %run_scoped3A = tpu.sem_alloc : memref<!tpu.dma_semaphore, #tpu.memory_space<semaphore_mem>>
        %dma_start3A_108 = tpu.memref_slice %arg4[%add3A_74] : memref<327680xi32, #tpu.memory_space<hbm>> -> memref<128xi32, #tpu.memory_space<hbm>>
        %dma_start3A_109 = tpu.memref_slice %arg4[%add3A_74] : memref<327680xi32, #tpu.memory_space<hbm>> -> memref<128xi32, #tpu.memory_space<hbm>>
        tpu.enqueue_dma source(%dma_start3A_109 : memref<128xi32, #tpu.memory_space<hbm>>) target(%arg11 : memref<128xi32, #tpu.memory_space<vmem>>) target_semaphore(%run_scoped3A : memref<!tpu.dma_semaphore, #tpu.memory_space<semaphore_mem>>)
        %dma_wait3A_110 = tpu.memref_slice %arg4[%add3A_74] : memref<327680xi32, #tpu.memory_space<hbm>> -> memref<128xi32, #tpu.memory_space<hbm>>
        %dma_wait3A_111 = tpu.memref_slice %arg4[%add3A_74] : memref<327680xi32, #tpu.memory_space<hbm>> -> memref<128xi32, #tpu.memory_space<hbm>>
        tpu.wait_dma2 semaphore(%run_scoped3A : memref<!tpu.dma_semaphore, #tpu.memory_space<semaphore_mem>>) src(%dma_wait3A_111 : memref<128xi32, #tpu.memory_space<hbm>>) dst(%arg11 : memref<128xi32, #tpu.memory_space<vmem>>)
        tpu.yield
      }) : () -> ()
      %get3A_75 = arith.constant 0 : index
      %get3A_76 = tpu.vector_load %arg11[%get3A_75] {strides = array<i32>} : memref<128xi32, #tpu.memory_space<vmem>>, vector<16xi32>,
      tpu.vector_store_idx %arg14[%get3A_76], %broadcast_in_dim3A_22 {add = true} : memref<10240xf32, #tpu.memory_space<vmem>>[vector<16xi32>], vector<16xf32>,
      %get3A_77 = arith.constant 16 : index
      %get3A_78 = tpu.vector_load %arg11[%get3A_77] {strides = array<i32>} : memref<128xi32, #tpu.memory_space<vmem>>, vector<16xi32>,
      tpu.vector_store_idx %arg14[%get3A_78], %broadcast_in_dim3A_22 {add = true} : memref<10240xf32, #tpu.memory_space<vmem>>[vector<16xi32>], vector<16xf32>,
      %get3A_79 = arith.constant 32 : index
      %get3A_80 = tpu.vector_load %arg11[%get3A_79] {strides = array<i32>} : memref<128xi32, #tpu.memory_space<vmem>>, vector<16xi32>,
      tpu.vector_store_idx %arg14[%get3A_80], %broadcast_in_dim3A_22 {add = true} : memref<10240xf32, #tpu.memory_space<vmem>>[vector<16xi32>], vector<16xf32>,
      %get3A_81 = arith.constant 48 : index
      %get3A_82 = tpu.vector_load %arg11[%get3A_81] {strides = array<i32>} : memref<128xi32, #tpu.memory_space<vmem>>, vector<16xi32>,
      tpu.vector_store_idx %arg14[%get3A_82], %broadcast_in_dim3A_22 {add = true} : memref<10240xf32, #tpu.memory_space<vmem>>[vector<16xi32>], vector<16xf32>,
      %get3A_83 = arith.constant 64 : index
      %get3A_84 = tpu.vector_load %arg11[%get3A_83] {strides = array<i32>} : memref<128xi32, #tpu.memory_space<vmem>>, vector<16xi32>,
      tpu.vector_store_idx %arg14[%get3A_84], %broadcast_in_dim3A_22 {add = true} : memref<10240xf32, #tpu.memory_space<vmem>>[vector<16xi32>], vector<16xf32>,
      %get3A_85 = arith.constant 80 : index
      %get3A_86 = tpu.vector_load %arg11[%get3A_85] {strides = array<i32>} : memref<128xi32, #tpu.memory_space<vmem>>, vector<16xi32>,
      tpu.vector_store_idx %arg14[%get3A_86], %broadcast_in_dim3A_22 {add = true} : memref<10240xf32, #tpu.memory_space<vmem>>[vector<16xi32>], vector<16xf32>,
      %get3A_87 = arith.constant 96 : index
      %get3A_88 = tpu.vector_load %arg11[%get3A_87] {strides = array<i32>} : memref<128xi32, #tpu.memory_space<vmem>>, vector<16xi32>,
      tpu.vector_store_idx %arg14[%get3A_88], %broadcast_in_dim3A_22 {add = true} : memref<10240xf32, #tpu.memory_space<vmem>>[vector<16xi32>], vector<16xf32>,
      %get3A_89 = arith.constant 112 : index
      %get3A_90 = tpu.vector_load %arg11[%get3A_89] {strides = array<i32>} : memref<128xi32, #tpu.memory_space<vmem>>, vector<16xi32>,
      tpu.vector_store_idx %arg14[%get3A_90], %broadcast_in_dim3A_22 {add = true} : memref<10240xf32, #tpu.memory_space<vmem>>[vector<16xi32>], vector<16xf32>,
      %dma_start3A_91 = arith.constant 0 : i32
      %dma_start3A_92 = arith.constant 0 : i32
      %dma_start3A_93 = tpu.memref_slice %arg15[%dma_start3A_91, %dma_start3A_92] : memref<10240x128xf32, #tpu.memory_space<vmem_shared>> -> memref<10240x128xf32, #tpu.memory_space<vmem_shared>>
      tpu.enqueue_indirect_dma source(%arg13 : memref<128x128xf32, #tpu.memory_space<vmem>>) target(%dma_start3A_93 : memref<10240x128xf32, #tpu.memory_space<vmem_shared>>) offsets(%arg11 : memref<128xi32, #tpu.memory_space<vmem>>) semaphore(%arg19 : memref<!tpu.dma_semaphore, #tpu.memory_space<semaphore_mem>>) {add = true}
      %add3A_94 = arith.constant 384 : i32
      %add3A_95 = arith.addi %add3A_5, %add3A_94 : i32
      "tpu.region"() ({
        %run_scoped3A = tpu.sem_alloc : memref<!tpu.dma_semaphore, #tpu.memory_space<semaphore_mem>>
        %dma_start3A_108 = tpu.memref_slice %arg3[%add3A_95] : memref<327680xi32, #tpu.memory_space<hbm>> -> memref<128xi32, #tpu.memory_space<hbm>>
        %dma_start3A_109 = tpu.memref_slice %arg3[%add3A_95] : memref<327680xi32, #tpu.memory_space<hbm>> -> memref<128xi32, #tpu.memory_space<hbm>>
        tpu.enqueue_dma source(%dma_start3A_109 : memref<128xi32, #tpu.memory_space<hbm>>) target(%arg9 : memref<128xi32, #tpu.memory_space<vmem>>) target_semaphore(%run_scoped3A : memref<!tpu.dma_semaphore, #tpu.memory_space<semaphore_mem>>)
        %dma_wait3A_110 = tpu.memref_slice %arg3[%add3A_95] : memref<327680xi32, #tpu.memory_space<hbm>> -> memref<128xi32, #tpu.memory_space<hbm>>
        %dma_wait3A_111 = tpu.memref_slice %arg3[%add3A_95] : memref<327680xi32, #tpu.memory_space<hbm>> -> memref<128xi32, #tpu.memory_space<hbm>>
        tpu.wait_dma2 semaphore(%run_scoped3A : memref<!tpu.dma_semaphore, #tpu.memory_space<semaphore_mem>>) src(%dma_wait3A_111 : memref<128xi32, #tpu.memory_space<hbm>>) dst(%arg9 : memref<128xi32, #tpu.memory_space<vmem>>)
        tpu.yield
      }) : () -> ()
      %dma_wait3A_96 = arith.constant 0 : i32
      %dma_wait3A_97 = arith.constant 0 : i32
      %dma_wait3A_98 = tpu.memref_slice %arg15[%dma_wait3A_96, %dma_wait3A_97] : memref<10240x128xf32, #tpu.memory_space<vmem_shared>> -> memref<10240x128xf32, #tpu.memory_space<vmem_shared>>
      tpu.wait_indirect_dma semaphore(%arg19 : memref<!tpu.dma_semaphore, #tpu.memory_space<semaphore_mem>>) src(%arg13 : memref<128x128xf32, #tpu.memory_space<vmem>>) dst(%dma_wait3A_98 : memref<10240x128xf32, #tpu.memory_space<vmem_shared>>)
      %dma_start3A_99 = arith.constant 0 : i32
      %dma_start3A_100 = arith.constant 0 : i32
      %dma_start3A_101 = tpu.memref_slice %arg2[%dma_start3A_99, %dma_start3A_100] : memref<10240x128xf32, #tpu.memory_space<hbm>> -> memref<10240x128xf32, #tpu.memory_space<hbm>>
      tpu.enqueue_indirect_dma source(%dma_start3A_101 : memref<10240x128xf32, #tpu.memory_space<hbm>>) target(%arg13 : memref<128x128xf32, #tpu.memory_space<vmem>>) offsets(%arg9 : memref<128xi32, #tpu.memory_space<vmem>>) semaphore(%arg17 : memref<!tpu.dma_semaphore, #tpu.memory_space<semaphore_mem>>)
      %scan3A_102 = arith.constant 0 : i32
      %scan3A_103 = arith.constant 0 : i32
      %scan3A_104 = arith.constant 59 : i32
      %scan3A_105 = arith.addi %scan3A_103, %scan3A_104 : i32
      %scan3A_106 = arith.constant 1 : i32
      scf.for %scan3A_108 = %scan3A_103 to %scan3A_105 step %scan3A_106  : i32 {
        %mul3A_109 = arith.constant 2 : i32
        %mul3A_110 = arith.muli %mul3A_109, %scan3A_108 : i32
        %add3A_111 = arith.constant 2 : i32
        %add3A_112 = arith.addi %mul3A_110, %add3A_111 : i32
        %dma_wait3A_113 = arith.constant 0 : i32
        %dma_wait3A_114 = arith.constant 0 : i32
        %dma_wait3A_115 = tpu.memref_slice %arg2[%dma_wait3A_113, %dma_wait3A_114] : memref<10240x128xf32, #tpu.memory_space<hbm>> -> memref<10240x128xf32, #tpu.memory_space<hbm>>
        tpu.wait_indirect_dma semaphore(%arg16 : memref<!tpu.dma_semaphore, #tpu.memory_space<semaphore_mem>>) src(%dma_wait3A_115 : memref<10240x128xf32, #tpu.memory_space<hbm>>) dst(%arg12 : memref<128x128xf32, #tpu.memory_space<vmem>>)
        %mul3A_116 = arith.constant 128 : i32
        %mul3A_117 = arith.muli %add3A_112, %mul3A_116 : i32
        %add3A_118 = arith.addi %add3A_5, %mul3A_117 : i32
        "tpu.region"() ({
          %run_scoped3A = tpu.sem_alloc : memref<!tpu.dma_semaphore, #tpu.memory_space<semaphore_mem>>
          %dma_start3A_214 = tpu.memref_slice %arg4[%add3A_118] : memref<327680xi32, #tpu.memory_space<hbm>> -> memref<128xi32, #tpu.memory_space<hbm>>
          %dma_start3A_215 = tpu.memref_slice %arg4[%add3A_118] : memref<327680xi32, #tpu.memory_space<hbm>> -> memref<128xi32, #tpu.memory_space<hbm>>
          tpu.enqueue_dma source(%dma_start3A_215 : memref<128xi32, #tpu.memory_space<hbm>>) target(%arg10 : memref<128xi32, #tpu.memory_space<vmem>>) target_semaphore(%run_scoped3A : memref<!tpu.dma_semaphore, #tpu.memory_space<semaphore_mem>>)
          %dma_wait3A_216 = tpu.memref_slice %arg4[%add3A_118] : memref<327680xi32, #tpu.memory_space<hbm>> -> memref<128xi32, #tpu.memory_space<hbm>>
          %dma_wait3A_217 = tpu.memref_slice %arg4[%add3A_118] : memref<327680xi32, #tpu.memory_space<hbm>> -> memref<128xi32, #tpu.memory_space<hbm>>
          tpu.wait_dma2 semaphore(%run_scoped3A : memref<!tpu.dma_semaphore, #tpu.memory_space<semaphore_mem>>) src(%dma_wait3A_217 : memref<128xi32, #tpu.memory_space<hbm>>) dst(%arg10 : memref<128xi32, #tpu.memory_space<vmem>>)
          tpu.yield
        }) : () -> ()
        %get3A_119 = arith.constant 0 : index
        %get3A_120 = tpu.vector_load %arg10[%get3A_119] {strides = array<i32>} : memref<128xi32, #tpu.memory_space<vmem>>, vector<16xi32>,
        tpu.vector_store_idx %arg14[%get3A_120], %broadcast_in_dim3A_22 {add = true} : memref<10240xf32, #tpu.memory_space<vmem>>[vector<16xi32>], vector<16xf32>,
        %get3A_121 = arith.constant 16 : index
        %get3A_122 = tpu.vector_load %arg10[%get3A_121] {strides = array<i32>} : memref<128xi32, #tpu.memory_space<vmem>>, vector<16xi32>,
        tpu.vector_store_idx %arg14[%get3A_122], %broadcast_in_dim3A_22 {add = true} : memref<10240xf32, #tpu.memory_space<vmem>>[vector<16xi32>], vector<16xf32>,
        %get3A_123 = arith.constant 32 : index
        %get3A_124 = tpu.vector_load %arg10[%get3A_123] {strides = array<i32>} : memref<128xi32, #tpu.memory_space<vmem>>, vector<16xi32>,
        tpu.vector_store_idx %arg14[%get3A_124], %broadcast_in_dim3A_22 {add = true} : memref<10240xf32, #tpu.memory_space<vmem>>[vector<16xi32>], vector<16xf32>,
        %get3A_125 = arith.constant 48 : index
        %get3A_126 = tpu.vector_load %arg10[%get3A_125] {strides = array<i32>} : memref<128xi32, #tpu.memory_space<vmem>>, vector<16xi32>,
        tpu.vector_store_idx %arg14[%get3A_126], %broadcast_in_dim3A_22 {add = true} : memref<10240xf32, #tpu.memory_space<vmem>>[vector<16xi32>], vector<16xf32>,
        %get3A_127 = arith.constant 64 : index
        %get3A_128 = tpu.vector_load %arg10[%get3A_127] {strides = array<i32>} : memref<128xi32, #tpu.memory_space<vmem>>, vector<16xi32>,
        tpu.vector_store_idx %arg14[%get3A_128], %broadcast_in_dim3A_22 {add = true} : memref<10240xf32, #tpu.memory_space<vmem>>[vector<16xi32>], vector<16xf32>,
        %get3A_129 = arith.constant 80 : index
        %get3A_130 = tpu.vector_load %arg10[%get3A_129] {strides = array<i32>} : memref<128xi32, #tpu.memory_space<vmem>>, vector<16xi32>,
        tpu.vector_store_idx %arg14[%get3A_130], %broadcast_in_dim3A_22 {add = true} : memref<10240xf32, #tpu.memory_space<vmem>>[vector<16xi32>], vector<16xf32>,
        %get3A_131 = arith.constant 96 : index
        %get3A_132 = tpu.vector_load %arg10[%get3A_131] {strides = array<i32>} : memref<128xi32, #tpu.memory_space<vmem>>, vector<16xi32>,
        tpu.vector_store_idx %arg14[%get3A_132], %broadcast_in_dim3A_22 {add = true} : memref<10240xf32, #tpu.memory_space<vmem>>[vector<16xi32>], vector<16xf32>,
        %get3A_133 = arith.constant 112 : index
        %get3A_134 = tpu.vector_load %arg10[%get3A_133] {strides = array<i32>} : memref<128xi32, #tpu.memory_space<vmem>>, vector<16xi32>,
        tpu.vector_store_idx %arg14[%get3A_134], %broadcast_in_dim3A_22 {add = true} : memref<10240xf32, #tpu.memory_space<vmem>>[vector<16xi32>], vector<16xf32>,
        %dma_start3A_135 = arith.constant 0 : i32
        %dma_start3A_136 = arith.constant 0 : i32
        %dma_start3A_137 = tpu.memref_slice %arg15[%dma_start3A_135, %dma_start3A_136] : memref<10240x128xf32, #tpu.memory_space<vmem_shared>> -> memref<10240x128xf32, #tpu.memory_space<vmem_shared>>
        tpu.enqueue_indirect_dma source(%arg12 : memref<128x128xf32, #tpu.memory_space<vmem>>) target(%dma_start3A_137 : memref<10240x128xf32, #tpu.memory_space<vmem_shared>>) offsets(%arg10 : memref<128xi32, #tpu.memory_space<vmem>>) semaphore(%arg18 : memref<!tpu.dma_semaphore, #tpu.memory_space<semaphore_mem>>) {add = true}
        %add3A_138 = arith.constant 2 : i32
        %add3A_139 = arith.addi %add3A_112, %add3A_138 : i32
        %jit3A = arith.constant 120 : i32
        %eq3A_140 = arith.constant 0 : i32
        %eq3A_141 = arith.cmpi eq, %jit3A, %eq3A_140 : i32
        %jit3A_142 = arith.constant 1 : i32
        %select_n3A = arith.select %eq3A_141, %jit3A_142, %jit3A : i32
        %rem3A = arith.remsi %add3A_139, %select_n3A : i32
        %ne3A_143 = arith.constant 0 : i32
        %ne3A_144 = arith.cmpi ne, %rem3A, %ne3A_143 : i32
        %lt3A = arith.constant 0 : i32
        %lt3A_145 = arith.cmpi slt, %rem3A, %lt3A : i32
        %lt3A_146 = arith.constant 0 : i32
        %lt3A_147 = arith.cmpi slt, %select_n3A, %lt3A_146 : i32
        %ne3A_148 = arith.xori %lt3A_145, %lt3A_147 : i1
        %and3A = arith.andi %ne3A_148, %ne3A_144 : i1
        %add3A_149 = arith.addi %rem3A, %select_n3A : i32
        %select_n3A_150 = arith.select %and3A, %add3A_149, %rem3A : i32
        %mul3A_151 = arith.constant 128 : i32
        %mul3A_152 = arith.muli %select_n3A_150, %mul3A_151 : i32
        %add3A_153 = arith.addi %add3A_5, %mul3A_152 : i32
        "tpu.region"() ({
          %run_scoped3A = tpu.sem_alloc : memref<!tpu.dma_semaphore, #tpu.memory_space<semaphore_mem>>
          %dma_start3A_214 = tpu.memref_slice %arg3[%add3A_153] : memref<327680xi32, #tpu.memory_space<hbm>> -> memref<128xi32, #tpu.memory_space<hbm>>
          %dma_start3A_215 = tpu.memref_slice %arg3[%add3A_153] : memref<327680xi32, #tpu.memory_space<hbm>> -> memref<128xi32, #tpu.memory_space<hbm>>
          tpu.enqueue_dma source(%dma_start3A_215 : memref<128xi32, #tpu.memory_space<hbm>>) target(%arg8 : memref<128xi32, #tpu.memory_space<vmem>>) target_semaphore(%run_scoped3A : memref<!tpu.dma_semaphore, #tpu.memory_space<semaphore_mem>>)
          %dma_wait3A_216 = tpu.memref_slice %arg3[%add3A_153] : memref<327680xi32, #tpu.memory_space<hbm>> -> memref<128xi32, #tpu.memory_space<hbm>>
          %dma_wait3A_217 = tpu.memref_slice %arg3[%add3A_153] : memref<327680xi32, #tpu.memory_space<hbm>> -> memref<128xi32, #tpu.memory_space<hbm>>
          tpu.wait_dma2 semaphore(%run_scoped3A : memref<!tpu.dma_semaphore, #tpu.memory_space<semaphore_mem>>) src(%dma_wait3A_217 : memref<128xi32, #tpu.memory_space<hbm>>) dst(%arg8 : memref<128xi32, #tpu.memory_space<vmem>>)
          tpu.yield
        }) : () -> ()
        %dma_wait3A_154 = arith.constant 0 : i32
        %dma_wait3A_155 = arith.constant 0 : i32
        %dma_wait3A_156 = tpu.memref_slice %arg15[%dma_wait3A_154, %dma_wait3A_155] : memref<10240x128xf32, #tpu.memory_space<vmem_shared>> -> memref<10240x128xf32, #tpu.memory_space<vmem_shared>>
        tpu.wait_indirect_dma semaphore(%arg18 : memref<!tpu.dma_semaphore, #tpu.memory_space<semaphore_mem>>) src(%arg12 : memref<128x128xf32, #tpu.memory_space<vmem>>) dst(%dma_wait3A_156 : memref<10240x128xf32, #tpu.memory_space<vmem_shared>>)
        %dma_start3A_157 = arith.constant 0 : i32
        %dma_start3A_158 = arith.constant 0 : i32
        %dma_start3A_159 = tpu.memref_slice %arg2[%dma_start3A_157, %dma_start3A_158] : memref<10240x128xf32, #tpu.memory_space<hbm>> -> memref<10240x128xf32, #tpu.memory_space<hbm>>
        tpu.enqueue_indirect_dma source(%dma_start3A_159 : memref<10240x128xf32, #tpu.memory_space<hbm>>) target(%arg12 : memref<128x128xf32, #tpu.memory_space<vmem>>) offsets(%arg8 : memref<128xi32, #tpu.memory_space<vmem>>) semaphore(%arg16 : memref<!tpu.dma_semaphore, #tpu.memory_space<semaphore_mem>>)
        %add3A_160 = arith.constant 1 : i32
        %add3A_161 = arith.addi %add3A_112, %add3A_160 : i32
        %dma_wait3A_162 = arith.constant 0 : i32
        %dma_wait3A_163 = arith.constant 0 : i32
        %dma_wait3A_164 = tpu.memref_slice %arg2[%dma_wait3A_162, %dma_wait3A_163] : memref<10240x128xf32, #tpu.memory_space<hbm>> -> memref<10240x128xf32, #tpu.memory_space<hbm>>
        tpu.wait_indirect_dma semaphore(%arg17 : memref<!tpu.dma_semaphore, #tpu.memory_space<semaphore_mem>>) src(%dma_wait3A_164 : memref<10240x128xf32, #tpu.memory_space<hbm>>) dst(%arg13 : memref<128x128xf32, #tpu.memory_space<vmem>>)
        %mul3A_165 = arith.constant 128 : i32
        %mul3A_166 = arith.muli %add3A_161, %mul3A_165 : i32
        %add3A_167 = arith.addi %add3A_5, %mul3A_166 : i32
        "tpu.region"() ({
          %run_scoped3A = tpu.sem_alloc : memref<!tpu.dma_semaphore, #tpu.memory_space<semaphore_mem>>
          %dma_start3A_214 = tpu.memref_slice %arg4[%add3A_167] : memref<327680xi32, #tpu.memory_space<hbm>> -> memref<128xi32, #tpu.memory_space<hbm>>
          %dma_start3A_215 = tpu.memref_slice %arg4[%add3A_167] : memref<327680xi32, #tpu.memory_space<hbm>> -> memref<128xi32, #tpu.memory_space<hbm>>
          tpu.enqueue_dma source(%dma_start3A_215 : memref<128xi32, #tpu.memory_space<hbm>>) target(%arg11 : memref<128xi32, #tpu.memory_space<vmem>>) target_semaphore(%run_scoped3A : memref<!tpu.dma_semaphore, #tpu.memory_space<semaphore_mem>>)
          %dma_wait3A_216 = tpu.memref_slice %arg4[%add3A_167] : memref<327680xi32, #tpu.memory_space<hbm>> -> memref<128xi32, #tpu.memory_space<hbm>>
          %dma_wait3A_217 = tpu.memref_slice %arg4[%add3A_167] : memref<327680xi32, #tpu.memory_space<hbm>> -> memref<128xi32, #tpu.memory_space<hbm>>
          tpu.wait_dma2 semaphore(%run_scoped3A : memref<!tpu.dma_semaphore, #tpu.memory_space<semaphore_mem>>) src(%dma_wait3A_217 : memref<128xi32, #tpu.memory_space<hbm>>) dst(%arg11 : memref<128xi32, #tpu.memory_space<vmem>>)
          tpu.yield
        }) : () -> ()
        %get3A_168 = arith.constant 0 : index
        %get3A_169 = tpu.vector_load %arg11[%get3A_168] {strides = array<i32>} : memref<128xi32, #tpu.memory_space<vmem>>, vector<16xi32>,
        tpu.vector_store_idx %arg14[%get3A_169], %broadcast_in_dim3A_22 {add = true} : memref<10240xf32, #tpu.memory_space<vmem>>[vector<16xi32>], vector<16xf32>,
        %get3A_170 = arith.constant 16 : index
        %get3A_171 = tpu.vector_load %arg11[%get3A_170] {strides = array<i32>} : memref<128xi32, #tpu.memory_space<vmem>>, vector<16xi32>,
        tpu.vector_store_idx %arg14[%get3A_171], %broadcast_in_dim3A_22 {add = true} : memref<10240xf32, #tpu.memory_space<vmem>>[vector<16xi32>], vector<16xf32>,
        %get3A_172 = arith.constant 32 : index
        %get3A_173 = tpu.vector_load %arg11[%get3A_172] {strides = array<i32>} : memref<128xi32, #tpu.memory_space<vmem>>, vector<16xi32>,
        tpu.vector_store_idx %arg14[%get3A_173], %broadcast_in_dim3A_22 {add = true} : memref<10240xf32, #tpu.memory_space<vmem>>[vector<16xi32>], vector<16xf32>,
        %get3A_174 = arith.constant 48 : index
        %get3A_175 = tpu.vector_load %arg11[%get3A_174] {strides = array<i32>} : memref<128xi32, #tpu.memory_space<vmem>>, vector<16xi32>,
        tpu.vector_store_idx %arg14[%get3A_175], %broadcast_in_dim3A_22 {add = true} : memref<10240xf32, #tpu.memory_space<vmem>>[vector<16xi32>], vector<16xf32>,
        %get3A_176 = arith.constant 64 : index
        %get3A_177 = tpu.vector_load %arg11[%get3A_176] {strides = array<i32>} : memref<128xi32, #tpu.memory_space<vmem>>, vector<16xi32>,
        tpu.vector_store_idx %arg14[%get3A_177], %broadcast_in_dim3A_22 {add = true} : memref<10240xf32, #tpu.memory_space<vmem>>[vector<16xi32>], vector<16xf32>,
        %get3A_178 = arith.constant 80 : index
        %get3A_179 = tpu.vector_load %arg11[%get3A_178] {strides = array<i32>} : memref<128xi32, #tpu.memory_space<vmem>>, vector<16xi32>,
        tpu.vector_store_idx %arg14[%get3A_179], %broadcast_in_dim3A_22 {add = true} : memref<10240xf32, #tpu.memory_space<vmem>>[vector<16xi32>], vector<16xf32>,
        %get3A_180 = arith.constant 96 : index
        %get3A_181 = tpu.vector_load %arg11[%get3A_180] {strides = array<i32>} : memref<128xi32, #tpu.memory_space<vmem>>, vector<16xi32>,
        tpu.vector_store_idx %arg14[%get3A_181], %broadcast_in_dim3A_22 {add = true} : memref<10240xf32, #tpu.memory_space<vmem>>[vector<16xi32>], vector<16xf32>,
        %get3A_182 = arith.constant 112 : index
        %get3A_183 = tpu.vector_load %arg11[%get3A_182] {strides = array<i32>} : memref<128xi32, #tpu.memory_space<vmem>>, vector<16xi32>,
        tpu.vector_store_idx %arg14[%get3A_183], %broadcast_in_dim3A_22 {add = true} : memref<10240xf32, #tpu.memory_space<vmem>>[vector<16xi32>], vector<16xf32>,
        %dma_start3A_184 = arith.constant 0 : i32
        %dma_start3A_185 = arith.constant 0 : i32
        %dma_start3A_186 = tpu.memref_slice %arg15[%dma_start3A_184, %dma_start3A_185] : memref<10240x128xf32, #tpu.memory_space<vmem_shared>> -> memref<10240x128xf32, #tpu.memory_space<vmem_shared>>
        tpu.enqueue_indirect_dma source(%arg13 : memref<128x128xf32, #tpu.memory_space<vmem>>) target(%dma_start3A_186 : memref<10240x128xf32, #tpu.memory_space<vmem_shared>>) offsets(%arg11 : memref<128xi32, #tpu.memory_space<vmem>>) semaphore(%arg19 : memref<!tpu.dma_semaphore, #tpu.memory_space<semaphore_mem>>) {add = true}
        %add3A_187 = arith.constant 3 : i32
        %add3A_188 = arith.addi %add3A_112, %add3A_187 : i32
        %jit3A_189 = arith.constant 120 : i32
        %eq3A_190 = arith.constant 0 : i32
        %eq3A_191 = arith.cmpi eq, %jit3A_189, %eq3A_190 : i32
        %jit3A_192 = arith.constant 1 : i32
        %select_n3A_193 = arith.select %eq3A_191, %jit3A_192, %jit3A_189 : i32
        %rem3A_194 = arith.remsi %add3A_188, %select_n3A_193 : i32
        %ne3A_195 = arith.constant 0 : i32
        %ne3A_196 = arith.cmpi ne, %rem3A_194, %ne3A_195 : i32
        %lt3A_197 = arith.constant 0 : i32
        %lt3A_198 = arith.cmpi slt, %rem3A_194, %lt3A_197 : i32
        %lt3A_199 = arith.constant 0 : i32
        %lt3A_200 = arith.cmpi slt, %select_n3A_193, %lt3A_199 : i32
        %ne3A_201 = arith.xori %lt3A_198, %lt3A_200 : i1
        %and3A_202 = arith.andi %ne3A_201, %ne3A_196 : i1
        %add3A_203 = arith.addi %rem3A_194, %select_n3A_193 : i32
        %select_n3A_204 = arith.select %and3A_202, %add3A_203, %rem3A_194 : i32
        %mul3A_205 = arith.constant 128 : i32
        %mul3A_206 = arith.muli %select_n3A_204, %mul3A_205 : i32
        %add3A_207 = arith.addi %add3A_5, %mul3A_206 : i32
        "tpu.region"() ({
          %run_scoped3A = tpu.sem_alloc : memref<!tpu.dma_semaphore, #tpu.memory_space<semaphore_mem>>
          %dma_start3A_214 = tpu.memref_slice %arg3[%add3A_207] : memref<327680xi32, #tpu.memory_space<hbm>> -> memref<128xi32, #tpu.memory_space<hbm>>
          %dma_start3A_215 = tpu.memref_slice %arg3[%add3A_207] : memref<327680xi32, #tpu.memory_space<hbm>> -> memref<128xi32, #tpu.memory_space<hbm>>
          tpu.enqueue_dma source(%dma_start3A_215 : memref<128xi32, #tpu.memory_space<hbm>>) target(%arg9 : memref<128xi32, #tpu.memory_space<vmem>>) target_semaphore(%run_scoped3A : memref<!tpu.dma_semaphore, #tpu.memory_space<semaphore_mem>>)
          %dma_wait3A_216 = tpu.memref_slice %arg3[%add3A_207] : memref<327680xi32, #tpu.memory_space<hbm>> -> memref<128xi32, #tpu.memory_space<hbm>>
          %dma_wait3A_217 = tpu.memref_slice %arg3[%add3A_207] : memref<327680xi32, #tpu.memory_space<hbm>> -> memref<128xi32, #tpu.memory_space<hbm>>
          tpu.wait_dma2 semaphore(%run_scoped3A : memref<!tpu.dma_semaphore, #tpu.memory_space<semaphore_mem>>) src(%dma_wait3A_217 : memref<128xi32, #tpu.memory_space<hbm>>) dst(%arg9 : memref<128xi32, #tpu.memory_space<vmem>>)
          tpu.yield
        }) : () -> ()
        %dma_wait3A_208 = arith.constant 0 : i32
        %dma_wait3A_209 = arith.constant 0 : i32
        %dma_wait3A_210 = tpu.memref_slice %arg15[%dma_wait3A_208, %dma_wait3A_209] : memref<10240x128xf32, #tpu.memory_space<vmem_shared>> -> memref<10240x128xf32, #tpu.memory_space<vmem_shared>>
        tpu.wait_indirect_dma semaphore(%arg19 : memref<!tpu.dma_semaphore, #tpu.memory_space<semaphore_mem>>) src(%arg13 : memref<128x128xf32, #tpu.memory_space<vmem>>) dst(%dma_wait3A_210 : memref<10240x128xf32, #tpu.memory_space<vmem_shared>>)
        %dma_start3A_211 = arith.constant 0 : i32
        %dma_start3A_212 = arith.constant 0 : i32
        %dma_start3A_213 = tpu.memref_slice %arg2[%dma_start3A_211, %dma_start3A_212] : memref<10240x128xf32, #tpu.memory_space<hbm>> -> memref<10240x128xf32, #tpu.memory_space<hbm>>
        tpu.enqueue_indirect_dma source(%dma_start3A_213 : memref<10240x128xf32, #tpu.memory_space<hbm>>) target(%arg13 : memref<128x128xf32, #tpu.memory_space<vmem>>) offsets(%arg9 : memref<128xi32, #tpu.memory_space<vmem>>) semaphore(%arg17 : memref<!tpu.dma_semaphore, #tpu.memory_space<semaphore_mem>>)
      }
      %scan3A_107 = arith.constant 59 : i32
    } else {
    }
    %ne3A = arith.constant 0 : i32
    %ne3A_25 = arith.cmpi ne, %arg0, %ne3A : i32
    %convert_element_type3A_26 = arith.extui %ne3A_25 : i1 to i32
    %cond3A_27 = arith.constant 0 : i32
    %cond3A_28 = arith.cmpi ne, %convert_element_type3A_26, %cond3A_27 : i32
    scf.if %cond3A_28 {
      %dma_wait3A_39 = arith.constant 0 : i32
      %dma_wait3A_40 = arith.constant 0 : i32
      %dma_wait3A_41 = tpu.memref_slice %arg2[%dma_wait3A_39, %dma_wait3A_40] : memref<10240x128xf32, #tpu.memory_space<hbm>> -> memref<10240x128xf32, #tpu.memory_space<hbm>>
      tpu.wait_indirect_dma semaphore(%arg16 : memref<!tpu.dma_semaphore, #tpu.memory_space<semaphore_mem>>) src(%dma_wait3A_41 : memref<10240x128xf32, #tpu.memory_space<hbm>>) dst(%arg12 : memref<128x128xf32, #tpu.memory_space<vmem>>)
      %add3A_42 = arith.constant 0 : i32
      %add3A_43 = arith.addi %add3A_5, %add3A_42 : i32
      "tpu.region"() ({
        %run_scoped3A = tpu.sem_alloc : memref<!tpu.dma_semaphore, #tpu.memory_space<semaphore_mem>>
        %dma_start3A_108 = tpu.memref_slice %arg4[%add3A_43] : memref<327680xi32, #tpu.memory_space<hbm>> -> memref<128xi32, #tpu.memory_space<hbm>>
        %dma_start3A_109 = tpu.memref_slice %arg4[%add3A_43] : memref<327680xi32, #tpu.memory_space<hbm>> -> memref<128xi32, #tpu.memory_space<hbm>>
        tpu.enqueue_dma source(%dma_start3A_109 : memref<128xi32, #tpu.memory_space<hbm>>) target(%arg10 : memref<128xi32, #tpu.memory_space<vmem>>) target_semaphore(%run_scoped3A : memref<!tpu.dma_semaphore, #tpu.memory_space<semaphore_mem>>)
        %dma_wait3A_110 = tpu.memref_slice %arg4[%add3A_43] : memref<327680xi32, #tpu.memory_space<hbm>> -> memref<128xi32, #tpu.memory_space<hbm>>
        %dma_wait3A_111 = tpu.memref_slice %arg4[%add3A_43] : memref<327680xi32, #tpu.memory_space<hbm>> -> memref<128xi32, #tpu.memory_space<hbm>>
        tpu.wait_dma2 semaphore(%run_scoped3A : memref<!tpu.dma_semaphore, #tpu.memory_space<semaphore_mem>>) src(%dma_wait3A_111 : memref<128xi32, #tpu.memory_space<hbm>>) dst(%arg10 : memref<128xi32, #tpu.memory_space<vmem>>)
        tpu.yield
      }) : () -> ()
      %get3A = arith.constant 0 : index
      %get3A_44 = tpu.vector_load %arg10[%get3A] {strides = array<i32>} : memref<128xi32, #tpu.memory_space<vmem>>, vector<16xi32>,
      tpu.vector_store_idx %arg14[%get3A_44], %broadcast_in_dim3A_22 {add = true} : memref<10240xf32, #tpu.memory_space<vmem>>[vector<16xi32>], vector<16xf32>,
      %get3A_45 = arith.constant 16 : index
      %get3A_46 = tpu.vector_load %arg10[%get3A_45] {strides = array<i32>} : memref<128xi32, #tpu.memory_space<vmem>>, vector<16xi32>,
      tpu.vector_store_idx %arg14[%get3A_46], %broadcast_in_dim3A_22 {add = true} : memref<10240xf32, #tpu.memory_space<vmem>>[vector<16xi32>], vector<16xf32>,
      %get3A_47 = arith.constant 32 : index
      %get3A_48 = tpu.vector_load %arg10[%get3A_47] {strides = array<i32>} : memref<128xi32, #tpu.memory_space<vmem>>, vector<16xi32>,
      tpu.vector_store_idx %arg14[%get3A_48], %broadcast_in_dim3A_22 {add = true} : memref<10240xf32, #tpu.memory_space<vmem>>[vector<16xi32>], vector<16xf32>,
      %get3A_49 = arith.constant 48 : index
      %get3A_50 = tpu.vector_load %arg10[%get3A_49] {strides = array<i32>} : memref<128xi32, #tpu.memory_space<vmem>>, vector<16xi32>,
      tpu.vector_store_idx %arg14[%get3A_50], %broadcast_in_dim3A_22 {add = true} : memref<10240xf32, #tpu.memory_space<vmem>>[vector<16xi32>], vector<16xf32>,
      %get3A_51 = arith.constant 64 : index
      %get3A_52 = tpu.vector_load %arg10[%get3A_51] {strides = array<i32>} : memref<128xi32, #tpu.memory_space<vmem>>, vector<16xi32>,
      tpu.vector_store_idx %arg14[%get3A_52], %broadcast_in_dim3A_22 {add = true} : memref<10240xf32, #tpu.memory_space<vmem>>[vector<16xi32>], vector<16xf32>,
      %get3A_53 = arith.constant 80 : index
      %get3A_54 = tpu.vector_load %arg10[%get3A_53] {strides = array<i32>} : memref<128xi32, #tpu.memory_space<vmem>>, vector<16xi32>,
      tpu.vector_store_idx %arg14[%get3A_54], %broadcast_in_dim3A_22 {add = true} : memref<10240xf32, #tpu.memory_space<vmem>>[vector<16xi32>], vector<16xf32>,
      %get3A_55 = arith.constant 96 : index
      %get3A_56 = tpu.vector_load %arg10[%get3A_55] {strides = array<i32>} : memref<128xi32, #tpu.memory_space<vmem>>, vector<16xi32>,
      tpu.vector_store_idx %arg14[%get3A_56], %broadcast_in_dim3A_22 {add = true} : memref<10240xf32, #tpu.memory_space<vmem>>[vector<16xi32>], vector<16xf32>,
      %get3A_57 = arith.constant 112 : index
      %get3A_58 = tpu.vector_load %arg10[%get3A_57] {strides = array<i32>} : memref<128xi32, #tpu.memory_space<vmem>>, vector<16xi32>,
      tpu.vector_store_idx %arg14[%get3A_58], %broadcast_in_dim3A_22 {add = true} : memref<10240xf32, #tpu.memory_space<vmem>>[vector<16xi32>], vector<16xf32>,
      %dma_start3A_59 = arith.constant 0 : i32
      %dma_start3A_60 = arith.constant 0 : i32
      %dma_start3A_61 = tpu.memref_slice %arg15[%dma_start3A_59, %dma_start3A_60] : memref<10240x128xf32, #tpu.memory_space<vmem_shared>> -> memref<10240x128xf32, #tpu.memory_space<vmem_shared>>
      tpu.enqueue_indirect_dma source(%arg12 : memref<128x128xf32, #tpu.memory_space<vmem>>) target(%dma_start3A_61 : memref<10240x128xf32, #tpu.memory_space<vmem_shared>>) offsets(%arg10 : memref<128xi32, #tpu.memory_space<vmem>>) semaphore(%arg18 : memref<!tpu.dma_semaphore, #tpu.memory_space<semaphore_mem>>) {add = true}
      %add3A_62 = arith.constant 256 : i32
      %add3A_63 = arith.addi %add3A_5, %add3A_62 : i32
      "tpu.region"() ({
        %run_scoped3A = tpu.sem_alloc : memref<!tpu.dma_semaphore, #tpu.memory_space<semaphore_mem>>
        %dma_start3A_108 = tpu.memref_slice %arg3[%add3A_63] : memref<327680xi32, #tpu.memory_space<hbm>> -> memref<128xi32, #tpu.memory_space<hbm>>
        %dma_start3A_109 = tpu.memref_slice %arg3[%add3A_63] : memref<327680xi32, #tpu.memory_space<hbm>> -> memref<128xi32, #tpu.memory_space<hbm>>
        tpu.enqueue_dma source(%dma_start3A_109 : memref<128xi32, #tpu.memory_space<hbm>>) target(%arg8 : memref<128xi32, #tpu.memory_space<vmem>>) target_semaphore(%run_scoped3A : memref<!tpu.dma_semaphore, #tpu.memory_space<semaphore_mem>>)
        %dma_wait3A_110 = tpu.memref_slice %arg3[%add3A_63] : memref<327680xi32, #tpu.memory_space<hbm>> -> memref<128xi32, #tpu.memory_space<hbm>>
        %dma_wait3A_111 = tpu.memref_slice %arg3[%add3A_63] : memref<327680xi32, #tpu.memory_space<hbm>> -> memref<128xi32, #tpu.memory_space<hbm>>
        tpu.wait_dma2 semaphore(%run_scoped3A : memref<!tpu.dma_semaphore, #tpu.memory_space<semaphore_mem>>) src(%dma_wait3A_111 : memref<128xi32, #tpu.memory_space<hbm>>) dst(%arg8 : memref<128xi32, #tpu.memory_space<vmem>>)
        tpu.yield
      }) : () -> ()
      %dma_wait3A_64 = arith.constant 0 : i32
      %dma_wait3A_65 = arith.constant 0 : i32
      %dma_wait3A_66 = tpu.memref_slice %arg15[%dma_wait3A_64, %dma_wait3A_65] : memref<10240x128xf32, #tpu.memory_space<vmem_shared>> -> memref<10240x128xf32, #tpu.memory_space<vmem_shared>>
      tpu.wait_indirect_dma semaphore(%arg18 : memref<!tpu.dma_semaphore, #tpu.memory_space<semaphore_mem>>) src(%arg12 : memref<128x128xf32, #tpu.memory_space<vmem>>) dst(%dma_wait3A_66 : memref<10240x128xf32, #tpu.memory_space<vmem_shared>>)
      %dma_start3A_67 = arith.constant 0 : i32
      %dma_start3A_68 = arith.constant 0 : i32
      %dma_start3A_69 = tpu.memref_slice %arg2[%dma_start3A_67, %dma_start3A_68] : memref<10240x128xf32, #tpu.memory_space<hbm>> -> memref<10240x128xf32, #tpu.memory_space<hbm>>
      tpu.enqueue_indirect_dma source(%dma_start3A_69 : memref<10240x128xf32, #tpu.memory_space<hbm>>) target(%arg12 : memref<128x128xf32, #tpu.memory_space<vmem>>) offsets(%arg8 : memref<128xi32, #tpu.memory_space<vmem>>) semaphore(%arg16 : memref<!tpu.dma_semaphore, #tpu.memory_space<semaphore_mem>>)
      %dma_wait3A_70 = arith.constant 0 : i32
      %dma_wait3A_71 = arith.constant 0 : i32
      %dma_wait3A_72 = tpu.memref_slice %arg2[%dma_wait3A_70, %dma_wait3A_71] : memref<10240x128xf32, #tpu.memory_space<hbm>> -> memref<10240x128xf32, #tpu.memory_space<hbm>>
      tpu.wait_indirect_dma semaphore(%arg17 : memref<!tpu.dma_semaphore, #tpu.memory_space<semaphore_mem>>) src(%dma_wait3A_72 : memref<10240x128xf32, #tpu.memory_space<hbm>>) dst(%arg13 : memref<128x128xf32, #tpu.memory_space<vmem>>)
      %add3A_73 = arith.constant 128 : i32
      %add3A_74 = arith.addi %add3A_5, %add3A_73 : i32
      "tpu.region"() ({
        %run_scoped3A = tpu.sem_alloc : memref<!tpu.dma_semaphore, #tpu.memory_space<semaphore_mem>>
        %dma_start3A_108 = tpu.memref_slice %arg4[%add3A_74] : memref<327680xi32, #tpu.memory_space<hbm>> -> memref<128xi32, #tpu.memory_space<hbm>>
        %dma_start3A_109 = tpu.memref_slice %arg4[%add3A_74] : memref<327680xi32, #tpu.memory_space<hbm>> -> memref<128xi32, #tpu.memory_space<hbm>>
        tpu.enqueue_dma source(%dma_start3A_109 : memref<128xi32, #tpu.memory_space<hbm>>) target(%arg11 : memref<128xi32, #tpu.memory_space<vmem>>) target_semaphore(%run_scoped3A : memref<!tpu.dma_semaphore, #tpu.memory_space<semaphore_mem>>)
        %dma_wait3A_110 = tpu.memref_slice %arg4[%add3A_74] : memref<327680xi32, #tpu.memory_space<hbm>> -> memref<128xi32, #tpu.memory_space<hbm>>
        %dma_wait3A_111 = tpu.memref_slice %arg4[%add3A_74] : memref<327680xi32, #tpu.memory_space<hbm>> -> memref<128xi32, #tpu.memory_space<hbm>>
        tpu.wait_dma2 semaphore(%run_scoped3A : memref<!tpu.dma_semaphore, #tpu.memory_space<semaphore_mem>>) src(%dma_wait3A_111 : memref<128xi32, #tpu.memory_space<hbm>>) dst(%arg11 : memref<128xi32, #tpu.memory_space<vmem>>)
        tpu.yield
      }) : () -> ()
      %get3A_75 = arith.constant 0 : index
      %get3A_76 = tpu.vector_load %arg11[%get3A_75] {strides = array<i32>} : memref<128xi32, #tpu.memory_space<vmem>>, vector<16xi32>,
      tpu.vector_store_idx %arg14[%get3A_76], %broadcast_in_dim3A_22 {add = true} : memref<10240xf32, #tpu.memory_space<vmem>>[vector<16xi32>], vector<16xf32>,
      %get3A_77 = arith.constant 16 : index
      %get3A_78 = tpu.vector_load %arg11[%get3A_77] {strides = array<i32>} : memref<128xi32, #tpu.memory_space<vmem>>, vector<16xi32>,
      tpu.vector_store_idx %arg14[%get3A_78], %broadcast_in_dim3A_22 {add = true} : memref<10240xf32, #tpu.memory_space<vmem>>[vector<16xi32>], vector<16xf32>,
      %get3A_79 = arith.constant 32 : index
      %get3A_80 = tpu.vector_load %arg11[%get3A_79] {strides = array<i32>} : memref<128xi32, #tpu.memory_space<vmem>>, vector<16xi32>,
      tpu.vector_store_idx %arg14[%get3A_80], %broadcast_in_dim3A_22 {add = true} : memref<10240xf32, #tpu.memory_space<vmem>>[vector<16xi32>], vector<16xf32>,
      %get3A_81 = arith.constant 48 : index
      %get3A_82 = tpu.vector_load %arg11[%get3A_81] {strides = array<i32>} : memref<128xi32, #tpu.memory_space<vmem>>, vector<16xi32>,
      tpu.vector_store_idx %arg14[%get3A_82], %broadcast_in_dim3A_22 {add = true} : memref<10240xf32, #tpu.memory_space<vmem>>[vector<16xi32>], vector<16xf32>,
      %get3A_83 = arith.constant 64 : index
      %get3A_84 = tpu.vector_load %arg11[%get3A_83] {strides = array<i32>} : memref<128xi32, #tpu.memory_space<vmem>>, vector<16xi32>,
      tpu.vector_store_idx %arg14[%get3A_84], %broadcast_in_dim3A_22 {add = true} : memref<10240xf32, #tpu.memory_space<vmem>>[vector<16xi32>], vector<16xf32>,
      %get3A_85 = arith.constant 80 : index
      %get3A_86 = tpu.vector_load %arg11[%get3A_85] {strides = array<i32>} : memref<128xi32, #tpu.memory_space<vmem>>, vector<16xi32>,
      tpu.vector_store_idx %arg14[%get3A_86], %broadcast_in_dim3A_22 {add = true} : memref<10240xf32, #tpu.memory_space<vmem>>[vector<16xi32>], vector<16xf32>,
      %get3A_87 = arith.constant 96 : index
      %get3A_88 = tpu.vector_load %arg11[%get3A_87] {strides = array<i32>} : memref<128xi32, #tpu.memory_space<vmem>>, vector<16xi32>,
      tpu.vector_store_idx %arg14[%get3A_88], %broadcast_in_dim3A_22 {add = true} : memref<10240xf32, #tpu.memory_space<vmem>>[vector<16xi32>], vector<16xf32>,
      %get3A_89 = arith.constant 112 : index
      %get3A_90 = tpu.vector_load %arg11[%get3A_89] {strides = array<i32>} : memref<128xi32, #tpu.memory_space<vmem>>, vector<16xi32>,
      tpu.vector_store_idx %arg14[%get3A_90], %broadcast_in_dim3A_22 {add = true} : memref<10240xf32, #tpu.memory_space<vmem>>[vector<16xi32>], vector<16xf32>,
      %dma_start3A_91 = arith.constant 0 : i32
      %dma_start3A_92 = arith.constant 0 : i32
      %dma_start3A_93 = tpu.memref_slice %arg15[%dma_start3A_91, %dma_start3A_92] : memref<10240x128xf32, #tpu.memory_space<vmem_shared>> -> memref<10240x128xf32, #tpu.memory_space<vmem_shared>>
      tpu.enqueue_indirect_dma source(%arg13 : memref<128x128xf32, #tpu.memory_space<vmem>>) target(%dma_start3A_93 : memref<10240x128xf32, #tpu.memory_space<vmem_shared>>) offsets(%arg11 : memref<128xi32, #tpu.memory_space<vmem>>) semaphore(%arg19 : memref<!tpu.dma_semaphore, #tpu.memory_space<semaphore_mem>>) {add = true}
      %add3A_94 = arith.constant 384 : i32
      %add3A_95 = arith.addi %add3A_5, %add3A_94 : i32
      "tpu.region"() ({
        %run_scoped3A = tpu.sem_alloc : memref<!tpu.dma_semaphore, #tpu.memory_space<semaphore_mem>>
        %dma_start3A_108 = tpu.memref_slice %arg3[%add3A_95] : memref<327680xi32, #tpu.memory_space<hbm>> -> memref<128xi32, #tpu.memory_space<hbm>>
        %dma_start3A_109 = tpu.memref_slice %arg3[%add3A_95] : memref<327680xi32, #tpu.memory_space<hbm>> -> memref<128xi32, #tpu.memory_space<hbm>>
        tpu.enqueue_dma source(%dma_start3A_109 : memref<128xi32, #tpu.memory_space<hbm>>) target(%arg9 : memref<128xi32, #tpu.memory_space<vmem>>) target_semaphore(%run_scoped3A : memref<!tpu.dma_semaphore, #tpu.memory_space<semaphore_mem>>)
        %dma_wait3A_110 = tpu.memref_slice %arg3[%add3A_95] : memref<327680xi32, #tpu.memory_space<hbm>> -> memref<128xi32, #tpu.memory_space<hbm>>
        %dma_wait3A_111 = tpu.memref_slice %arg3[%add3A_95] : memref<327680xi32, #tpu.memory_space<hbm>> -> memref<128xi32, #tpu.memory_space<hbm>>
        tpu.wait_dma2 semaphore(%run_scoped3A : memref<!tpu.dma_semaphore, #tpu.memory_space<semaphore_mem>>) src(%dma_wait3A_111 : memref<128xi32, #tpu.memory_space<hbm>>) dst(%arg9 : memref<128xi32, #tpu.memory_space<vmem>>)
        tpu.yield
      }) : () -> ()
      %dma_wait3A_96 = arith.constant 0 : i32
      %dma_wait3A_97 = arith.constant 0 : i32
      %dma_wait3A_98 = tpu.memref_slice %arg15[%dma_wait3A_96, %dma_wait3A_97] : memref<10240x128xf32, #tpu.memory_space<vmem_shared>> -> memref<10240x128xf32, #tpu.memory_space<vmem_shared>>
      tpu.wait_indirect_dma semaphore(%arg19 : memref<!tpu.dma_semaphore, #tpu.memory_space<semaphore_mem>>) src(%arg13 : memref<128x128xf32, #tpu.memory_space<vmem>>) dst(%dma_wait3A_98 : memref<10240x128xf32, #tpu.memory_space<vmem_shared>>)
      %dma_start3A_99 = arith.constant 0 : i32
      %dma_start3A_100 = arith.constant 0 : i32
      %dma_start3A_101 = tpu.memref_slice %arg2[%dma_start3A_99, %dma_start3A_100] : memref<10240x128xf32, #tpu.memory_space<hbm>> -> memref<10240x128xf32, #tpu.memory_space<hbm>>
      tpu.enqueue_indirect_dma source(%dma_start3A_101 : memref<10240x128xf32, #tpu.memory_space<hbm>>) target(%arg13 : memref<128x128xf32, #tpu.memory_space<vmem>>) offsets(%arg9 : memref<128xi32, #tpu.memory_space<vmem>>) semaphore(%arg17 : memref<!tpu.dma_semaphore, #tpu.memory_space<semaphore_mem>>)
      %scan3A_102 = arith.constant 0 : i32
      %scan3A_103 = arith.constant 0 : i32
      %scan3A_104 = arith.constant 19 : i32
      %scan3A_105 = arith.addi %scan3A_103, %scan3A_104 : i32
      %scan3A_106 = arith.constant 1 : i32
      scf.for %scan3A_108 = %scan3A_103 to %scan3A_105 step %scan3A_106  : i32 {
        %mul3A_109 = arith.constant 2 : i32
        %mul3A_110 = arith.muli %mul3A_109, %scan3A_108 : i32
        %add3A_111 = arith.constant 2 : i32
        %add3A_112 = arith.addi %mul3A_110, %add3A_111 : i32
        %dma_wait3A_113 = arith.constant 0 : i32
        %dma_wait3A_114 = arith.constant 0 : i32
        %dma_wait3A_115 = tpu.memref_slice %arg2[%dma_wait3A_113, %dma_wait3A_114] : memref<10240x128xf32, #tpu.memory_space<hbm>> -> memref<10240x128xf32, #tpu.memory_space<hbm>>
        tpu.wait_indirect_dma semaphore(%arg16 : memref<!tpu.dma_semaphore, #tpu.memory_space<semaphore_mem>>) src(%dma_wait3A_115 : memref<10240x128xf32, #tpu.memory_space<hbm>>) dst(%arg12 : memref<128x128xf32, #tpu.memory_space<vmem>>)
        %mul3A_116 = arith.constant 128 : i32
        %mul3A_117 = arith.muli %add3A_112, %mul3A_116 : i32
        %add3A_118 = arith.addi %add3A_5, %mul3A_117 : i32
        "tpu.region"() ({
          %run_scoped3A = tpu.sem_alloc : memref<!tpu.dma_semaphore, #tpu.memory_space<semaphore_mem>>
          %dma_start3A_214 = tpu.memref_slice %arg4[%add3A_118] : memref<327680xi32, #tpu.memory_space<hbm>> -> memref<128xi32, #tpu.memory_space<hbm>>
          %dma_start3A_215 = tpu.memref_slice %arg4[%add3A_118] : memref<327680xi32, #tpu.memory_space<hbm>> -> memref<128xi32, #tpu.memory_space<hbm>>
          tpu.enqueue_dma source(%dma_start3A_215 : memref<128xi32, #tpu.memory_space<hbm>>) target(%arg10 : memref<128xi32, #tpu.memory_space<vmem>>) target_semaphore(%run_scoped3A : memref<!tpu.dma_semaphore, #tpu.memory_space<semaphore_mem>>)
          %dma_wait3A_216 = tpu.memref_slice %arg4[%add3A_118] : memref<327680xi32, #tpu.memory_space<hbm>> -> memref<128xi32, #tpu.memory_space<hbm>>
          %dma_wait3A_217 = tpu.memref_slice %arg4[%add3A_118] : memref<327680xi32, #tpu.memory_space<hbm>> -> memref<128xi32, #tpu.memory_space<hbm>>
          tpu.wait_dma2 semaphore(%run_scoped3A : memref<!tpu.dma_semaphore, #tpu.memory_space<semaphore_mem>>) src(%dma_wait3A_217 : memref<128xi32, #tpu.memory_space<hbm>>) dst(%arg10 : memref<128xi32, #tpu.memory_space<vmem>>)
          tpu.yield
        }) : () -> ()
        %get3A_119 = arith.constant 0 : index
        %get3A_120 = tpu.vector_load %arg10[%get3A_119] {strides = array<i32>} : memref<128xi32, #tpu.memory_space<vmem>>, vector<16xi32>,
        tpu.vector_store_idx %arg14[%get3A_120], %broadcast_in_dim3A_22 {add = true} : memref<10240xf32, #tpu.memory_space<vmem>>[vector<16xi32>], vector<16xf32>,
        %get3A_121 = arith.constant 16 : index
        %get3A_122 = tpu.vector_load %arg10[%get3A_121] {strides = array<i32>} : memref<128xi32, #tpu.memory_space<vmem>>, vector<16xi32>,
        tpu.vector_store_idx %arg14[%get3A_122], %broadcast_in_dim3A_22 {add = true} : memref<10240xf32, #tpu.memory_space<vmem>>[vector<16xi32>], vector<16xf32>,
        %get3A_123 = arith.constant 32 : index
        %get3A_124 = tpu.vector_load %arg10[%get3A_123] {strides = array<i32>} : memref<128xi32, #tpu.memory_space<vmem>>, vector<16xi32>,
        tpu.vector_store_idx %arg14[%get3A_124], %broadcast_in_dim3A_22 {add = true} : memref<10240xf32, #tpu.memory_space<vmem>>[vector<16xi32>], vector<16xf32>,
        %get3A_125 = arith.constant 48 : index
        %get3A_126 = tpu.vector_load %arg10[%get3A_125] {strides = array<i32>} : memref<128xi32, #tpu.memory_space<vmem>>, vector<16xi32>,
        tpu.vector_store_idx %arg14[%get3A_126], %broadcast_in_dim3A_22 {add = true} : memref<10240xf32, #tpu.memory_space<vmem>>[vector<16xi32>], vector<16xf32>,
        %get3A_127 = arith.constant 64 : index
        %get3A_128 = tpu.vector_load %arg10[%get3A_127] {strides = array<i32>} : memref<128xi32, #tpu.memory_space<vmem>>, vector<16xi32>,
        tpu.vector_store_idx %arg14[%get3A_128], %broadcast_in_dim3A_22 {add = true} : memref<10240xf32, #tpu.memory_space<vmem>>[vector<16xi32>], vector<16xf32>,
        %get3A_129 = arith.constant 80 : index
        %get3A_130 = tpu.vector_load %arg10[%get3A_129] {strides = array<i32>} : memref<128xi32, #tpu.memory_space<vmem>>, vector<16xi32>,
        tpu.vector_store_idx %arg14[%get3A_130], %broadcast_in_dim3A_22 {add = true} : memref<10240xf32, #tpu.memory_space<vmem>>[vector<16xi32>], vector<16xf32>,
        %get3A_131 = arith.constant 96 : index
        %get3A_132 = tpu.vector_load %arg10[%get3A_131] {strides = array<i32>} : memref<128xi32, #tpu.memory_space<vmem>>, vector<16xi32>,
        tpu.vector_store_idx %arg14[%get3A_132], %broadcast_in_dim3A_22 {add = true} : memref<10240xf32, #tpu.memory_space<vmem>>[vector<16xi32>], vector<16xf32>,
        %get3A_133 = arith.constant 112 : index
        %get3A_134 = tpu.vector_load %arg10[%get3A_133] {strides = array<i32>} : memref<128xi32, #tpu.memory_space<vmem>>, vector<16xi32>,
        tpu.vector_store_idx %arg14[%get3A_134], %broadcast_in_dim3A_22 {add = true} : memref<10240xf32, #tpu.memory_space<vmem>>[vector<16xi32>], vector<16xf32>,
        %dma_start3A_135 = arith.constant 0 : i32
        %dma_start3A_136 = arith.constant 0 : i32
        %dma_start3A_137 = tpu.memref_slice %arg15[%dma_start3A_135, %dma_start3A_136] : memref<10240x128xf32, #tpu.memory_space<vmem_shared>> -> memref<10240x128xf32, #tpu.memory_space<vmem_shared>>
        tpu.enqueue_indirect_dma source(%arg12 : memref<128x128xf32, #tpu.memory_space<vmem>>) target(%dma_start3A_137 : memref<10240x128xf32, #tpu.memory_space<vmem_shared>>) offsets(%arg10 : memref<128xi32, #tpu.memory_space<vmem>>) semaphore(%arg18 : memref<!tpu.dma_semaphore, #tpu.memory_space<semaphore_mem>>) {add = true}
        %add3A_138 = arith.constant 2 : i32
        %add3A_139 = arith.addi %add3A_112, %add3A_138 : i32
        %jit3A = arith.constant 40 : i32
        %eq3A_140 = arith.constant 0 : i32
        %eq3A_141 = arith.cmpi eq, %jit3A, %eq3A_140 : i32
        %jit3A_142 = arith.constant 1 : i32
        %select_n3A = arith.select %eq3A_141, %jit3A_142, %jit3A : i32
        %rem3A = arith.remsi %add3A_139, %select_n3A : i32
        %ne3A_143 = arith.constant 0 : i32
        %ne3A_144 = arith.cmpi ne, %rem3A, %ne3A_143 : i32
        %lt3A = arith.constant 0 : i32
        %lt3A_145 = arith.cmpi slt, %rem3A, %lt3A : i32
        %lt3A_146 = arith.constant 0 : i32
        %lt3A_147 = arith.cmpi slt, %select_n3A, %lt3A_146 : i32
        %ne3A_148 = arith.xori %lt3A_145, %lt3A_147 : i1
        %and3A = arith.andi %ne3A_148, %ne3A_144 : i1
        %add3A_149 = arith.addi %rem3A, %select_n3A : i32
        %select_n3A_150 = arith.select %and3A, %add3A_149, %rem3A : i32
        %mul3A_151 = arith.constant 128 : i32
        %mul3A_152 = arith.muli %select_n3A_150, %mul3A_151 : i32
        %add3A_153 = arith.addi %add3A_5, %mul3A_152 : i32
        "tpu.region"() ({
          %run_scoped3A = tpu.sem_alloc : memref<!tpu.dma_semaphore, #tpu.memory_space<semaphore_mem>>
          %dma_start3A_214 = tpu.memref_slice %arg3[%add3A_153] : memref<327680xi32, #tpu.memory_space<hbm>> -> memref<128xi32, #tpu.memory_space<hbm>>
          %dma_start3A_215 = tpu.memref_slice %arg3[%add3A_153] : memref<327680xi32, #tpu.memory_space<hbm>> -> memref<128xi32, #tpu.memory_space<hbm>>
          tpu.enqueue_dma source(%dma_start3A_215 : memref<128xi32, #tpu.memory_space<hbm>>) target(%arg8 : memref<128xi32, #tpu.memory_space<vmem>>) target_semaphore(%run_scoped3A : memref<!tpu.dma_semaphore, #tpu.memory_space<semaphore_mem>>)
          %dma_wait3A_216 = tpu.memref_slice %arg3[%add3A_153] : memref<327680xi32, #tpu.memory_space<hbm>> -> memref<128xi32, #tpu.memory_space<hbm>>
          %dma_wait3A_217 = tpu.memref_slice %arg3[%add3A_153] : memref<327680xi32, #tpu.memory_space<hbm>> -> memref<128xi32, #tpu.memory_space<hbm>>
          tpu.wait_dma2 semaphore(%run_scoped3A : memref<!tpu.dma_semaphore, #tpu.memory_space<semaphore_mem>>) src(%dma_wait3A_217 : memref<128xi32, #tpu.memory_space<hbm>>) dst(%arg8 : memref<128xi32, #tpu.memory_space<vmem>>)
          tpu.yield
        }) : () -> ()
        %dma_wait3A_154 = arith.constant 0 : i32
        %dma_wait3A_155 = arith.constant 0 : i32
        %dma_wait3A_156 = tpu.memref_slice %arg15[%dma_wait3A_154, %dma_wait3A_155] : memref<10240x128xf32, #tpu.memory_space<vmem_shared>> -> memref<10240x128xf32, #tpu.memory_space<vmem_shared>>
        tpu.wait_indirect_dma semaphore(%arg18 : memref<!tpu.dma_semaphore, #tpu.memory_space<semaphore_mem>>) src(%arg12 : memref<128x128xf32, #tpu.memory_space<vmem>>) dst(%dma_wait3A_156 : memref<10240x128xf32, #tpu.memory_space<vmem_shared>>)
        %dma_start3A_157 = arith.constant 0 : i32
        %dma_start3A_158 = arith.constant 0 : i32
        %dma_start3A_159 = tpu.memref_slice %arg2[%dma_start3A_157, %dma_start3A_158] : memref<10240x128xf32, #tpu.memory_space<hbm>> -> memref<10240x128xf32, #tpu.memory_space<hbm>>
        tpu.enqueue_indirect_dma source(%dma_start3A_159 : memref<10240x128xf32, #tpu.memory_space<hbm>>) target(%arg12 : memref<128x128xf32, #tpu.memory_space<vmem>>) offsets(%arg8 : memref<128xi32, #tpu.memory_space<vmem>>) semaphore(%arg16 : memref<!tpu.dma_semaphore, #tpu.memory_space<semaphore_mem>>)
        %add3A_160 = arith.constant 1 : i32
        %add3A_161 = arith.addi %add3A_112, %add3A_160 : i32
        %dma_wait3A_162 = arith.constant 0 : i32
        %dma_wait3A_163 = arith.constant 0 : i32
        %dma_wait3A_164 = tpu.memref_slice %arg2[%dma_wait3A_162, %dma_wait3A_163] : memref<10240x128xf32, #tpu.memory_space<hbm>> -> memref<10240x128xf32, #tpu.memory_space<hbm>>
        tpu.wait_indirect_dma semaphore(%arg17 : memref<!tpu.dma_semaphore, #tpu.memory_space<semaphore_mem>>) src(%dma_wait3A_164 : memref<10240x128xf32, #tpu.memory_space<hbm>>) dst(%arg13 : memref<128x128xf32, #tpu.memory_space<vmem>>)
        %mul3A_165 = arith.constant 128 : i32
        %mul3A_166 = arith.muli %add3A_161, %mul3A_165 : i32
        %add3A_167 = arith.addi %add3A_5, %mul3A_166 : i32
        "tpu.region"() ({
          %run_scoped3A = tpu.sem_alloc : memref<!tpu.dma_semaphore, #tpu.memory_space<semaphore_mem>>
          %dma_start3A_214 = tpu.memref_slice %arg4[%add3A_167] : memref<327680xi32, #tpu.memory_space<hbm>> -> memref<128xi32, #tpu.memory_space<hbm>>
          %dma_start3A_215 = tpu.memref_slice %arg4[%add3A_167] : memref<327680xi32, #tpu.memory_space<hbm>> -> memref<128xi32, #tpu.memory_space<hbm>>
          tpu.enqueue_dma source(%dma_start3A_215 : memref<128xi32, #tpu.memory_space<hbm>>) target(%arg11 : memref<128xi32, #tpu.memory_space<vmem>>) target_semaphore(%run_scoped3A : memref<!tpu.dma_semaphore, #tpu.memory_space<semaphore_mem>>)
          %dma_wait3A_216 = tpu.memref_slice %arg4[%add3A_167] : memref<327680xi32, #tpu.memory_space<hbm>> -> memref<128xi32, #tpu.memory_space<hbm>>
          %dma_wait3A_217 = tpu.memref_slice %arg4[%add3A_167] : memref<327680xi32, #tpu.memory_space<hbm>> -> memref<128xi32, #tpu.memory_space<hbm>>
          tpu.wait_dma2 semaphore(%run_scoped3A : memref<!tpu.dma_semaphore, #tpu.memory_space<semaphore_mem>>) src(%dma_wait3A_217 : memref<128xi32, #tpu.memory_space<hbm>>) dst(%arg11 : memref<128xi32, #tpu.memory_space<vmem>>)
          tpu.yield
        }) : () -> ()
        %get3A_168 = arith.constant 0 : index
        %get3A_169 = tpu.vector_load %arg11[%get3A_168] {strides = array<i32>} : memref<128xi32, #tpu.memory_space<vmem>>, vector<16xi32>,
        tpu.vector_store_idx %arg14[%get3A_169], %broadcast_in_dim3A_22 {add = true} : memref<10240xf32, #tpu.memory_space<vmem>>[vector<16xi32>], vector<16xf32>,
        %get3A_170 = arith.constant 16 : index
        %get3A_171 = tpu.vector_load %arg11[%get3A_170] {strides = array<i32>} : memref<128xi32, #tpu.memory_space<vmem>>, vector<16xi32>,
        tpu.vector_store_idx %arg14[%get3A_171], %broadcast_in_dim3A_22 {add = true} : memref<10240xf32, #tpu.memory_space<vmem>>[vector<16xi32>], vector<16xf32>,
        %get3A_172 = arith.constant 32 : index
        %get3A_173 = tpu.vector_load %arg11[%get3A_172] {strides = array<i32>} : memref<128xi32, #tpu.memory_space<vmem>>, vector<16xi32>,
        tpu.vector_store_idx %arg14[%get3A_173], %broadcast_in_dim3A_22 {add = true} : memref<10240xf32, #tpu.memory_space<vmem>>[vector<16xi32>], vector<16xf32>,
        %get3A_174 = arith.constant 48 : index
        %get3A_175 = tpu.vector_load %arg11[%get3A_174] {strides = array<i32>} : memref<128xi32, #tpu.memory_space<vmem>>, vector<16xi32>,
        tpu.vector_store_idx %arg14[%get3A_175], %broadcast_in_dim3A_22 {add = true} : memref<10240xf32, #tpu.memory_space<vmem>>[vector<16xi32>], vector<16xf32>,
        %get3A_176 = arith.constant 64 : index
        %get3A_177 = tpu.vector_load %arg11[%get3A_176] {strides = array<i32>} : memref<128xi32, #tpu.memory_space<vmem>>, vector<16xi32>,
        tpu.vector_store_idx %arg14[%get3A_177], %broadcast_in_dim3A_22 {add = true} : memref<10240xf32, #tpu.memory_space<vmem>>[vector<16xi32>], vector<16xf32>,
        %get3A_178 = arith.constant 80 : index
        %get3A_179 = tpu.vector_load %arg11[%get3A_178] {strides = array<i32>} : memref<128xi32, #tpu.memory_space<vmem>>, vector<16xi32>,
        tpu.vector_store_idx %arg14[%get3A_179], %broadcast_in_dim3A_22 {add = true} : memref<10240xf32, #tpu.memory_space<vmem>>[vector<16xi32>], vector<16xf32>,
        %get3A_180 = arith.constant 96 : index
        %get3A_181 = tpu.vector_load %arg11[%get3A_180] {strides = array<i32>} : memref<128xi32, #tpu.memory_space<vmem>>, vector<16xi32>,
        tpu.vector_store_idx %arg14[%get3A_181], %broadcast_in_dim3A_22 {add = true} : memref<10240xf32, #tpu.memory_space<vmem>>[vector<16xi32>], vector<16xf32>,
        %get3A_182 = arith.constant 112 : index
        %get3A_183 = tpu.vector_load %arg11[%get3A_182] {strides = array<i32>} : memref<128xi32, #tpu.memory_space<vmem>>, vector<16xi32>,
        tpu.vector_store_idx %arg14[%get3A_183], %broadcast_in_dim3A_22 {add = true} : memref<10240xf32, #tpu.memory_space<vmem>>[vector<16xi32>], vector<16xf32>,
        %dma_start3A_184 = arith.constant 0 : i32
        %dma_start3A_185 = arith.constant 0 : i32
        %dma_start3A_186 = tpu.memref_slice %arg15[%dma_start3A_184, %dma_start3A_185] : memref<10240x128xf32, #tpu.memory_space<vmem_shared>> -> memref<10240x128xf32, #tpu.memory_space<vmem_shared>>
        tpu.enqueue_indirect_dma source(%arg13 : memref<128x128xf32, #tpu.memory_space<vmem>>) target(%dma_start3A_186 : memref<10240x128xf32, #tpu.memory_space<vmem_shared>>) offsets(%arg11 : memref<128xi32, #tpu.memory_space<vmem>>) semaphore(%arg19 : memref<!tpu.dma_semaphore, #tpu.memory_space<semaphore_mem>>) {add = true}
        %add3A_187 = arith.constant 3 : i32
        %add3A_188 = arith.addi %add3A_112, %add3A_187 : i32
        %jit3A_189 = arith.constant 40 : i32
        %eq3A_190 = arith.constant 0 : i32
        %eq3A_191 = arith.cmpi eq, %jit3A_189, %eq3A_190 : i32
        %jit3A_192 = arith.constant 1 : i32
        %select_n3A_193 = arith.select %eq3A_191, %jit3A_192, %jit3A_189 : i32
        %rem3A_194 = arith.remsi %add3A_188, %select_n3A_193 : i32
        %ne3A_195 = arith.constant 0 : i32
        %ne3A_196 = arith.cmpi ne, %rem3A_194, %ne3A_195 : i32
        %lt3A_197 = arith.constant 0 : i32
        %lt3A_198 = arith.cmpi slt, %rem3A_194, %lt3A_197 : i32
        %lt3A_199 = arith.constant 0 : i32
        %lt3A_200 = arith.cmpi slt, %select_n3A_193, %lt3A_199 : i32
        %ne3A_201 = arith.xori %lt3A_198, %lt3A_200 : i1
        %and3A_202 = arith.andi %ne3A_201, %ne3A_196 : i1
        %add3A_203 = arith.addi %rem3A_194, %select_n3A_193 : i32
        %select_n3A_204 = arith.select %and3A_202, %add3A_203, %rem3A_194 : i32
        %mul3A_205 = arith.constant 128 : i32
        %mul3A_206 = arith.muli %select_n3A_204, %mul3A_205 : i32
        %add3A_207 = arith.addi %add3A_5, %mul3A_206 : i32
        "tpu.region"() ({
          %run_scoped3A = tpu.sem_alloc : memref<!tpu.dma_semaphore, #tpu.memory_space<semaphore_mem>>
          %dma_start3A_214 = tpu.memref_slice %arg3[%add3A_207] : memref<327680xi32, #tpu.memory_space<hbm>> -> memref<128xi32, #tpu.memory_space<hbm>>
          %dma_start3A_215 = tpu.memref_slice %arg3[%add3A_207] : memref<327680xi32, #tpu.memory_space<hbm>> -> memref<128xi32, #tpu.memory_space<hbm>>
          tpu.enqueue_dma source(%dma_start3A_215 : memref<128xi32, #tpu.memory_space<hbm>>) target(%arg9 : memref<128xi32, #tpu.memory_space<vmem>>) target_semaphore(%run_scoped3A : memref<!tpu.dma_semaphore, #tpu.memory_space<semaphore_mem>>)
          %dma_wait3A_216 = tpu.memref_slice %arg3[%add3A_207] : memref<327680xi32, #tpu.memory_space<hbm>> -> memref<128xi32, #tpu.memory_space<hbm>>
          %dma_wait3A_217 = tpu.memref_slice %arg3[%add3A_207] : memref<327680xi32, #tpu.memory_space<hbm>> -> memref<128xi32, #tpu.memory_space<hbm>>
          tpu.wait_dma2 semaphore(%run_scoped3A : memref<!tpu.dma_semaphore, #tpu.memory_space<semaphore_mem>>) src(%dma_wait3A_217 : memref<128xi32, #tpu.memory_space<hbm>>) dst(%arg9 : memref<128xi32, #tpu.memory_space<vmem>>)
          tpu.yield
        }) : () -> ()
        %dma_wait3A_208 = arith.constant 0 : i32
        %dma_wait3A_209 = arith.constant 0 : i32
        %dma_wait3A_210 = tpu.memref_slice %arg15[%dma_wait3A_208, %dma_wait3A_209] : memref<10240x128xf32, #tpu.memory_space<vmem_shared>> -> memref<10240x128xf32, #tpu.memory_space<vmem_shared>>
        tpu.wait_indirect_dma semaphore(%arg19 : memref<!tpu.dma_semaphore, #tpu.memory_space<semaphore_mem>>) src(%arg13 : memref<128x128xf32, #tpu.memory_space<vmem>>) dst(%dma_wait3A_210 : memref<10240x128xf32, #tpu.memory_space<vmem_shared>>)
        %dma_start3A_211 = arith.constant 0 : i32
        %dma_start3A_212 = arith.constant 0 : i32
        %dma_start3A_213 = tpu.memref_slice %arg2[%dma_start3A_211, %dma_start3A_212] : memref<10240x128xf32, #tpu.memory_space<hbm>> -> memref<10240x128xf32, #tpu.memory_space<hbm>>
        tpu.enqueue_indirect_dma source(%dma_start3A_213 : memref<10240x128xf32, #tpu.memory_space<hbm>>) target(%arg13 : memref<128x128xf32, #tpu.memory_space<vmem>>) offsets(%arg9 : memref<128xi32, #tpu.memory_space<vmem>>) semaphore(%arg17 : memref<!tpu.dma_semaphore, #tpu.memory_space<semaphore_mem>>)
      }
      %scan3A_107 = arith.constant 19 : i32
    } else {
    }
    %dma_wait3A = arith.constant 0 : i32
    %dma_wait3A_29 = arith.constant 0 : i32
    %dma_wait3A_30 = tpu.memref_slice %arg2[%dma_wait3A, %dma_wait3A_29] : memref<10240x128xf32, #tpu.memory_space<hbm>> -> memref<10240x128xf32, #tpu.memory_space<hbm>>
    tpu.wait_indirect_dma semaphore(%arg16 : memref<!tpu.dma_semaphore, #tpu.memory_space<semaphore_mem>>) src(%dma_wait3A_30 : memref<10240x128xf32, #tpu.memory_space<hbm>>) dst(%arg12 : memref<128x128xf32, #tpu.memory_space<vmem>>)
    %dma_wait3A_31 = arith.constant 0 : i32
    %dma_wait3A_32 = arith.constant 0 : i32
    %dma_wait3A_33 = tpu.memref_slice %arg2[%dma_wait3A_31, %dma_wait3A_32] : memref<10240x128xf32, #tpu.memory_space<hbm>> -> memref<10240x128xf32, #tpu.memory_space<hbm>>
    tpu.wait_indirect_dma semaphore(%arg17 : memref<!tpu.dma_semaphore, #tpu.memory_space<semaphore_mem>>) src(%dma_wait3A_33 : memref<10240x128xf32, #tpu.memory_space<hbm>>) dst(%arg13 : memref<128x128xf32, #tpu.memory_space<vmem>>)
    %barrier3A_34 = arith.constant 0 : index
    tpu.barrier barrier_id(%barrier3A_34)
    %mul3A_35 = arith.constant 640 : i32
    %mul3A_36 = arith.muli %arg1, %mul3A_35 : i32
    %mul3A_37 = arith.constant 640 : i32
    %mul3A_38 = arith.muli %arg1, %mul3A_37 : i32
    "tpu.region"() ({
      %run_scoped3A = tpu.sem_alloc : memref<!tpu.dma_semaphore, #tpu.memory_space<semaphore_mem>>
      %dma_start3A_39 = arith.constant 0 : i32
      %dma_start3A_40 = tpu.memref_slice %arg6[%arg0, %mul3A_38, %dma_start3A_39] : memref<2x10240x128xf32, #tpu.memory_space<hbm>> -> memref<1x640x128xf32, #tpu.memory_space<hbm>>
      %dma_start3A_41 = tpu.memref_squeeze %dma_start3A_40 : memref<1x640x128xf32, #tpu.memory_space<hbm>> -> memref<640x128xf32, #tpu.memory_space<hbm>>
      %dma_start3A_42 = arith.constant 0 : i32
      %dma_start3A_43 = tpu.memref_slice %arg15[%mul3A_36, %dma_start3A_42] : memref<10240x128xf32, #tpu.memory_space<vmem_shared>> -> memref<640x128xf32, #tpu.memory_space<vmem_shared>>
      tpu.enqueue_dma source(%dma_start3A_43 : memref<640x128xf32, #tpu.memory_space<vmem_shared>>) target(%dma_start3A_41 : memref<640x128xf32, #tpu.memory_space<hbm>>) target_semaphore(%run_scoped3A : memref<!tpu.dma_semaphore, #tpu.memory_space<semaphore_mem>>)
      %dma_wait3A_44 = arith.constant 0 : i32
      %dma_wait3A_45 = tpu.memref_slice %arg6[%arg0, %mul3A_38, %dma_wait3A_44] : memref<2x10240x128xf32, #tpu.memory_space<hbm>> -> memref<1x640x128xf32, #tpu.memory_space<hbm>>
      %dma_wait3A_46 = tpu.memref_squeeze %dma_wait3A_45 : memref<1x640x128xf32, #tpu.memory_space<hbm>> -> memref<640x128xf32, #tpu.memory_space<hbm>>
      %dma_wait3A_47 = arith.constant 0 : i32
      %dma_wait3A_48 = tpu.memref_slice %arg15[%mul3A_36, %dma_wait3A_47] : memref<10240x128xf32, #tpu.memory_space<vmem_shared>> -> memref<640x128xf32, #tpu.memory_space<vmem_shared>>
      tpu.wait_dma2 semaphore(%run_scoped3A : memref<!tpu.dma_semaphore, #tpu.memory_space<semaphore_mem>>) src(%dma_wait3A_48 : memref<640x128xf32, #tpu.memory_space<vmem_shared>>) dst(%dma_wait3A_46 : memref<640x128xf32, #tpu.memory_space<hbm>>)
      tpu.yield
    }) : () -> ()
    "tpu.region"() ({
      %run_scoped3A = tpu.sem_alloc : memref<!tpu.dma_semaphore, #tpu.memory_space<semaphore_mem>>
      %dma_start3A_39 = arith.constant 0 : i32
      %dma_start3A_40 = tpu.memref_slice %arg7[%add3A, %dma_start3A_39] : memref<32x10240xf32, #tpu.memory_space<hbm>> -> memref<1x10240xf32, #tpu.memory_space<hbm>>
      %dma_start3A_41 = tpu.memref_squeeze %dma_start3A_40 : memref<1x10240xf32, #tpu.memory_space<hbm>> -> memref<10240xf32, #tpu.memory_space<hbm>>
      %dma_start3A_42 = arith.constant 0 : i32
      %dma_start3A_43 = tpu.memref_slice %arg7[%add3A, %dma_start3A_42] : memref<32x10240xf32, #tpu.memory_space<hbm>> -> memref<1x10240xf32, #tpu.memory_space<hbm>>
      %dma_start3A_44 = tpu.memref_squeeze %dma_start3A_43 : memref<1x10240xf32, #tpu.memory_space<hbm>> -> memref<10240xf32, #tpu.memory_space<hbm>>
      tpu.enqueue_dma source(%arg14 : memref<10240xf32, #tpu.memory_space<vmem>>) target(%dma_start3A_44 : memref<10240xf32, #tpu.memory_space<hbm>>) target_semaphore(%run_scoped3A : memref<!tpu.dma_semaphore, #tpu.memory_space<semaphore_mem>>)
      %dma_wait3A_45 = arith.constant 0 : i32
      %dma_wait3A_46 = tpu.memref_slice %arg7[%add3A, %dma_wait3A_45] : memref<32x10240xf32, #tpu.memory_space<hbm>> -> memref<1x10240xf32, #tpu.memory_space<hbm>>
      %dma_wait3A_47 = tpu.memref_squeeze %dma_wait3A_46 : memref<1x10240xf32, #tpu.memory_space<hbm>> -> memref<10240xf32, #tpu.memory_space<hbm>>
      %dma_wait3A_48 = arith.constant 0 : i32
      %dma_wait3A_49 = tpu.memref_slice %arg7[%add3A, %dma_wait3A_48] : memref<32x10240xf32, #tpu.memory_space<hbm>> -> memref<1x10240xf32, #tpu.memory_space<hbm>>
      %dma_wait3A_50 = tpu.memref_squeeze %dma_wait3A_49 : memref<1x10240xf32, #tpu.memory_space<hbm>> -> memref<10240xf32, #tpu.memory_space<hbm>>
      tpu.wait_dma2 semaphore(%run_scoped3A : memref<!tpu.dma_semaphore, #tpu.memory_space<semaphore_mem>>) src(%arg14 : memref<10240xf32, #tpu.memory_space<vmem>>) dst(%dma_wait3A_50 : memref<10240xf32, #tpu.memory_space<hbm>>)
      tpu.yield
    }) : () -> ()
    return
  }
}

module attributes {stable_mosaic.version = 14 : i64} {
  func.func @_scale_body(%arg0: i32, %arg1: memref<1024x32xf32, #tpu.memory_space<vmem>>, %arg2: memref<1024x128xf32, #tpu.memory_space<vmem>>, %arg3: memref<1024x128xf32, #tpu.memory_space<vmem>>) attributes {dimension_semantics = [#tpu.dimension_semantics<arbitrary>], iteration_bounds = array<i64: 10>, scalar_prefetch = 0 : i64, scratch_operands = 0 : i64, tpu.core_type = #tpu.core_type<tc>, window_params = [{transform_indices = @transform_0, window_bounds = array<i64: 1024, 32>}, {transform_indices = @transform_1, window_bounds = array<i64: 1024, 128>}, {transform_indices = @transform_2, window_bounds = array<i64: 1024, 128>}]} {
    %get3A = arith.constant 0 : index
    %get3A_0 = arith.constant 0 : index
    %get3A_1 = vector.load %arg1[%get3A, %get3A_0] : memref<1024x32xf32, #tpu.memory_space<vmem>>, vector<1024x32xf32>
    %reduce_sum3A = arith.constant dense<0.000000e+00> : vector<1024xf32>
    %reduce_sum3A_2 = vector.multi_reduction <add>, %get3A_1, %reduce_sum3A [1] : vector<1024x32xf32> to vector<1024xf32>
    %broadcast_in_dim3A = vector.shape_cast %reduce_sum3A_2 : vector<1024xf32> to vector<1024x1xf32>
    %max3A = arith.constant 1.000000e+00 : f32
    %max3A_3 = vector.broadcast %max3A : f32 to vector<1024x1xf32>
    %max3A_4 = arith.maximumf %broadcast_in_dim3A, %max3A_3 : vector<1024x1xf32>
    %get3A_5 = arith.constant 0 : index
    %get3A_6 = arith.constant 0 : index
    %get3A_7 = vector.load %arg2[%get3A_5, %get3A_6] : memref<1024x128xf32, #tpu.memory_space<vmem>>, vector<1024x128xf32>
    %rsqrt3A = math.rsqrt %max3A_4 : vector<1024x1xf32>
    %mul3A = vector.broadcast %rsqrt3A : vector<1024x1xf32> to vector<1024x128xf32>
    %mul3A_8 = arith.mulf %get3A_7, %mul3A : vector<1024x128xf32>
    %swap3A = arith.constant 0 : index
    %swap3A_9 = arith.constant 0 : index
    %swap3A_10 = vector.load %arg3[%swap3A, %swap3A_9] : memref<1024x128xf32, #tpu.memory_space<vmem>>, vector<1024x128xf32>
    tpu.vector_store %arg3[%swap3A, %swap3A_9], %mul3A_8 {strides = array<i32>} : memref<1024x128xf32, #tpu.memory_space<vmem>>, vector<1024x128xf32>,
    return
  }
  func.func @transform_0(%arg0: i32) -> (i32, i32) {
    %c0_i32 = arith.constant 0 : i32
    %c0_i32_0 = arith.constant 0 : i32
    return %arg0, %c0_i32 : i32, i32
  }
  func.func @transform_1(%arg0: i32) -> (i32, i32) {
    %c0_i32 = arith.constant 0 : i32
    %c0_i32_0 = arith.constant 0 : i32
    return %arg0, %c0_i32 : i32, i32
  }
  func.func @transform_2(%arg0: i32) -> (i32, i32) {
    %c0_i32 = arith.constant 0 : i32
    %c0_i32_0 = arith.constant 0 : i32
    return %arg0, %c0_i32 : i32, i32
  }
}

module attributes {stable_mosaic.version = 14 : i64} {
  func.func @_final_body(%arg0: i32, %arg1: memref<1024x128xf32, #tpu.memory_space<vmem>>, %arg2: memref<1024x128xf32, #tpu.memory_space<vmem>>, %arg3: memref<1024x32xf32, #tpu.memory_space<vmem>>, %arg4: memref<128x128xf32, #tpu.memory_space<vmem>>, %arg5: memref<1x128xf32, #tpu.memory_space<vmem>>, %arg6: memref<1024x128xf32, #tpu.memory_space<vmem>>) attributes {dimension_semantics = [#tpu.dimension_semantics<arbitrary>], iteration_bounds = array<i64: 10>, scalar_prefetch = 0 : i64, scratch_operands = 0 : i64, tpu.core_type = #tpu.core_type<tc>, window_params = [{transform_indices = @transform_0, window_bounds = array<i64: 1024, 128>}, {transform_indices = @transform_1, window_bounds = array<i64: 1024, 128>}, {transform_indices = @transform_2, window_bounds = array<i64: 1024, 32>}, {pipeline_mode = #tpu.pipeline_mode<synchronous>, transform_indices = @transform_3, window_bounds = array<i64: 128, 128>}, {pipeline_mode = #tpu.pipeline_mode<synchronous>, transform_indices = @transform_4, window_bounds = array<i64: 1, 128>}, {transform_indices = @transform_5, window_bounds = array<i64: 1024, 128>}]} {
    %get3A = arith.constant 0 : index
    %get3A_0 = arith.constant 0 : index
    %get3A_1 = vector.load %arg1[%get3A, %get3A_0] : memref<1024x128xf32, #tpu.memory_space<vmem>>, vector<1024x128xf32>
    %get3A_2 = arith.constant 0 : index
    %get3A_3 = arith.constant 0 : index
    %get3A_4 = vector.load %arg2[%get3A_2, %get3A_3] : memref<1024x128xf32, #tpu.memory_space<vmem>>, vector<1024x128xf32>
    %add3A = arith.addf %get3A_1, %get3A_4 : vector<1024x128xf32>
    %get3A_5 = arith.constant 0 : index
    %get3A_6 = arith.constant 0 : index
    %get3A_7 = vector.load %arg4[%get3A_5, %get3A_6] : memref<128x128xf32, #tpu.memory_space<vmem>>, vector<128x128xf32>
    %dot_general3A = arith.constant dense<0.000000e+00> : vector<1024x128xf32>
    %dot_general3A_8 = tpu.matmul %add3A, %get3A_7, %dot_general3A {dimension_numbers = #tpu.dot_dimension_numbers<[1], [0], [0], [1], [0, 0, 1, 1], [], []>, transpose_lhs_hint = false} : vector<1024x128xf32>, vector<128x128xf32>, vector<1024x128xf32> -> vector<1024x128xf32>
    %get3A_9 = arith.constant 0 : index
    %get3A_10 = arith.constant 0 : index
    %get3A_11 = vector.load %arg3[%get3A_9, %get3A_10] : memref<1024x32xf32, #tpu.memory_space<vmem>>, vector<1024x32xf32>
    %reduce_sum3A = arith.constant dense<0.000000e+00> : vector<1024xf32>
    %reduce_sum3A_12 = vector.multi_reduction <add>, %get3A_11, %reduce_sum3A [1] : vector<1024x32xf32> to vector<1024xf32>
    %broadcast_in_dim3A = vector.shape_cast %reduce_sum3A_12 : vector<1024xf32> to vector<1024x1xf32>
    %max3A = arith.constant 1.000000e+00 : f32
    %max3A_13 = vector.broadcast %max3A : f32 to vector<1024x1xf32>
    %max3A_14 = arith.maximumf %broadcast_in_dim3A, %max3A_13 : vector<1024x1xf32>
    %rsqrt3A = math.rsqrt %max3A_14 : vector<1024x1xf32>
    %mul3A = vector.broadcast %rsqrt3A : vector<1024x1xf32> to vector<1024x128xf32>
    %mul3A_15 = arith.mulf %dot_general3A_8, %mul3A : vector<1024x128xf32>
    %get3A_16 = arith.constant 0 : index
    %get3A_17 = arith.constant 0 : index
    %get3A_18 = vector.load %arg5[%get3A_16, %get3A_17] : memref<1x128xf32, #tpu.memory_space<vmem>>, vector<1x128xf32>
    %add3A_19 = vector.broadcast %get3A_18 : vector<1x128xf32> to vector<1024x128xf32>
    %add3A_20 = arith.addf %mul3A_15, %add3A_19 : vector<1024x128xf32>
    %swap3A = arith.constant 0 : index
    %swap3A_21 = arith.constant 0 : index
    %swap3A_22 = vector.load %arg6[%swap3A, %swap3A_21] : memref<1024x128xf32, #tpu.memory_space<vmem>>, vector<1024x128xf32>
    tpu.vector_store %arg6[%swap3A, %swap3A_21], %add3A_20 {strides = array<i32>} : memref<1024x128xf32, #tpu.memory_space<vmem>>, vector<1024x128xf32>,
    return
  }
  func.func @transform_0(%arg0: i32) -> (i32, i32) {
    %c0_i32 = arith.constant 0 : i32
    %c0_i32_0 = arith.constant 0 : i32
    return %arg0, %c0_i32 : i32, i32
  }
  func.func @transform_1(%arg0: i32) -> (i32, i32) {
    %c0_i32 = arith.constant 0 : i32
    %c0_i32_0 = arith.constant 0 : i32
    return %arg0, %c0_i32 : i32, i32
  }
  func.func @transform_2(%arg0: i32) -> (i32, i32) {
    %c0_i32 = arith.constant 0 : i32
    %c0_i32_0 = arith.constant 0 : i32
    return %arg0, %c0_i32 : i32, i32
  }
  func.func @transform_3(%arg0: i32) -> (i32, i32) {
    %c0_i32 = arith.constant 0 : i32
    %c0_i32_0 = arith.constant 0 : i32
    %c0_i32_1 = arith.constant 0 : i32
    return %c0_i32, %c0_i32_0 : i32, i32
  }
  func.func @transform_4(%arg0: i32) -> (i32, i32) {
    %c0_i32 = arith.constant 0 : i32
    %c0_i32_0 = arith.constant 0 : i32
    %c0_i32_1 = arith.constant 0 : i32
    return %c0_i32, %c0_i32_0 : i32, i32
  }
  func.func @transform_5(%arg0: i32) -> (i32, i32) {
    %c0_i32 = arith.constant 0 : i32
    %c0_i32_0 = arith.constant 0 : i32
    return %arg0, %c0_i32 : i32, i32
  }
}

</mosaic_0001>

<sc_bundles>
// kernel: kernel.6.cloned.1.call-start
scs
__scs_entry_jumppad:
0x0: {  	(pc) =	sbr.rel $0x88, $3  }
0x1: {  	(tag) =	ssettag $0x0;
	lr =	simm.s32 $0x1  }
0x2: {  	[smem:$0x3F9D] =	sst lr;
	_ =	strace $0xD0000000  }
0x3: {  	_ = 	snop  }
0x4: {  	_ = 	snop  }
0x5: {  	_ = 	snop  }
0x6: {  	_ = 	snop  }
0x7: {  	_ = 	snop  }
__scs_overlays_trampoline_lowered:
0x8: {  	[smem:$0x3FAC] =	sst s0  }
0x9: {  	[smem:$0x3FAD] =	sst s1  }
0xa: {  	[smem:$0x3FAE] =	sst s2  }
0xb: {  	[smem:$0x3FAF] =	sst s3  }
0xc: {  	[smem:$0x3FB0] =	sst s4  }
0xd: {  	[smem:$0x3FB1] =	sst s5  }
0xe: {  	[smem:$0x3FB2] =	sst s6  }
0xf: {  	[smem:$0x3FB3] =	sst s7  }
0x10: {  	[smem:$0x3FB4] =	sst s8  }
0x11: {  	[smem:$0x3FB5] =	sst s9;
	s0 =	simm.s32 @!p0 $0x0  }
0x12: {  	s1 =	sld [smem:$0x3F9B];
	s0 =	simm.s32 @p0 $0x1  }
0x13: {  	[smem:$0x3FB6] =	sst s0;
	s0 =	simm.s32 @!p1 $0x0  }
0x14: {  	s2 =	sld [smem:$0x3F9A];
	s0 =	simm.s32 @p1 $0x1  }
0x15: {  	[smem:$0x3FB7] =	sst s0;
	s0 =	simm.s32 @!p2 $0x0  }
0x16: {  	s3 =	sld [smem:$0x3FDB];
	s0 =	simm.s32 @p2 $0x1  }
0x17: {  	s4 =	simm.s32 $0x1BF5;
	[smem:$0x3FB9] =	sst s0  }
0x18: {  	s0 =	sld [smem:$0x3F9C];
	_ =	swait.ge [sflag:s4], $0x0  }
0x19: {  	s7 =	sld [smem:$0x3F9D]  }
0x1a: {  	s8 =	sadd.s32 $0xFFFFE003, lr  }
0x1b: {  	s9 =	sadd.s32 $0xFFFFFEF7, lr;
	s5 =	simm.s32 $0xFFFFFFFF;
	p2 =	slt.u32 s8, $0xFFFFF086  }
0x1c: {  	p1 =	slt.u32 s9, $0xF7A;
	s5 =	simm.s32 @!p2 $0x0  }
0x1d: {  	s5 =	simm.s32 @p1 $0x1;
	p0 =	seq.s32 s7, s2  }
0x1e: {  	s7 =	smul.u32 @!p0 $0xF7A, s2;
	p2 =	seq.s32 @!p0 s5, $0x0  }
0x1f: {  	s9 =	smul.u32 $0xF7A, s1;
	s8 =	simm.s32 @!p0 $0x1BF5;
	p2 =	por !p2, p0  }
0x20: {  	[sflag:s8] =	ssyncset.s32 @!p0 $0xFFFFF086;
	s6 =	sadd.s32 @!p0 s3, s7;
	s7 =	simm.s32 @!p0 $0x108  }
0x21: {  	s3 =	sadd.s32 s3, s9;
	s6 =	sadd.s32 @!p0 $0x88, s6;
	s7 =	simm.s32 @p2 $0x1082  }
0x22: {  	[simem:s7], [sflag:s8] =	dma.local @!p0 [hbm:s6], $0xF7A  }
0x23: {  	s9 =	sor.u32 $0xD0000000, s2;
	s6 =	simm.s32 $0x108;
	_ =	swait.ge @!p0 [sflag:s8], $0x0  }
0x24: {  	s3 =	sadd.s32 $0x88, s3;
	s6 =	simm.s32 @!p1 $0x1082;
	[sflag:s4] =	ssyncset.s32 $0xFFFFF086  }
0x25: {  	[simem:s6], [sflag:s4] =	dma.local [hbm:s3], $0xF7A  }
0x26: {  	[smem:$0x3F9D] =	sst s1;
	(tag) =	ssettag s2;
	_ =	strace s9  }
0x27: {  	s1 =	sld [smem:$0x3FAD]  }
0x28: {  	s2 =	sld [smem:$0x3FAE]  }
0x29: {  	s4 =	sld [smem:$0x3FB0]  }
0x2a: {  	p0 =	seq.s32 s5, $0x0;
	s5 =	sld [smem:$0x3FB1]  }
0x2b: {  	s6 =	sld [smem:$0x3FB2]  }
0x2c: {  	s7 =	sld [smem:$0x3FB3]  }
0x2d: {  	s3 =	simm.s32 $0x108;
	s8 =	sld [smem:$0x3FB4]  }
0x2e: {  	s3 =	simm.s32 @!p0 $0x1082;
	s9 =	sld [smem:$0x3FB5]  }
0x2f: {  	lr =	sadd.s32 s0, s3;
	s0 =	sld [smem:$0x3FAC]  }
0x30: {  	s3 =	sld [smem:$0x3FAF]  }
0x31: {  	[smem:$0x3FB8] =	sst s10  }
0x32: {  	s10 =	sld [smem:$0x3FB6];
	_ =	sdelay $0x3  }
0x33: {  	p0 =	seq.s32 s10, $0x1;
	s10 =	sld [smem:$0x3FB8];
	_ =	sdelay $0x3  }
0x34: {  	[smem:$0x3FB8] =	sst s10  }
0x35: {  	s10 =	sld [smem:$0x3FB7];
	_ =	sdelay $0x3  }
0x36: {  	p1 =	seq.s32 s10, $0x1;
	s10 =	sld [smem:$0x3FB8];
	_ =	sdelay $0x3  }
0x37: {  	[smem:$0x3FB8] =	sst s10  }
0x38: {  	s10 =	sld [smem:$0x3FB9]  }
0x39: {  	_ = 	snop;
	(pc) =	sbr.ind lr, $3  }
0x3a: {  	_ = 	snop  }
0x3b: {  	_ = 	snop  }
0x3c: {  	p2 =	seq.s32 s10, $0x1;
	s10 =	sld [smem:$0x3FB8]  }
0x3d: {  	_ =	shalt  }
0x3e: {  	_ =	shalt  }
0x3f: {  	_ =	shalt  }
0x40: {  	_ =	shalt  }
0x41: {  	_ =	shalt  }
0x42: {  	_ =	shalt  }
0x43: {  	_ =	shalt  }
0x44: {  	_ =	shalt  }
0x45: {  	_ =	shalt  }
0x46: {  	_ =	shalt  }
0x47: {  	_ =	shalt  }
0x48: {  	_ =	shalt  }
0x49: {  	_ =	shalt  }
0x4a: {  	_ =	shalt  }
0x4b: {  	_ =	shalt  }
0x4c: {  	_ =	shalt  }
0x4d: {  	_ =	shalt  }
0x4e: {  	_ =	shalt  }
0x4f: {  	_ =	shalt  }
0x50: {  	_ =	shalt  }
0x51: {  	_ =	shalt  }
0x52: {  	_ =	shalt  }
0x53: {  	_ =	shalt  }
0x54: {  	_ =	shalt  }
0x55: {  	_ =	shalt  }
0x56: {  	_ =	shalt  }
0x57: {  	_ =	shalt  }
0x58: {  	_ =	shalt  }
0x59: {  	_ =	shalt  }
0x5a: {  	_ =	shalt  }
0x5b: {  	_ =	shalt  }
0x5c: {  	_ =	shalt  }
0x5d: {  	_ =	shalt  }
0x5e: {  	_ =	shalt  }
0x5f: {  	_ =	shalt  }
0x60: {  	_ =	shalt  }
0x61: {  	_ =	shalt  }
0x62: {  	_ =	shalt  }
0x63: {  	_ =	shalt  }
0x64: {  	_ =	shalt  }
0x65: {  	_ =	shalt  }
0x66: {  	_ =	shalt  }
0x67: {  	_ =	shalt  }
0x68: {  	_ =	shalt  }
0x69: {  	_ =	shalt  }
0x6a: {  	_ =	shalt  }
0x6b: {  	_ =	shalt  }
0x6c: {  	_ =	shalt  }
0x6d: {  	_ =	shalt  }
0x6e: {  	_ =	shalt  }
0x6f: {  	_ =	shalt  }
0x70: {  	_ =	shalt  }
0x71: {  	_ =	shalt  }
0x72: {  	_ =	shalt  }
0x73: {  	_ =	shalt  }
0x74: {  	_ =	shalt  }
0x75: {  	_ =	shalt  }
0x76: {  	_ =	shalt  }
0x77: {  	_ =	shalt  }
0x78: {  	_ =	shalt  }
0x79: {  	_ =	shalt  }
0x7a: {  	_ =	shalt  }
0x7b: {  	_ =	shalt  }
0x7c: {  	_ =	shalt  }
0x7d: {  	_ =	shalt  }
0x7e: {  	_ =	shalt  }
0x7f: {  	_ =	shalt  }
0x80: {  	_ =	shalt  }
0x81: {  	_ =	shalt  }
0x82: {  	_ =	shalt  }
0x83: {  	_ =	shalt  }
0x84: {  	_ =	shalt  }
0x85: {  	_ =	shalt  }
0x86: {  	_ =	shalt  }
0x87: {  	_ =	shalt  }
.Lfunc_end0:
.L_simem_size_0:
called_computation_lowered:
.L_overlay_start_0:
0x88: {  	s2 =	sld [smem:$0x3FD9]  }
0x89: {  	s3 =	sld [smem:$0x3FFE];
	_ =	sdelay $0x1  }
0x8a: {  	s1 =	srdreg.scid  }
0x8b: {  	s0 =	sand.u32 $0x1, s1  }
0x8c: {  	s17 =	sshll.u32 s0, $0xA;
	s2 =	sadd.s32 s3, s2  }
0x8d: {  	s2 =	sadd.s32 s2, s17  }
0x8e: {  	[smem:$0x3FC4] =	sst s2  }
0x8f: {  	_ = 	snop  }
0x90: {  	s2 =	sld [smem:$0x3FD0];
	(tm) =	ssettm $0x1  }
0x91: {  	s18 =	sld [smem:$0x3FFB];
	_ =	sdelay $0x3  }
0x92: {  	_ =	strace s18  }
0x93: {  	s3 =	sld [smem:$0x3FFC];
	_ =	sdelay $0x3  }
0x94: {  	_ =	strace s3  }
0x95: {  	s3 =	sld [smem:$0x3FFD];
	_ =	sdelay $0x3  }
0x96: {  	_ =	strace s3  }
0x97: {  	_ =	strace $0x8FFFFFFF  }
0x98: {  	s19 =	sld [smem:$0x3FDB];
	_ =	sdelay $0x1  }
0x99: {  	s4 =	simm.s32 $_scs_section_size  }
0x9a: {  	s5 =	simm.s32 $_size__tile_overlayer_lowered;
	s6 =	simm.s32 $_tile_overlayer_lowered  }
0x9b: {  	s22 =	simm.s32 $0x1BFF;
	s21 =	sshll.u32 s6, $0x1;
	s3 =	sadd.s32 s4, s19  }
0x9c: {  	s7 =	simm.s32 $0x0;
	s20 =	sshll.u32 s5, $0x1;
	s5 =	sadd.s32 s21, s3  }
0x9d: {  	[timem:s7], [sflag:s22] =	dma.local [hbm:s5], s20  }
0x9e: {  	_ =	swait.ge [sflag:s22], s20  }
0x9f: {  	s4 =	ssub.s32 $0x0, s20;
	[sflag:s22] =	ssyncset.done $0x0  }
0xa0: {  	[sflag:s22] =	ssyncadd.s32 s4;
	_ =	sdelay $0x1  }
0xa1: {  	s23 =	simm.s32 $0x1B8B  }
0xa2: {  	_ =	swait.ge [sflag:s23], $0x1  }
0xa3: {  	[sflag:s23] =	ssyncset.done $0x0  }
0xa4: {  	s25 =	simm.s32 $0x1B8E;
	s24 =	sld [smem:$0x3FFE];
	[sflag:s23] =	ssyncadd.s32 $0xFFFFFFFF  }
0xa5: {  	s26 =	simm.s32 $execute0_lowered;
	[smem:$0x3FD2] =	sst s25  }
0xa6: {  	s5 =	sshll.u32 s26, $0x1;
	_ =	strace $0x80000046;
	[dreg:$0x1] =	wrdreg $0xFFFFFFFF  }
0xa7: {  	s28 =	simm.s32 $_size_execute0_lowered;
	s3 =	sadd.s32 s3, s5;
	[dreg:$0x0] =	wrdreg $0x0  }
0xa8: {  	s5 =	sshll.u32 s28, $0x1;
	[dreg:$0x2] =	wrdreg s3  }
0xa9: {  	[dreg:$0x3] =	wrdreg s5  }
0xaa: {  	[dreg:$0x4] =	wrdreg $0xC0  }
0xab: {  	_ =	task [dreg:s7], $0x5FFFF  }
0xac: {  	[dreg:$0x1] =	wrdreg $0xFFFFFFFF  }
0xad: {  	[dreg:$0x0] =	wrdreg $0x60  }
0xae: {  	[dreg:$0x2] =	wrdreg s2  }
0xaf: {  	[dreg:$0x3] =	wrdreg s24  }
0xb0: {  	[dreg:$0x4] =	wrdreg $0x9  }
0xb1: {  	_ =	task.clear_ibuf [dreg:s7], $0x5FFFF;
	_ =	strace $0x90000046  }
0xb2: {  	s29 =	simm.s32 $0x9;
	_ =	strace $0x80000048  }
0xb3: {  	_ =	swait.ge [sflag:s29], $0x1  }
0xb4: {  	[sflag:s29] =	ssyncadd.s32 $0xFFFFFFFF  }
0xb5: {  	_ =	strace $0x90000048  }
0xb6: {  	_ =	sfence  }
0xb7: {  	s30 =	sld [smem:$0x0];
	_ =	sdelay $0x2  }
0xb8: {  	s31 =	sshll.u32 s1, $0xD;
	s1 =	sshrl.u32 s1, $0x2  }
0xb9: {  	s3 =	sand.u32 $0x4000, s31;
	s1 =	sadd.s32 s1, s30  }
0xba: {  	s0 =	sor.u32 s3, s0;
	s1 =	sshll.u32 s1, $0x11  }
0xbb: {  	s0 =	sor.u32 s1, s0  }
0xbc: {  	s0 =	sadd.s32 $0x8F2B, s0  }
0xbd: {  	[sflag:s0] =	ssyncadd.remote.s32 $0x1  }
0xbe: {  	_ =	sfence.sel $0xFFFF  }
0xbf: {  	[dreg:$0x0] =	wrdreg $0xFFFFFFFF;
	(pc) =	sbr.abs _section_cstart, $3  }
0xc0: {  	[dreg:$0x1] =	wrdreg $0xFFFFFFFF  }
0xc1: {  	_ =	task.clear_ibuf [dreg:s7], $0x2FFFF;
	_ =	strace $0x9FFFFFFF  }
0xc2: {  	(tm) =	ssettm $0x7FFFFFFF  }
0xc3: {  	_ =	shalt  }
tec
execute0_lowered:
.L_overlay_start_1:
0x0: {  	(tag) =	ssettag $0x1  }
0x1: {  	s1 =	rddreg [dreg:$0x0]  }
0x2: {  	s5 =	rddreg [dreg:$0x1]  }
0x3: {  	s0 =	rddreg [dreg:$0x2];
	s3 =	simm.s32 $0x0  }
0x4: {  	s4 =	srdreg.scid;
	s2 =	stileid.u32;
	s13 =	simm.s32 $0x400  }
0x5: {  	s14 =	simm.s32 $0x2;
	s15 =	simm.s32 $0x80;
	s16 =	simm.s32 $0x3  }
0x6: {  	s17 =	simm.s32 $0x0;
	s11 =	sand.u32 $0x1, s4;
	s4 =	smul.u32 $0x5000, s2  }
0x7: {  	s25 =	sshrl.u32 s2, $0x2;
	s6 =	sshll.u32 s2, $0x8;
	s12 =	smul.u32 $0xA00, s2  }
0x8: {  	[smem:$0x7FF] =	sst s3;
	s7 =	smul.u32 $0x14000, s25;
	s26 =	sshll.u32 s11, $0x7  }
0x9: {  	s6 =	sand.u32 $0x300, s6;
	s28 =	ssub.s32 $0x2, s11;
	s8 =	smul.u32 $0x3C00, s11  }
0xa: {  	_ =	strace $0x80000047;
	p0 =	sne.s32 s11, $0x0;
	s6 =	sor.u32 s26, s6  }
0xb: {  	s11 =	simm.s32 $0x1;
	s9 =	sshrl.u32 s28, $0x1;
	s6 =	sor.u32 s7, s6  }
.Ltmp0:
0xc: {  	s31 =	sadd.s32 s12, s1;
	s6 =	sshrl.u32 s6, $0x3;
	(pc) =	sbr.rel .LBB2_1-.Ltmp0, $4  }
0xd: {  	s12 =	simm.s32 $0x200;
	s10 =	sadd.s32 s6, s5;
	s5 =	sadd.s32 s8, s4  }
0xe: {  	s9 =	ssub.s32 s28, s9;
	s29 =	sshrl.u32 s5, $0x3;
	s8 =	sor.u32 $0x200, s5  }
0xf: {  	s7 =	sadd.s32 $0x1600, s10;
	s10 =	sadd.s32 $0x40, s31;
	s30 =	sshrl.u32 s8, $0x3  }
0x10: {  	v0 =	vimm.f32 $0.0e+00;
	v1 =	vimm.f32 $1.000000000e+00;
	s6 =	sadd.s32 s1, s29;
	s8 =	smax.u32 s9, $0x1;
	s9 =	sadd.s32 s30, s1  }
.LBB2_6:
0x11: {  	_ =	swait.ge [sflag:s11], $0x200;
	s17 =	sadd.s32 $0x1, s17  }
0x12: {  	[sflag:s11] =	ssyncset.done $0x0;
	p1 =	sne.s32 s17, s8  }
.Ltmp1:
0x13: {  	[sflag:s11] =	ssyncadd.s32 $0xFFFFFE00;
	(pc) =	sbr.rel @!p1 .LBB2_7-.Ltmp1, $4  }
0x14: {  	[hbm4b:s7+s15] =	stream.strided.scatter [tilespmem:s13], [sflag:$0x3], $0x2800, s13, s15, $0x38;
	[tilespmem:$0x2C00] =	vst v63  }
0x15: {  	_ =	swait.ge [sflag:s16], $0x2800  }
0x16: {  	[sflag:s16] =	ssyncset.done $0x0  }
0x17: {  	[sflag:s16] =	ssyncadd.s32 $0xFFFFD800  }
.LBB2_1:
0x18: {  	[tilespmem:s3], [sflag:$0x1] =	stream.linear.gather [hbm4b:s6+s3], $0x200, $0x38;
	[tilespmem:$0x2C00] =	vst v63  }
0x19: {  	s19 =	simm.s32 $0x100;
	s18 =	simm.s32 $0x0  }
.LBB2_2:
0x1a: {  	p1 =	sne.s32 s19, $0x9F00;
	[tilespmem:s18+$0x430] =	vst v0;
	s20 =	smov.u32 s19;
	s19 =	sadd.s32 $0x100, s19  }
.Ltmp2:
0x1b: {  	[tilespmem:s18+$0x420] =	vst v0;
	(pc) =	sbr.rel @p1 .LBB2_2-.Ltmp2, $3  }
0x1c: {  	[tilespmem:s18+$0x400] =	vst v0  }
0x1d: {  	[tilespmem:s18+$0x410] =	vst v0;
	_ =	sdelay $0x1  }
0x1e: {  	s18 =	sshra.s32 s20, $0x2  }
.Ltmp3:
0x1f: {  	(pc) =	sbr.rel @p0 .LBB2_5-.Ltmp3, $4  }
0x20: {  	[tilespmem:s18+$0x430] =	vst v0  }
0x21: {  	[tilespmem:s18+$0x420] =	vst v0  }
0x22: {  	[tilespmem:s18+$0x400] =	vst v0  }
0x23: {  	[tilespmem:s18+$0x410] =	vst v0;
	s18 =	simm.s32 $0x400;
	s19 =	smov.u32 s10;
	s20 =	smov.u32 s9  }
.LBB2_4:
0x24: {  	_ =	swait.ge [sflag:s11], $0x200  }
0x25: {  	[sflag:s11] =	ssyncset.done $0x0  }
0x26: {  	[sflag:s11] =	ssyncadd.s32 $0xFFFFFE00  }
0x27: {  	[tilespmem:s12], [sflag:$0x2] =	stream.linear.gather [hbm4b:s19+s3], $0x200, $0x38;
	[tilespmem:$0x2C00] =	vst v63  }
0x28: {  	v2 =	vld [tilespmem:$0x0];
	_ =	sdelay $0x7  }
0x29: {  	[tilespmem:v2+s13+$0x0] =	vst.idx.add.f32.msk $0xffff, v1  }
0x2a: {  	v2 =	vld [tilespmem:$0x10];
	_ =	sdelay $0x7  }
0x2b: {  	[tilespmem:v2+s13+$0x0] =	vst.idx.add.f32.msk $0xffff, v1  }
0x2c: {  	v2 =	vld [tilespmem:$0x20];
	_ =	sdelay $0x7  }
0x2d: {  	[tilespmem:v2+s13+$0x0] =	vst.idx.add.f32.msk $0xffff, v1  }
0x2e: {  	v2 =	vld [tilespmem:$0x30];
	_ =	sdelay $0x7  }
0x2f: {  	[tilespmem:v2+s13+$0x0] =	vst.idx.add.f32.msk $0xffff, v1  }
0x30: {  	v2 =	vld [tilespmem:$0x40];
	_ =	sdelay $0x7  }
0x31: {  	[tilespmem:v2+s13+$0x0] =	vst.idx.add.f32.msk $0xffff, v1  }
0x32: {  	v2 =	vld [tilespmem:$0x50];
	_ =	sdelay $0x7  }
0x33: {  	[tilespmem:v2+s13+$0x0] =	vst.idx.add.f32.msk $0xffff, v1  }
0x34: {  	v2 =	vld [tilespmem:$0x60];
	_ =	sdelay $0x7  }
0x35: {  	[tilespmem:v2+s13+$0x0] =	vst.idx.add.f32.msk $0xffff, v1  }
0x36: {  	v2 =	vld [tilespmem:$0x70];
	_ =	sdelay $0x7  }
0x37: {  	[tilespmem:v2+s13+$0x0] =	vst.idx.add.f32.msk $0xffff, v1  }
0x38: {  	v2 =	vld [tilespmem:$0x80];
	_ =	sdelay $0x7  }
0x39: {  	[tilespmem:v2+s13+$0x0] =	vst.idx.add.f32.msk $0xffff, v1  }
0x3a: {  	v2 =	vld [tilespmem:$0x90];
	_ =	sdelay $0x7  }
0x3b: {  	[tilespmem:v2+s13+$0x0] =	vst.idx.add.f32.msk $0xffff, v1  }
0x3c: {  	v2 =	vld [tilespmem:$0xA0];
	_ =	sdelay $0x7  }
0x3d: {  	[tilespmem:v2+s13+$0x0] =	vst.idx.add.f32.msk $0xffff, v1  }
0x3e: {  	v2 =	vld [tilespmem:$0xB0];
	_ =	sdelay $0x7  }
0x3f: {  	[tilespmem:v2+s13+$0x0] =	vst.idx.add.f32.msk $0xffff, v1  }
0x40: {  	v2 =	vld [tilespmem:$0xC0];
	_ =	sdelay $0x7  }
0x41: {  	[tilespmem:v2+s13+$0x0] =	vst.idx.add.f32.msk $0xffff, v1  }
0x42: {  	v2 =	vld [tilespmem:$0xD0];
	_ =	sdelay $0x7  }
0x43: {  	[tilespmem:v2+s13+$0x0] =	vst.idx.add.f32.msk $0xffff, v1  }
0x44: {  	v2 =	vld [tilespmem:$0xE0];
	_ =	sdelay $0x7  }
0x45: {  	[tilespmem:v2+s13+$0x0] =	vst.idx.add.f32.msk $0xffff, v1  }
0x46: {  	v2 =	vld [tilespmem:$0xF0];
	_ =	sdelay $0x7  }
0x47: {  	[tilespmem:v2+s13+$0x0] =	vst.idx.add.f32.msk $0xffff, v1  }
0x48: {  	v2 =	vld [tilespmem:$0x100];
	_ =	sdelay $0x7  }
0x49: {  	[tilespmem:v2+s13+$0x0] =	vst.idx.add.f32.msk $0xffff, v1  }
0x4a: {  	v2 =	vld [tilespmem:$0x110];
	_ =	sdelay $0x7  }
0x4b: {  	[tilespmem:v2+s13+$0x0] =	vst.idx.add.f32.msk $0xffff, v1  }
0x4c: {  	v2 =	vld [tilespmem:$0x120];
	_ =	sdelay $0x7  }
0x4d: {  	[tilespmem:v2+s13+$0x0] =	vst.idx.add.f32.msk $0xffff, v1  }
0x4e: {  	v2 =	vld [tilespmem:$0x130];
	_ =	sdelay $0x7  }
0x4f: {  	[tilespmem:v2+s13+$0x0] =	vst.idx.add.f32.msk $0xffff, v1  }
0x50: {  	v2 =	vld [tilespmem:$0x140];
	_ =	sdelay $0x7  }
0x51: {  	[tilespmem:v2+s13+$0x0] =	vst.idx.add.f32.msk $0xffff, v1  }
0x52: {  	v2 =	vld [tilespmem:$0x150];
	_ =	sdelay $0x7  }
0x53: {  	[tilespmem:v2+s13+$0x0] =	vst.idx.add.f32.msk $0xffff, v1  }
0x54: {  	v2 =	vld [tilespmem:$0x160];
	_ =	sdelay $0x7  }
0x55: {  	[tilespmem:v2+s13+$0x0] =	vst.idx.add.f32.msk $0xffff, v1  }
0x56: {  	v2 =	vld [tilespmem:$0x170];
	_ =	sdelay $0x7  }
0x57: {  	[tilespmem:v2+s13+$0x0] =	vst.idx.add.f32.msk $0xffff, v1  }
0x58: {  	v2 =	vld [tilespmem:$0x180];
	_ =	sdelay $0x7  }
0x59: {  	[tilespmem:v2+s13+$0x0] =	vst.idx.add.f32.msk $0xffff, v1  }
0x5a: {  	v2 =	vld [tilespmem:$0x190];
	_ =	sdelay $0x7  }
0x5b: {  	[tilespmem:v2+s13+$0x0] =	vst.idx.add.f32.msk $0xffff, v1  }
0x5c: {  	v2 =	vld [tilespmem:$0x1A0];
	_ =	sdelay $0x7  }
0x5d: {  	[tilespmem:v2+s13+$0x0] =	vst.idx.add.f32.msk $0xffff, v1  }
0x5e: {  	v2 =	vld [tilespmem:$0x1B0];
	_ =	sdelay $0x7  }
0x5f: {  	[tilespmem:v2+s13+$0x0] =	vst.idx.add.f32.msk $0xffff, v1  }
0x60: {  	v2 =	vld [tilespmem:$0x1C0];
	_ =	sdelay $0x7  }
0x61: {  	[tilespmem:v2+s13+$0x0] =	vst.idx.add.f32.msk $0xffff, v1  }
0x62: {  	v2 =	vld [tilespmem:$0x1D0];
	_ =	sdelay $0x7  }
0x63: {  	[tilespmem:v2+s13+$0x0] =	vst.idx.add.f32.msk $0xffff, v1  }
0x64: {  	v2 =	vld [tilespmem:$0x1E0];
	_ =	sdelay $0x7  }
0x65: {  	[tilespmem:v2+s13+$0x0] =	vst.idx.add.f32.msk $0xffff, v1  }
0x66: {  	v2 =	vld [tilespmem:$0x1F0];
	_ =	sdelay $0x6  }
0x67: {  	p1 =	seq.s32 s18, $0x3C00;
	s20 =	smov.u32 s18  }
0x68: {  	s20 =	simm.s32 @p1 $0x0;
	[tilespmem:v2+s13+$0x0] =	vst.idx.add.f32.msk $0xffff, v1  }
0x69: {  	s20 =	sadd.s32 s4, s20;
	_ =	swait.ge [sflag:s14], $0x200  }
0x6a: {  	s20 =	sshrl.u32 s20, $0x3;
	[sflag:s14] =	ssyncset.done $0x0  }
0x6b: {  	s20 =	sadd.s32 s1, s20;
	[sflag:s14] =	ssyncadd.s32 $0xFFFFFE00  }
0x6c: {  	[tilespmem:s3], [sflag:$0x1] =	stream.linear.gather [hbm4b:s20+s3], $0x200, $0x38;
	[tilespmem:$0x2C00] =	vst v63  }
0x6d: {  	v2 =	vld [tilespmem:$0x200];
	_ =	sdelay $0x7  }
0x6e: {  	[tilespmem:v2+s13+$0x0] =	vst.idx.add.f32.msk $0xffff, v1  }
0x6f: {  	v2 =	vld [tilespmem:$0x210];
	_ =	sdelay $0x7  }
0x70: {  	[tilespmem:v2+s13+$0x0] =	vst.idx.add.f32.msk $0xffff, v1  }
0x71: {  	v2 =	vld [tilespmem:$0x220];
	_ =	sdelay $0x7  }
0x72: {  	[tilespmem:v2+s13+$0x0] =	vst.idx.add.f32.msk $0xffff, v1  }
0x73: {  	v2 =	vld [tilespmem:$0x230];
	_ =	sdelay $0x7  }
0x74: {  	[tilespmem:v2+s13+$0x0] =	vst.idx.add.f32.msk $0xffff, v1  }
0x75: {  	v2 =	vld [tilespmem:$0x240];
	_ =	sdelay $0x7  }
0x76: {  	[tilespmem:v2+s13+$0x0] =	vst.idx.add.f32.msk $0xffff, v1  }
0x77: {  	v2 =	vld [tilespmem:$0x250];
	_ =	sdelay $0x7  }
0x78: {  	[tilespmem:v2+s13+$0x0] =	vst.idx.add.f32.msk $0xffff, v1  }
0x79: {  	v2 =	vld [tilespmem:$0x260];
	_ =	sdelay $0x7  }
0x7a: {  	[tilespmem:v2+s13+$0x0] =	vst.idx.add.f32.msk $0xffff, v1  }
0x7b: {  	v2 =	vld [tilespmem:$0x270];
	_ =	sdelay $0x7  }
0x7c: {  	[tilespmem:v2+s13+$0x0] =	vst.idx.add.f32.msk $0xffff, v1  }
0x7d: {  	v2 =	vld [tilespmem:$0x280];
	_ =	sdelay $0x7  }
0x7e: {  	[tilespmem:v2+s13+$0x0] =	vst.idx.add.f32.msk $0xffff, v1  }
0x7f: {  	v2 =	vld [tilespmem:$0x290];
	_ =	sdelay $0x7  }
0x80: {  	[tilespmem:v2+s13+$0x0] =	vst.idx.add.f32.msk $0xffff, v1  }
0x81: {  	v2 =	vld [tilespmem:$0x2A0];
	_ =	sdelay $0x7  }
0x82: {  	[tilespmem:v2+s13+$0x0] =	vst.idx.add.f32.msk $0xffff, v1  }
0x83: {  	v2 =	vld [tilespmem:$0x2B0];
	_ =	sdelay $0x7  }
0x84: {  	[tilespmem:v2+s13+$0x0] =	vst.idx.add.f32.msk $0xffff, v1  }
0x85: {  	v2 =	vld [tilespmem:$0x2C0];
	_ =	sdelay $0x7  }
0x86: {  	[tilespmem:v2+s13+$0x0] =	vst.idx.add.f32.msk $0xffff, v1  }
0x87: {  	v2 =	vld [tilespmem:$0x2D0];
	_ =	sdelay $0x7  }
0x88: {  	[tilespmem:v2+s13+$0x0] =	vst.idx.add.f32.msk $0xffff, v1  }
0x89: {  	v2 =	vld [tilespmem:$0x2E0];
	_ =	sdelay $0x7  }
0x8a: {  	[tilespmem:v2+s13+$0x0] =	vst.idx.add.f32.msk $0xffff, v1  }
0x8b: {  	v2 =	vld [tilespmem:$0x2F0];
	_ =	sdelay $0x7  }
0x8c: {  	[tilespmem:v2+s13+$0x0] =	vst.idx.add.f32.msk $0xffff, v1  }
0x8d: {  	v2 =	vld [tilespmem:$0x300];
	_ =	sdelay $0x7  }
0x8e: {  	[tilespmem:v2+s13+$0x0] =	vst.idx.add.f32.msk $0xffff, v1  }
0x8f: {  	v2 =	vld [tilespmem:$0x310];
	_ =	sdelay $0x7  }
0x90: {  	[tilespmem:v2+s13+$0x0] =	vst.idx.add.f32.msk $0xffff, v1  }
0x91: {  	v2 =	vld [tilespmem:$0x320];
	_ =	sdelay $0x7  }
0x92: {  	[tilespmem:v2+s13+$0x0] =	vst.idx.add.f32.msk $0xffff, v1  }
0x93: {  	v2 =	vld [tilespmem:$0x330];
	_ =	sdelay $0x7  }
0x94: {  	[tilespmem:v2+s13+$0x0] =	vst.idx.add.f32.msk $0xffff, v1  }
0x95: {  	v2 =	vld [tilespmem:$0x340];
	_ =	sdelay $0x7  }
0x96: {  	[tilespmem:v2+s13+$0x0] =	vst.idx.add.f32.msk $0xffff, v1  }
0x97: {  	v2 =	vld [tilespmem:$0x350];
	_ =	sdelay $0x7  }
0x98: {  	[tilespmem:v2+s13+$0x0] =	vst.idx.add.f32.msk $0xffff, v1  }
0x99: {  	v2 =	vld [tilespmem:$0x360];
	_ =	sdelay $0x7  }
0x9a: {  	[tilespmem:v2+s13+$0x0] =	vst.idx.add.f32.msk $0xffff, v1  }
0x9b: {  	v2 =	vld [tilespmem:$0x370];
	_ =	sdelay $0x7  }
0x9c: {  	[tilespmem:v2+s13+$0x0] =	vst.idx.add.f32.msk $0xffff, v1  }
0x9d: {  	v2 =	vld [tilespmem:$0x380];
	_ =	sdelay $0x7  }
0x9e: {  	[tilespmem:v2+s13+$0x0] =	vst.idx.add.f32.msk $0xffff, v1  }
0x9f: {  	v2 =	vld [tilespmem:$0x390];
	_ =	sdelay $0x7  }
0xa0: {  	[tilespmem:v2+s13+$0x0] =	vst.idx.add.f32.msk $0xffff, v1  }
0xa1: {  	v2 =	vld [tilespmem:$0x3A0];
	_ =	sdelay $0x7  }
0xa2: {  	[tilespmem:v2+s13+$0x0] =	vst.idx.add.f32.msk $0xffff, v1  }
0xa3: {  	v2 =	vld [tilespmem:$0x3B0];
	_ =	sdelay $0x7  }
0xa4: {  	[tilespmem:v2+s13+$0x0] =	vst.idx.add.f32.msk $0xffff, v1  }
0xa5: {  	v2 =	vld [tilespmem:$0x3C0];
	_ =	sdelay $0x7  }
0xa6: {  	[tilespmem:v2+s13+$0x0] =	vst.idx.add.f32.msk $0xffff, v1  }
0xa7: {  	v2 =	vld [tilespmem:$0x3D0];
	_ =	sdelay $0x7  }
0xa8: {  	[tilespmem:v2+s13+$0x0] =	vst.idx.add.f32.msk $0xffff, v1  }
0xa9: {  	v2 =	vld [tilespmem:$0x3E0];
	_ =	sdelay $0x7  }
0xaa: {  	[tilespmem:v2+s13+$0x0] =	vst.idx.add.f32.msk $0xffff, v1  }
0xab: {  	v2 =	vld [tilespmem:$0x3F0];
	_ =	sdelay $0x3  }
.Ltmp4:
0xac: {  	_ = 	snop;
	(pc) =	sbr.rel @!p1 .LBB2_4-.Ltmp4, $2  }
0xad: {  	_ =	sdelay $0x2  }
0xae: {  	s18 =	sadd.s32 $0x400, s18;
	s19 =	sadd.s32 $0x80, s19;
	[tilespmem:v2+s13+$0x0] =	vst.idx.add.f32.msk $0xffff, v1  }
.Ltmp5:
0xaf: {  	_ = 	snop;
	(pc) =	sbr.rel .LBB2_6-.Ltmp5, $1  }
0xb0: {  	_ =	sdelay $0x3  }
.LBB2_5:
0xb1: {  	_ =	swait.ge [sflag:s11], $0x200  }
0xb2: {  	[sflag:s11] =	ssyncset.done $0x0  }
0xb3: {  	[sflag:s11] =	ssyncadd.s32 $0xFFFFFE00  }
0xb4: {  	[tilespmem:s12], [sflag:$0x2] =	stream.linear.gather [hbm4b:s20+s3], $0x200, $0x38;
	[tilespmem:$0x2C00] =	vst v63  }
0xb5: {  	v2 =	vld [tilespmem:$0x0];
	_ =	sdelay $0x7  }
0xb6: {  	[tilespmem:v2+s13+$0x0] =	vst.idx.add.f32.msk $0xffff, v1  }
0xb7: {  	v2 =	vld [tilespmem:$0x10];
	_ =	sdelay $0x7  }
0xb8: {  	[tilespmem:v2+s13+$0x0] =	vst.idx.add.f32.msk $0xffff, v1  }
0xb9: {  	v2 =	vld [tilespmem:$0x20];
	_ =	sdelay $0x7  }
0xba: {  	[tilespmem:v2+s13+$0x0] =	vst.idx.add.f32.msk $0xffff, v1  }
0xbb: {  	v2 =	vld [tilespmem:$0x30];
	_ =	sdelay $0x7  }
0xbc: {  	[tilespmem:v2+s13+$0x0] =	vst.idx.add.f32.msk $0xffff, v1  }
0xbd: {  	v2 =	vld [tilespmem:$0x40];
	_ =	sdelay $0x7  }
0xbe: {  	[tilespmem:v2+s13+$0x0] =	vst.idx.add.f32.msk $0xffff, v1  }
0xbf: {  	v2 =	vld [tilespmem:$0x50];
	_ =	sdelay $0x7  }
0xc0: {  	[tilespmem:v2+s13+$0x0] =	vst.idx.add.f32.msk $0xffff, v1  }
0xc1: {  	v2 =	vld [tilespmem:$0x60];
	_ =	sdelay $0x7  }
0xc2: {  	[tilespmem:v2+s13+$0x0] =	vst.idx.add.f32.msk $0xffff, v1  }
0xc3: {  	v2 =	vld [tilespmem:$0x70];
	_ =	sdelay $0x7  }
0xc4: {  	[tilespmem:v2+s13+$0x0] =	vst.idx.add.f32.msk $0xffff, v1  }
0xc5: {  	v2 =	vld [tilespmem:$0x80];
	_ =	sdelay $0x7  }
0xc6: {  	[tilespmem:v2+s13+$0x0] =	vst.idx.add.f32.msk $0xffff, v1  }
0xc7: {  	v2 =	vld [tilespmem:$0x90];
	_ =	sdelay $0x7  }
0xc8: {  	[tilespmem:v2+s13+$0x0] =	vst.idx.add.f32.msk $0xffff, v1  }
0xc9: {  	v2 =	vld [tilespmem:$0xA0];
	_ =	sdelay $0x7  }
0xca: {  	[tilespmem:v2+s13+$0x0] =	vst.idx.add.f32.msk $0xffff, v1  }
0xcb: {  	v2 =	vld [tilespmem:$0xB0];
	_ =	sdelay $0x7  }
0xcc: {  	[tilespmem:v2+s13+$0x0] =	vst.idx.add.f32.msk $0xffff, v1  }
0xcd: {  	v2 =	vld [tilespmem:$0xC0];
	_ =	sdelay $0x7  }
0xce: {  	[tilespmem:v2+s13+$0x0] =	vst.idx.add.f32.msk $0xffff, v1  }
0xcf: {  	v2 =	vld [tilespmem:$0xD0];
	_ =	sdelay $0x7  }
0xd0: {  	[tilespmem:v2+s13+$0x0] =	vst.idx.add.f32.msk $0xffff, v1  }
0xd1: {  	v2 =	vld [tilespmem:$0xE0];
	_ =	sdelay $0x7  }
0xd2: {  	[tilespmem:v2+s13+$0x0] =	vst.idx.add.f32.msk $0xffff, v1  }
0xd3: {  	v2 =	vld [tilespmem:$0xF0];
	_ =	sdelay $0x7  }
0xd4: {  	[tilespmem:v2+s13+$0x0] =	vst.idx.add.f32.msk $0xffff, v1  }
0xd5: {  	v2 =	vld [tilespmem:$0x100];
	_ =	sdelay $0x7  }
0xd6: {  	[tilespmem:v2+s13+$0x0] =	vst.idx.add.f32.msk $0xffff, v1  }
0xd7: {  	v2 =	vld [tilespmem:$0x110];
	_ =	sdelay $0x7  }
0xd8: {  	[tilespmem:v2+s13+$0x0] =	vst.idx.add.f32.msk $0xffff, v1  }
0xd9: {  	v2 =	vld [tilespmem:$0x120];
	_ =	sdelay $0x7  }
0xda: {  	[tilespmem:v2+s13+$0x0] =	vst.idx.add.f32.msk $0xffff, v1  }
0xdb: {  	v2 =	vld [tilespmem:$0x130];
	_ =	sdelay $0x7  }
0xdc: {  	[tilespmem:v2+s13+$0x0] =	vst.idx.add.f32.msk $0xffff, v1  }
0xdd: {  	v2 =	vld [tilespmem:$0x140];
	_ =	sdelay $0x7  }
0xde: {  	[tilespmem:v2+s13+$0x0] =	vst.idx.add.f32.msk $0xffff, v1  }
0xdf: {  	v2 =	vld [tilespmem:$0x150];
	_ =	sdelay $0x7  }
0xe0: {  	[tilespmem:v2+s13+$0x0] =	vst.idx.add.f32.msk $0xffff, v1  }
0xe1: {  	v2 =	vld [tilespmem:$0x160];
	_ =	sdelay $0x7  }
0xe2: {  	[tilespmem:v2+s13+$0x0] =	vst.idx.add.f32.msk $0xffff, v1  }
0xe3: {  	v2 =	vld [tilespmem:$0x170];
	_ =	sdelay $0x7  }
0xe4: {  	[tilespmem:v2+s13+$0x0] =	vst.idx.add.f32.msk $0xffff, v1  }
0xe5: {  	v2 =	vld [tilespmem:$0x180];
	_ =	sdelay $0x7  }
0xe6: {  	[tilespmem:v2+s13+$0x0] =	vst.idx.add.f32.msk $0xffff, v1  }
0xe7: {  	v2 =	vld [tilespmem:$0x190];
	_ =	sdelay $0x7  }
0xe8: {  	[tilespmem:v2+s13+$0x0] =	vst.idx.add.f32.msk $0xffff, v1  }
0xe9: {  	v2 =	vld [tilespmem:$0x1A0];
	_ =	sdelay $0x7  }
0xea: {  	[tilespmem:v2+s13+$0x0] =	vst.idx.add.f32.msk $0xffff, v1  }
0xeb: {  	v2 =	vld [tilespmem:$0x1B0];
	_ =	sdelay $0x7  }
0xec: {  	[tilespmem:v2+s13+$0x0] =	vst.idx.add.f32.msk $0xffff, v1  }
0xed: {  	v2 =	vld [tilespmem:$0x1C0];
	_ =	sdelay $0x7  }
0xee: {  	[tilespmem:v2+s13+$0x0] =	vst.idx.add.f32.msk $0xffff, v1  }
0xef: {  	v2 =	vld [tilespmem:$0x1D0];
	_ =	sdelay $0x7  }
0xf0: {  	[tilespmem:v2+s13+$0x0] =	vst.idx.add.f32.msk $0xffff, v1  }
0xf1: {  	v2 =	vld [tilespmem:$0x1E0];
	_ =	sdelay $0x7  }
0xf2: {  	[tilespmem:v2+s13+$0x0] =	vst.idx.add.f32.msk $0xffff, v1  }
0xf3: {  	v2 =	vld [tilespmem:$0x1F0];
	_ =	sdelay $0x6  }
0xf4: {  	p1 =	seq.s32 s18, $0x1400;
	s19 =	smov.u32 s18  }
0xf5: {  	s19 =	simm.s32 @p1 $0x4;
	[tilespmem:v2+s13+$0x0] =	vst.idx.add.f32.msk $0xffff, v1  }
0xf6: {  	s19 =	sadd.s32 s5, s19;
	_ =	swait.ge [sflag:s14], $0x200  }
0xf7: {  	s19 =	sshrl.u32 s19, $0x3;
	[sflag:s14] =	ssyncset.done $0x0  }
0xf8: {  	s19 =	sadd.s32 s1, s19;
	[sflag:s14] =	ssyncadd.s32 $0xFFFFFE00  }
0xf9: {  	[tilespmem:s3], [sflag:$0x1] =	stream.linear.gather [hbm4b:s19+s3], $0x200, $0x38;
	[tilespmem:$0x2C00] =	vst v63  }
0xfa: {  	v2 =	vld [tilespmem:$0x200];
	_ =	sdelay $0x7  }
0xfb: {  	[tilespmem:v2+s13+$0x0] =	vst.idx.add.f32.msk $0xffff, v1  }
0xfc: {  	v2 =	vld [tilespmem:$0x210];
	_ =	sdelay $0x7  }
0xfd: {  	[tilespmem:v2+s13+$0x0] =	vst.idx.add.f32.msk $0xffff, v1  }
0xfe: {  	v2 =	vld [tilespmem:$0x220];
	_ =	sdelay $0x7  }
0xff: {  	[tilespmem:v2+s13+$0x0] =	vst.idx.add.f32.msk $0xffff, v1  }
0x100: {  	v2 =	vld [tilespmem:$0x230];
	_ =	sdelay $0x7  }
0x101: {  	[tilespmem:v2+s13+$0x0] =	vst.idx.add.f32.msk $0xffff, v1  }
0x102: {  	v2 =	vld [tilespmem:$0x240];
	_ =	sdelay $0x7  }
0x103: {  	[tilespmem:v2+s13+$0x0] =	vst.idx.add.f32.msk $0xffff, v1  }
0x104: {  	v2 =	vld [tilespmem:$0x250];
	_ =	sdelay $0x7  }
0x105: {  	[tilespmem:v2+s13+$0x0] =	vst.idx.add.f32.msk $0xffff, v1  }
0x106: {  	v2 =	vld [tilespmem:$0x260];
	_ =	sdelay $0x7  }
0x107: {  	[tilespmem:v2+s13+$0x0] =	vst.idx.add.f32.msk $0xffff, v1  }
0x108: {  	v2 =	vld [tilespmem:$0x270];
	_ =	sdelay $0x7  }
0x109: {  	[tilespmem:v2+s13+$0x0] =	vst.idx.add.f32.msk $0xffff, v1  }
0x10a: {  	v2 =	vld [tilespmem:$0x280];
	_ =	sdelay $0x7  }
0x10b: {  	[tilespmem:v2+s13+$0x0] =	vst.idx.add.f32.msk $0xffff, v1  }
0x10c: {  	v2 =	vld [tilespmem:$0x290];
	_ =	sdelay $0x7  }
0x10d: {  	[tilespmem:v2+s13+$0x0] =	vst.idx.add.f32.msk $0xffff, v1  }
0x10e: {  	v2 =	vld [tilespmem:$0x2A0];
	_ =	sdelay $0x7  }
0x10f: {  	[tilespmem:v2+s13+$0x0] =	vst.idx.add.f32.msk $0xffff, v1  }
0x110: {  	v2 =	vld [tilespmem:$0x2B0];
	_ =	sdelay $0x7  }
0x111: {  	[tilespmem:v2+s13+$0x0] =	vst.idx.add.f32.msk $0xffff, v1  }
0x112: {  	v2 =	vld [tilespmem:$0x2C0];
	_ =	sdelay $0x7  }
0x113: {  	[tilespmem:v2+s13+$0x0] =	vst.idx.add.f32.msk $0xffff, v1  }
0x114: {  	v2 =	vld [tilespmem:$0x2D0];
	_ =	sdelay $0x7  }
0x115: {  	[tilespmem:v2+s13+$0x0] =	vst.idx.add.f32.msk $0xffff, v1  }
0x116: {  	v2 =	vld [tilespmem:$0x2E0];
	_ =	sdelay $0x7  }
0x117: {  	[tilespmem:v2+s13+$0x0] =	vst.idx.add.f32.msk $0xffff, v1  }
0x118: {  	v2 =	vld [tilespmem:$0x2F0];
	_ =	sdelay $0x7  }
0x119: {  	[tilespmem:v2+s13+$0x0] =	vst.idx.add.f32.msk $0xffff, v1  }
0x11a: {  	v2 =	vld [tilespmem:$0x300];
	_ =	sdelay $0x7  }
0x11b: {  	[tilespmem:v2+s13+$0x0] =	vst.idx.add.f32.msk $0xffff, v1  }
0x11c: {  	v2 =	vld [tilespmem:$0x310];
	_ =	sdelay $0x7  }
0x11d: {  	[tilespmem:v2+s13+$0x0] =	vst.idx.add.f32.msk $0xffff, v1  }
0x11e: {  	v2 =	vld [tilespmem:$0x320];
	_ =	sdelay $0x7  }
0x11f: {  	[tilespmem:v2+s13+$0x0] =	vst.idx.add.f32.msk $0xffff, v1  }
0x120: {  	v2 =	vld [tilespmem:$0x330];
	_ =	sdelay $0x7  }
0x121: {  	[tilespmem:v2+s13+$0x0] =	vst.idx.add.f32.msk $0xffff, v1  }
0x122: {  	v2 =	vld [tilespmem:$0x340];
	_ =	sdelay $0x7  }
0x123: {  	[tilespmem:v2+s13+$0x0] =	vst.idx.add.f32.msk $0xffff, v1  }
0x124: {  	v2 =	vld [tilespmem:$0x350];
	_ =	sdelay $0x7  }
0x125: {  	[tilespmem:v2+s13+$0x0] =	vst.idx.add.f32.msk $0xffff, v1  }
0x126: {  	v2 =	vld [tilespmem:$0x360];
	_ =	sdelay $0x7  }
0x127: {  	[tilespmem:v2+s13+$0x0] =	vst.idx.add.f32.msk $0xffff, v1  }
0x128: {  	v2 =	vld [tilespmem:$0x370];
	_ =	sdelay $0x7  }
0x129: {  	[tilespmem:v2+s13+$0x0] =	vst.idx.add.f32.msk $0xffff, v1  }
0x12a: {  	v2 =	vld [tilespmem:$0x380];
	_ =	sdelay $0x7  }
0x12b: {  	[tilespmem:v2+s13+$0x0] =	vst.idx.add.f32.msk $0xffff, v1  }
0x12c: {  	v2 =	vld [tilespmem:$0x390];
	_ =	sdelay $0x7  }
0x12d: {  	[tilespmem:v2+s13+$0x0] =	vst.idx.add.f32.msk $0xffff, v1  }
0x12e: {  	v2 =	vld [tilespmem:$0x3A0];
	_ =	sdelay $0x7  }
0x12f: {  	[tilespmem:v2+s13+$0x0] =	vst.idx.add.f32.msk $0xffff, v1  }
0x130: {  	v2 =	vld [tilespmem:$0x3B0];
	_ =	sdelay $0x7  }
0x131: {  	[tilespmem:v2+s13+$0x0] =	vst.idx.add.f32.msk $0xffff, v1  }
0x132: {  	v2 =	vld [tilespmem:$0x3C0];
	_ =	sdelay $0x7  }
0x133: {  	[tilespmem:v2+s13+$0x0] =	vst.idx.add.f32.msk $0xffff, v1  }
0x134: {  	v2 =	vld [tilespmem:$0x3D0];
	_ =	sdelay $0x7  }
0x135: {  	[tilespmem:v2+s13+$0x0] =	vst.idx.add.f32.msk $0xffff, v1  }
0x136: {  	v2 =	vld [tilespmem:$0x3E0];
	_ =	sdelay $0x7  }
0x137: {  	[tilespmem:v2+s13+$0x0] =	vst.idx.add.f32.msk $0xffff, v1  }
0x138: {  	v2 =	vld [tilespmem:$0x3F0];
	_ =	sdelay $0x2  }
0x139: {  	p1 =	sne.s32 s18, $0x1400  }
.Ltmp6:
0x13a: {  	_ = 	snop;
	(pc) =	sbr.rel @p1 .LBB2_5-.Ltmp6, $2  }
0x13b: {  	_ =	sdelay $0x2  }
0x13c: {  	s18 =	sadd.s32 $0x400, s18;
	s20 =	sadd.s32 $0x80, s20;
	[tilespmem:v2+s13+$0x0] =	vst.idx.add.f32.msk $0xffff, v1  }
.Ltmp7:
0x13d: {  	_ = 	snop;
	(pc) =	sbr.rel .LBB2_6-.Ltmp7, $1  }
0x13e: {  	_ =	sdelay $0x3  }
.LBB2_7:
0x13f: {  	_ =	sfence.sel $0x180000  }
0x140: {  	[bflag:$0x0] =	sbarrier.arrive $0xFFFF  }
0x141: {  	p0 =	sne.s32 s2, $0x0;
	_ =	strace $0x90000047  }
0x142: {  	s0 =	sadd.s32 @!p0 $0x100000, s0;
	[bflag:$0x2] =	sbarrier.arrive $0xFFFF  }
0x143: {  	[sflag:s0] =	ssyncadd.tile.s32 @!p0 $0x1;
	_ =	shalt  }
.Lfunc_end2:
_tile_overlayer_lowered:
.L_overlay_start_2:
0x144: {  	(tag) =	ssettag $0x2  }
0x145: {  	s0 =	rddreg [dreg:$0x0];
	s2 =	stileid.u32  }
0x146: {  	s1 =	rddreg [dreg:$0x1];
	p0 =	sne.s32 s2, $0x0  }
0x147: {  	s3 =	rddreg [dreg:$0x2];
	[bflag:$0x3] =	sbarrier.arrive $0xFFFF;
	s2 =	simm.s32 @!p0 $0x1C03  }
0x148: {  	[timem:s3], [sflag:s2] =	dma.local @!p0 [hbm:s0], s1  }
0x149: {  	s0 =	simm.s32 @!p0 $0x3  }
0x14a: {  	_ =	swait.ge @!p0 [sflag:s0], s1  }
0x14b: {  	s1 =	ssub.s32 @!p0 $0x0, s1;
	[sflag:s0] =	ssyncset.done @!p0 $0x0  }
0x14c: {  	[sflag:s0] =	ssyncadd.s32 @!p0 s1  }
0x14d: {  	[bflag:$0x3] =	sbarrier.arrive $0xFFFF  }
0x14e: {  	_ =	shalt  }

// kernel: kernel.9.cloned.1.call-start
scs
__scs_entry_jumppad:
0x0: {  	(pc) =	sbr.rel $0x88, $3  }
0x1: {  	(tag) =	ssettag $0x0;
	lr =	simm.s32 $0x1  }
0x2: {  	[smem:$0x3F9D] =	sst lr;
	_ =	strace $0xD0000000  }
0x3: {  	_ = 	snop  }
0x4: {  	_ = 	snop  }
0x5: {  	_ = 	snop  }
0x6: {  	_ = 	snop  }
0x7: {  	_ = 	snop  }
__scs_overlays_trampoline_lowered:
0x8: {  	[smem:$0x3FAC] =	sst s0  }
0x9: {  	[smem:$0x3FAD] =	sst s1  }
0xa: {  	[smem:$0x3FAE] =	sst s2  }
0xb: {  	[smem:$0x3FAF] =	sst s3  }
0xc: {  	[smem:$0x3FB0] =	sst s4  }
0xd: {  	[smem:$0x3FB1] =	sst s5  }
0xe: {  	[smem:$0x3FB2] =	sst s6  }
0xf: {  	[smem:$0x3FB3] =	sst s7  }
0x10: {  	[smem:$0x3FB4] =	sst s8  }
0x11: {  	[smem:$0x3FB5] =	sst s9;
	s0 =	simm.s32 @!p0 $0x0  }
0x12: {  	s1 =	sld [smem:$0x3F9B];
	s0 =	simm.s32 @p0 $0x1  }
0x13: {  	[smem:$0x3FB6] =	sst s0;
	s0 =	simm.s32 @!p1 $0x0  }
0x14: {  	s2 =	sld [smem:$0x3F9A];
	s0 =	simm.s32 @p1 $0x1  }
0x15: {  	[smem:$0x3FB7] =	sst s0;
	s0 =	simm.s32 @!p2 $0x0  }
0x16: {  	s3 =	sld [smem:$0x3FDB];
	s0 =	simm.s32 @p2 $0x1  }
0x17: {  	s4 =	simm.s32 $0x1BF5;
	[smem:$0x3FB9] =	sst s0  }
0x18: {  	s0 =	sld [smem:$0x3F9C];
	_ =	swait.ge [sflag:s4], $0x0  }
0x19: {  	s7 =	sld [smem:$0x3F9D]  }
0x1a: {  	s8 =	sadd.s32 $0xFFFFE003, lr  }
0x1b: {  	s9 =	sadd.s32 $0xFFFFFEF7, lr;
	s5 =	simm.s32 $0xFFFFFFFF;
	p2 =	slt.u32 s8, $0xFFFFF086  }
0x1c: {  	p1 =	slt.u32 s9, $0xF7A;
	s5 =	simm.s32 @!p2 $0x0  }
0x1d: {  	s5 =	simm.s32 @p1 $0x1;
	p0 =	seq.s32 s7, s2  }
0x1e: {  	s7 =	smul.u32 @!p0 $0xF7A, s2;
	p2 =	seq.s32 @!p0 s5, $0x0  }
0x1f: {  	s9 =	smul.u32 $0xF7A, s1;
	s8 =	simm.s32 @!p0 $0x1BF5;
	p2 =	por !p2, p0  }
0x20: {  	[sflag:s8] =	ssyncset.s32 @!p0 $0xFFFFF086;
	s6 =	sadd.s32 @!p0 s3, s7;
	s7 =	simm.s32 @!p0 $0x108  }
0x21: {  	s3 =	sadd.s32 s3, s9;
	s6 =	sadd.s32 @!p0 $0x88, s6;
	s7 =	simm.s32 @p2 $0x1082  }
0x22: {  	[simem:s7], [sflag:s8] =	dma.local @!p0 [hbm:s6], $0xF7A  }
0x23: {  	s9 =	sor.u32 $0xD0000000, s2;
	s6 =	simm.s32 $0x108;
	_ =	swait.ge @!p0 [sflag:s8], $0x0  }
0x24: {  	s3 =	sadd.s32 $0x88, s3;
	s6 =	simm.s32 @!p1 $0x1082;
	[sflag:s4] =	ssyncset.s32 $0xFFFFF086  }
0x25: {  	[simem:s6], [sflag:s4] =	dma.local [hbm:s3], $0xF7A  }
0x26: {  	[smem:$0x3F9D] =	sst s1;
	(tag) =	ssettag s2;
	_ =	strace s9  }
0x27: {  	s1 =	sld [smem:$0x3FAD]  }
0x28: {  	s2 =	sld [smem:$0x3FAE]  }
0x29: {  	s4 =	sld [smem:$0x3FB0]  }
0x2a: {  	p0 =	seq.s32 s5, $0x0;
	s5 =	sld [smem:$0x3FB1]  }
0x2b: {  	s6 =	sld [smem:$0x3FB2]  }
0x2c: {  	s7 =	sld [smem:$0x3FB3]  }
0x2d: {  	s3 =	simm.s32 $0x108;
	s8 =	sld [smem:$0x3FB4]  }
0x2e: {  	s3 =	simm.s32 @!p0 $0x1082;
	s9 =	sld [smem:$0x3FB5]  }
0x2f: {  	lr =	sadd.s32 s0, s3;
	s0 =	sld [smem:$0x3FAC]  }
0x30: {  	s3 =	sld [smem:$0x3FAF]  }
0x31: {  	[smem:$0x3FB8] =	sst s10  }
0x32: {  	s10 =	sld [smem:$0x3FB6];
	_ =	sdelay $0x3  }
0x33: {  	p0 =	seq.s32 s10, $0x1;
	s10 =	sld [smem:$0x3FB8];
	_ =	sdelay $0x3  }
0x34: {  	[smem:$0x3FB8] =	sst s10  }
0x35: {  	s10 =	sld [smem:$0x3FB7];
	_ =	sdelay $0x3  }
0x36: {  	p1 =	seq.s32 s10, $0x1;
	s10 =	sld [smem:$0x3FB8];
	_ =	sdelay $0x3  }
0x37: {  	[smem:$0x3FB8] =	sst s10  }
0x38: {  	s10 =	sld [smem:$0x3FB9]  }
0x39: {  	_ = 	snop;
	(pc) =	sbr.ind lr, $3  }
0x3a: {  	_ = 	snop  }
0x3b: {  	_ = 	snop  }
0x3c: {  	p2 =	seq.s32 s10, $0x1;
	s10 =	sld [smem:$0x3FB8]  }
0x3d: {  	_ =	shalt  }
0x3e: {  	_ =	shalt  }
0x3f: {  	_ =	shalt  }
0x40: {  	_ =	shalt  }
0x41: {  	_ =	shalt  }
0x42: {  	_ =	shalt  }
0x43: {  	_ =	shalt  }
0x44: {  	_ =	shalt  }
0x45: {  	_ =	shalt  }
0x46: {  	_ =	shalt  }
0x47: {  	_ =	shalt  }
0x48: {  	_ =	shalt  }
0x49: {  	_ =	shalt  }
0x4a: {  	_ =	shalt  }
0x4b: {  	_ =	shalt  }
0x4c: {  	_ =	shalt  }
0x4d: {  	_ =	shalt  }
0x4e: {  	_ =	shalt  }
0x4f: {  	_ =	shalt  }
0x50: {  	_ =	shalt  }
0x51: {  	_ =	shalt  }
0x52: {  	_ =	shalt  }
0x53: {  	_ =	shalt  }
0x54: {  	_ =	shalt  }
0x55: {  	_ =	shalt  }
0x56: {  	_ =	shalt  }
0x57: {  	_ =	shalt  }
0x58: {  	_ =	shalt  }
0x59: {  	_ =	shalt  }
0x5a: {  	_ =	shalt  }
0x5b: {  	_ =	shalt  }
0x5c: {  	_ =	shalt  }
0x5d: {  	_ =	shalt  }
0x5e: {  	_ =	shalt  }
0x5f: {  	_ =	shalt  }
0x60: {  	_ =	shalt  }
0x61: {  	_ =	shalt  }
0x62: {  	_ =	shalt  }
0x63: {  	_ =	shalt  }
0x64: {  	_ =	shalt  }
0x65: {  	_ =	shalt  }
0x66: {  	_ =	shalt  }
0x67: {  	_ =	shalt  }
0x68: {  	_ =	shalt  }
0x69: {  	_ =	shalt  }
0x6a: {  	_ =	shalt  }
0x6b: {  	_ =	shalt  }
0x6c: {  	_ =	shalt  }
0x6d: {  	_ =	shalt  }
0x6e: {  	_ =	shalt  }
0x6f: {  	_ =	shalt  }
0x70: {  	_ =	shalt  }
0x71: {  	_ =	shalt  }
0x72: {  	_ =	shalt  }
0x73: {  	_ =	shalt  }
0x74: {  	_ =	shalt  }
0x75: {  	_ =	shalt  }
0x76: {  	_ =	shalt  }
0x77: {  	_ =	shalt  }
0x78: {  	_ =	shalt  }
0x79: {  	_ =	shalt  }
0x7a: {  	_ =	shalt  }
0x7b: {  	_ =	shalt  }
0x7c: {  	_ =	shalt  }
0x7d: {  	_ =	shalt  }
0x7e: {  	_ =	shalt  }
0x7f: {  	_ =	shalt  }
0x80: {  	_ =	shalt  }
0x81: {  	_ =	shalt  }
0x82: {  	_ =	shalt  }
0x83: {  	_ =	shalt  }
0x84: {  	_ =	shalt  }
0x85: {  	_ =	shalt  }
0x86: {  	_ =	shalt  }
0x87: {  	_ =	shalt  }
.Lfunc_end0:
.L_simem_size_0:
called_computation.1_lowered:
.L_overlay_start_0:
0x88: {  	s2 =	sld [smem:$0x3FD9]  }
0x89: {  	s3 =	sld [smem:$0x3FFE];
	_ =	sdelay $0x1  }
0x8a: {  	s1 =	srdreg.scid  }
0x8b: {  	s0 =	sand.u32 $0x1, s1  }
0x8c: {  	s17 =	sshll.u32 s0, $0xA;
	s2 =	sadd.s32 s3, s2  }
0x8d: {  	s2 =	sadd.s32 s2, s17  }
0x8e: {  	[smem:$0x3FC4] =	sst s2  }
0x8f: {  	_ = 	snop  }
0x90: {  	s2 =	sld [smem:$0x3FD0];
	(tm) =	ssettm $0x1  }
0x91: {  	s18 =	sld [smem:$0x3FFB];
	_ =	sdelay $0x3  }
0x92: {  	_ =	strace s18  }
0x93: {  	s3 =	sld [smem:$0x3FFC];
	_ =	sdelay $0x3  }
0x94: {  	_ =	strace s3  }
0x95: {  	s3 =	sld [smem:$0x3FFD];
	_ =	sdelay $0x3  }
0x96: {  	_ =	strace s3  }
0x97: {  	_ =	strace $0x8FFFFFFF  }
0x98: {  	s19 =	sld [smem:$0x3FDB];
	_ =	sdelay $0x1  }
0x99: {  	s4 =	simm.s32 $_scs_section_size  }
0x9a: {  	s5 =	simm.s32 $_size__tile_overlayer_lowered;
	s6 =	simm.s32 $_tile_overlayer_lowered  }
0x9b: {  	s22 =	simm.s32 $0x1BFF;
	s21 =	sshll.u32 s6, $0x1;
	s3 =	sadd.s32 s4, s19  }
0x9c: {  	s7 =	simm.s32 $0x0;
	s20 =	sshll.u32 s5, $0x1;
	s5 =	sadd.s32 s21, s3  }
0x9d: {  	[timem:s7], [sflag:s22] =	dma.local [hbm:s5], s20  }
0x9e: {  	_ =	swait.ge [sflag:s22], s20  }
0x9f: {  	s4 =	ssub.s32 $0x0, s20;
	[sflag:s22] =	ssyncset.done $0x0  }
0xa0: {  	[sflag:s22] =	ssyncadd.s32 s4;
	_ =	sdelay $0x1  }
0xa1: {  	s23 =	simm.s32 $0x1B8B  }
0xa2: {  	_ =	swait.ge [sflag:s23], $0x1  }
0xa3: {  	[sflag:s23] =	ssyncset.done $0x0  }
0xa4: {  	s25 =	simm.s32 $0x1B8E;
	s24 =	sld [smem:$0x3FFE];
	[sflag:s23] =	ssyncadd.s32 $0xFFFFFFFF  }
0xa5: {  	s26 =	simm.s32 $execute0_lowered;
	[smem:$0x3FD2] =	sst s25  }
0xa6: {  	s5 =	sshll.u32 s26, $0x1;
	_ =	strace $0x80000049;
	[dreg:$0x1] =	wrdreg $0xFFFFFFFF  }
0xa7: {  	s28 =	simm.s32 $_size_execute0_lowered;
	s3 =	sadd.s32 s3, s5;
	[dreg:$0x0] =	wrdreg $0x0  }
0xa8: {  	s5 =	sshll.u32 s28, $0x1;
	[dreg:$0x2] =	wrdreg s3  }
0xa9: {  	[dreg:$0x3] =	wrdreg s5  }
0xaa: {  	[dreg:$0x4] =	wrdreg $0xC0  }
0xab: {  	_ =	task [dreg:s7], $0x5FFFF  }
0xac: {  	[dreg:$0x1] =	wrdreg $0xFFFFFFFF  }
0xad: {  	[dreg:$0x0] =	wrdreg $0x60  }
0xae: {  	[dreg:$0x2] =	wrdreg s24  }
0xaf: {  	[dreg:$0x3] =	wrdreg s2  }
0xb0: {  	[dreg:$0x4] =	wrdreg $0xAA000  }
0xb1: {  	[dreg:$0x5] =	wrdreg $0x9  }
0xb2: {  	_ =	task.clear_ibuf [dreg:s7], $0x6FFFF;
	_ =	strace $0x90000049  }
0xb3: {  	s29 =	simm.s32 $0x9;
	_ =	strace $0x8000004B  }
0xb4: {  	_ =	swait.ge [sflag:s29], $0x1  }
0xb5: {  	[sflag:s29] =	ssyncadd.s32 $0xFFFFFFFF  }
0xb6: {  	_ =	strace $0x9000004B  }
0xb7: {  	_ =	sfence  }
0xb8: {  	s30 =	sld [smem:$0x0];
	_ =	sdelay $0x2  }
0xb9: {  	s31 =	sshll.u32 s1, $0xD;
	s1 =	sshrl.u32 s1, $0x2  }
0xba: {  	s3 =	sand.u32 $0x4000, s31;
	s1 =	sadd.s32 s1, s30  }
0xbb: {  	s0 =	sor.u32 s3, s0;
	s1 =	sshll.u32 s1, $0x11  }
0xbc: {  	s0 =	sor.u32 s1, s0  }
0xbd: {  	s0 =	sadd.s32 $0x8F2B, s0  }
0xbe: {  	[sflag:s0] =	ssyncadd.remote.s32 $0x1  }
0xbf: {  	_ =	sfence.sel $0xFFFF  }
0xc0: {  	[dreg:$0x0] =	wrdreg $0xFFFFFFFF;
	(pc) =	sbr.abs _section_cstart, $3  }
0xc1: {  	[dreg:$0x1] =	wrdreg $0xFFFFFFFF  }
0xc2: {  	_ =	task.clear_ibuf [dreg:s7], $0x2FFFF;
	_ =	strace $0x9FFFFFFF  }
0xc3: {  	(tm) =	ssettm $0x7FFFFFFF  }
tec
execute0_lowered:
.L_overlay_start_1:
0x0: {  	(tag) =	ssettag $0x1  }
0x1: {  	s0 =	rddreg [dreg:$0x0]  }
0x2: {  	s1 =	rddreg [dreg:$0x1]  }
0x3: {  	s2 =	rddreg [dreg:$0x2];
	s4 =	simm.s32 $0x0;
	s3 =	srdreg.scid  }
0x4: {  	s20 =	stileid.u32;
	s28 =	simm.s32 $0x4200;
	s29 =	simm.s32 $0x1  }
0x5: {  	s30 =	simm.s32 $0x100;
	s31 =	simm.s32 $0x8200;
	[smem:$0x7FF] =	sst s4  }
0x6: {  	s3 =	sand.u32 $0x1, s3;
	s7 =	smul.u32 $0x14000, s20;
	s5 =	sadd.s32 $0x15600, s0  }
0x7: {  	s13 =	sadd.s32 $0xB600, s0;
	s8 =	sshrl.u32 s20, $0x2;
	s19 =	sshll.u32 s20, $0x8  }
0x8: {  	s11 =	sadd.s32 $0x1600, s0;
	s12 =	smul.u32 $0x50000, s20;
	s17 =	sadd.s32 $0x20, s1  }
0x9: {  	s18 =	sadd.s32 $0x30, s1;
	s6 =	smul.u32 $0x140000, s3;
	_ =	strace $0x8000004A  }
0xa: {  	s8 =	smul.u32 $0x14000, s8;
	s9 =	sshll.u32 s3, $0x7;
	s10 =	sand.u32 $0x300, s19  }
0xb: {  	s21 =	smul.u32 $0x3C00, s3;
	[dreg:$0x4] =	wrdreg s11;
	s22 =	ssub.s32 $0x2, s3  }
0xc: {  	p0 =	sne.s32 s3, $0x0;
	s9 =	sor.u32 s9, s10;
	s23 =	sshrl.u32 s22, $0x1  }
0xd: {  	s25 =	sshrl.u32 s12, $0x2;
	s7 =	sadd.s32 s7, s6;
	s6 =	smul.u32 $0x5000, s20  }
0xe: {  	s8 =	sor.u32 s8, s9;
	s16 =	ssub.s32 s22, s23;
	s7 =	sshrl.u32 s7, $0x3  }
0xf: {  	s11 =	sadd.s32 s25, s2;
	s9 =	sshrl.u32 s8, $0x3;
	s7 =	sadd.s32 s7, s0  }
0x10: {  	s8 =	sadd.s32 s21, s6;
	s0 =	sadd.s32 s9, s0;
	s19 =	sshrl.u32 s6, $0x3  }
0x11: {  	s15 =	sshrl.u32 s8, $0x3;
	s21 =	sadd.s32 s19, s18;
	s22 =	sor.u32 $0x100, s8  }
0x12: {  	s23 =	sor.u32 $0x180, s8;
	s14 =	sor.u32 $0x10, s15;
	s24 =	sadd.s32 s1, s15  }
0x13: {  	s12 =	sadd.s32 s13, s15;
	s26 =	sadd.s32 s15, s17;
	s15 =	sadd.s32 s15, s18  }
0x14: {  	s17 =	sadd.s32 s19, s17;
	[dreg:$0x9] =	wrdreg s21;
	s18 =	sadd.s32 $0x3D600, s7  }
0x15: {  	s19 =	sadd.s32 $0x8D600, s0;
	s0 =	sshrl.u32 s22, $0x3;
	[dreg:$0x5] =	wrdreg s24  }
0x16: {  	s7 =	sshrl.u32 s23, $0x3;
	s21 =	simm.s32 $0x0;
	[dreg:$0x6] =	wrdreg s26  }
0x17: {  	s10 =	sadd.s32 s1, s14;
	s14 =	sadd.s32 s13, s14;
	[dreg:$0x7] =	wrdreg s15  }
0x18: {  	[dreg:$0x8] =	wrdreg s17;
	s24 =	smul.u32 $0xA00, s20;
	s20 =	smax.u32 s16, $0x1  }
.Ltmp0:
0x19: {  	s0 =	sadd.s32 s0, s13;
	s25 =	sadd.s32 s7, s13;
	(pc) =	sbr.rel .LBB2_1-.Ltmp0, $4  }
0x1a: {  	s15 =	simm.s32 $0x180;
	s16 =	simm.s32 $0x4;
	[dreg:$0xa] =	wrdreg s0  }
0x1b: {  	[dreg:$0xb] =	wrdreg s25;
	s25 =	simm.s32 $0x80;
	s26 =	sadd.s32 s24, s13  }
0x1c: {  	s24 =	simm.s32 $0x5;
	s13 =	simm.s32 $0x2;
	s0 =	sadd.s32 $0x20, s26  }
0x1d: {  	v0 =	vimm.f32 $0.0e+00;
	v1 =	vimm.f32 $1.000000000e+00;
	s26 =	simm.s32 $0x200;
	[dreg:$0xc] =	wrdreg s0;
	s0 =	simm.s32 $0x3  }
.LBB2_8:
0x1e: {  	_ =	swait.ge [sflag:s29], $0x4000  }
0x1f: {  	[sflag:s29] =	ssyncset.done $0x0  }
0x20: {  	[sflag:s29] =	ssyncadd.s32 $0xFFFFC000  }
0x21: {  	_ =	swait.ge [sflag:s13], $0x4000  }
0x22: {  	[sflag:s13] =	ssyncset.done $0x0  }
0x23: {  	[sflag:s13] =	ssyncadd.s32 $0xFFFFC000  }
0x24: {  	[bflag:$0x0] =	sbarrier.arrive $0xFFFF  }
0x25: {  	[hbm:s18], [sflag:s22] =	dma.local [spmem:s23], $0x2800  }
0x26: {  	s21 =	sadd.s32 $0x1, s21;
	_ =	swait.ge [sflag:s24], $0x2800  }
0x27: {  	p1 =	sne.s32 s21, s20;
	[sflag:s24] =	ssyncset.done $0x0  }
.Ltmp1:
0x28: {  	s3 =	simm.s32 $0x400;
	[sflag:s24] =	ssyncadd.s32 $0xFFFFD800;
	(pc) =	sbr.rel @!p1 .LBB2_9-.Ltmp1, $4  }
0x29: {  	[hbm4b:s19+s25] =	stream.strided.scatter [tilespmem:s31], [sflag:$0x5], $0x2800, s3, s25, $0x38;
	[tilespmem:$0x1EA00] =	vst v63  }
0x2a: {  	_ =	swait.ge [sflag:s24], $0x2800  }
0x2b: {  	[sflag:s24] =	ssyncset.done $0x0  }
0x2c: {  	[sflag:s24] =	ssyncadd.s32 $0xFFFFD800  }
.LBB2_1:
0x2d: {  	s3 =	rddreg [dreg:$0x5]  }
0x2e: {  	[tilespmem:s4], [sflag:$0x5] =	stream.linear.gather [hbm4b:s3+s4], $0x80, $0x38;
	[tilespmem:$0x1EA00] =	vst v63  }
0x2f: {  	_ =	swait.ge [sflag:s24], $0x80  }
0x30: {  	[sflag:s24] =	ssyncset.done $0x0  }
0x31: {  	[sflag:s24] =	ssyncadd.s32 $0xFFFFFF80  }
0x32: {  	[tilespmem:s26], [sflag:$0x1] =	stream.indirect.gather [hbm4b:s5+s25], $0x80, s4, s25, $0xb8;
	[tilespmem:$0x1EA00] =	vst v63  }
0x33: {  	_ = 	snop  }
0x34: {  	[tilespmem:s25], [sflag:$0x5] =	stream.linear.gather [hbm4b:s10+s4], $0x80, $0x38;
	[tilespmem:$0x1EA00] =	vst v63  }
0x35: {  	_ =	swait.ge [sflag:s24], $0x80  }
0x36: {  	[sflag:s24] =	ssyncset.done $0x0  }
0x37: {  	s7 =	simm.s32 $0x100;
	s3 =	simm.s32 $0x0;
	[sflag:s24] =	ssyncadd.s32 $0xFFFFFF80  }
0x38: {  	[tilespmem:s28], [sflag:$0x2] =	stream.indirect.gather [hbm4b:s5+s25], $0x80, s25, s25, $0xb8;
	[tilespmem:$0x1EA00] =	vst v63  }
.LBB2_2:
0x39: {  	p1 =	sne.s32 s7, $0x9F00;
	[tilespmem:s3+$0x8230] =	vst v0;
	s17 =	smov.u32 s7;
	s7 =	sadd.s32 $0x100, s7  }
.Ltmp2:
0x3a: {  	[tilespmem:s3+$0x8220] =	vst v0;
	(pc) =	sbr.rel @p1 .LBB2_2-.Ltmp2, $3  }
0x3b: {  	[tilespmem:s3+$0x8200] =	vst v0  }
0x3c: {  	[tilespmem:s3+$0x8210] =	vst v0;
	_ =	sdelay $0x1  }
0x3d: {  	s3 =	sshra.s32 s17, $0x2  }
0x3e: {  	[tilespmem:s3+$0x8230] =	vst v0  }
0x3f: {  	[tilespmem:s3+$0x8220] =	vst v0;
	s7 =	stileid.u32  }
0x40: {  	[tilespmem:s3+$0x8200] =	vst v0;
	s7 =	sshll.u32 s7, $0x6  }
0x41: {  	[tilespmem:s3+$0x8210] =	vst v0;
	s23 =	sshrl.u32 s11, $0x3;
	s17 =	rddreg [dreg:$0x4];
	s22 =	sor.u32 $0x1C05, s7  }
0x42: {  	[spmem:s23], [sflag:s22] =	dma.local [hbm:s17], $0x2800  }
0x43: {  	_ =	swait.ge [sflag:s24], $0x2800  }
0x44: {  	[sflag:s24] =	ssyncset.done $0x0  }
0x45: {  	[sflag:s24] =	ssyncadd.s32 $0xFFFFD800  }
0x46: {  	[bflag:$0x0] =	sbarrier.arrive $0xFFFF  }
0x47: {  	_ =	swait.ge [sflag:s29], $0x4000  }
0x48: {  	[sflag:s29] =	ssyncset.done $0x0  }
0x49: {  	[sflag:s29] =	ssyncadd.s32 $0xFFFFC000  }
0x4a: {  	[tilespmem:s30], [sflag:$0x5] =	stream.linear.gather [hbm4b:s12+s4], $0x80, $0x38;
	[tilespmem:$0x1EA00] =	vst v63  }
0x4b: {  	_ =	swait.ge [sflag:s24], $0x80  }
0x4c: {  	[sflag:s24] =	ssyncset.done $0x0  }
0x4d: {  	[sflag:s24] =	ssyncadd.s32 $0xFFFFFF80  }
0x4e: {  	v2 =	vld [tilespmem:$0x100];
	_ =	sdelay $0x7  }
0x4f: {  	[tilespmem:v2+s31+$0x0] =	vst.idx.add.f32.msk $0xffff, v1  }
0x50: {  	v2 =	vld [tilespmem:$0x110];
	_ =	sdelay $0x7  }
0x51: {  	[tilespmem:v2+s31+$0x0] =	vst.idx.add.f32.msk $0xffff, v1  }
0x52: {  	v2 =	vld [tilespmem:$0x120];
	_ =	sdelay $0x7  }
0x53: {  	[tilespmem:v2+s31+$0x0] =	vst.idx.add.f32.msk $0xffff, v1  }
0x54: {  	v2 =	vld [tilespmem:$0x130];
	_ =	sdelay $0x7  }
0x55: {  	[tilespmem:v2+s31+$0x0] =	vst.idx.add.f32.msk $0xffff, v1  }
0x56: {  	v2 =	vld [tilespmem:$0x140];
	_ =	sdelay $0x7  }
0x57: {  	[tilespmem:v2+s31+$0x0] =	vst.idx.add.f32.msk $0xffff, v1  }
0x58: {  	v2 =	vld [tilespmem:$0x150];
	_ =	sdelay $0x7  }
0x59: {  	[tilespmem:v2+s31+$0x0] =	vst.idx.add.f32.msk $0xffff, v1  }
0x5a: {  	v2 =	vld [tilespmem:$0x160];
	_ =	sdelay $0x7  }
0x5b: {  	[tilespmem:v2+s31+$0x0] =	vst.idx.add.f32.msk $0xffff, v1  }
0x5c: {  	v2 =	vld [tilespmem:$0x170];
	_ =	sdelay $0x4  }
.Ltmp3:
0x5d: {  	_ = 	snop;
	(pc) =	sbr.rel @p0 .LBB2_6-.Ltmp3, $3  }
0x5e: {  	_ =	sdelay $0x1  }
0x5f: {  	[tilespmem:v2+s31+$0x0] =	vst.idx.add.f32.msk $0xffff, v1  }
0x60: {  	[spmem:s2] =	stream.indirect.scatter.add.f32 [tilespmem:s26], [sflag:$0x3], $0x80, s30, s25, $0xb8;
	[tilespmem:$0x1EA00] =	vst v63  }
0x61: {  	s3 =	rddreg [dreg:$0x8]  }
0x62: {  	[tilespmem:s4], [sflag:$0x5] =	stream.linear.gather [hbm4b:s3+s4], $0x80, $0x38;
	[tilespmem:$0x1EA00] =	vst v63  }
0x63: {  	_ =	swait.ge [sflag:s24], $0x80  }
0x64: {  	[sflag:s24] =	ssyncset.done $0x0  }
0x65: {  	[sflag:s24] =	ssyncadd.s32 $0xFFFFFF80  }
0x66: {  	_ =	swait.ge [sflag:s0], $0x4000  }
0x67: {  	[sflag:s0] =	ssyncset.done $0x0  }
0x68: {  	[sflag:s0] =	ssyncadd.s32 $0xFFFFC000  }
0x69: {  	[tilespmem:s26], [sflag:$0x1] =	stream.indirect.gather [hbm4b:s5+s25], $0x80, s4, s25, $0xb8;
	[tilespmem:$0x1EA00] =	vst v63  }
0x6a: {  	_ =	swait.ge [sflag:s13], $0x4000  }
0x6b: {  	[sflag:s13] =	ssyncset.done $0x0  }
0x6c: {  	[sflag:s13] =	ssyncadd.s32 $0xFFFFC000  }
0x6d: {  	[tilespmem:s15], [sflag:$0x5] =	stream.linear.gather [hbm4b:s14+s4], $0x80, $0x38;
	[tilespmem:$0x1EA00] =	vst v63  }
0x6e: {  	_ =	swait.ge [sflag:s24], $0x80  }
0x6f: {  	[sflag:s24] =	ssyncset.done $0x0  }
0x70: {  	[sflag:s24] =	ssyncadd.s32 $0xFFFFFF80  }
0x71: {  	v2 =	vld [tilespmem:$0x180];
	_ =	sdelay $0x7  }
0x72: {  	[tilespmem:v2+s31+$0x0] =	vst.idx.add.f32.msk $0xffff, v1  }
0x73: {  	v2 =	vld [tilespmem:$0x190];
	_ =	sdelay $0x7  }
0x74: {  	[tilespmem:v2+s31+$0x0] =	vst.idx.add.f32.msk $0xffff, v1  }
0x75: {  	v2 =	vld [tilespmem:$0x1A0];
	_ =	sdelay $0x7  }
0x76: {  	[tilespmem:v2+s31+$0x0] =	vst.idx.add.f32.msk $0xffff, v1  }
0x77: {  	v2 =	vld [tilespmem:$0x1B0];
	_ =	sdelay $0x7  }
0x78: {  	[tilespmem:v2+s31+$0x0] =	vst.idx.add.f32.msk $0xffff, v1  }
0x79: {  	v2 =	vld [tilespmem:$0x1C0];
	_ =	sdelay $0x7  }
0x7a: {  	[tilespmem:v2+s31+$0x0] =	vst.idx.add.f32.msk $0xffff, v1  }
0x7b: {  	v2 =	vld [tilespmem:$0x1D0];
	_ =	sdelay $0x7  }
0x7c: {  	[tilespmem:v2+s31+$0x0] =	vst.idx.add.f32.msk $0xffff, v1  }
0x7d: {  	v2 =	vld [tilespmem:$0x1E0];
	_ =	sdelay $0x7  }
0x7e: {  	[tilespmem:v2+s31+$0x0] =	vst.idx.add.f32.msk $0xffff, v1  }
0x7f: {  	v2 =	vld [tilespmem:$0x1F0];
	_ =	sdelay $0x7  }
0x80: {  	[tilespmem:v2+s31+$0x0] =	vst.idx.add.f32.msk $0xffff, v1  }
0x81: {  	[spmem:s2] =	stream.indirect.scatter.add.f32 [tilespmem:s28], [sflag:$0x4], $0x80, s15, s25, $0xb8;
	[tilespmem:$0x1EA00] =	vst v63  }
0x82: {  	s17 =	rddreg [dreg:$0x9]  }
0x83: {  	[tilespmem:s25], [sflag:$0x5] =	stream.linear.gather [hbm4b:s17+s4], $0x80, $0x38;
	[tilespmem:$0x1EA00] =	vst v63  }
0x84: {  	_ =	swait.ge [sflag:s24], $0x80  }
0x85: {  	[sflag:s24] =	ssyncset.done $0x0  }
0x86: {  	[sflag:s24] =	ssyncadd.s32 $0xFFFFFF80  }
0x87: {  	_ =	swait.ge [sflag:s16], $0x4000  }
0x88: {  	[sflag:s16] =	ssyncset.done $0x0  }
0x89: {  	s3 =	simm.s32 $0x280;
	s7 =	rddreg [dreg:$0xc];
	[sflag:s16] =	ssyncadd.s32 $0xFFFFC000  }
0x8a: {  	[tilespmem:s28], [sflag:$0x2] =	stream.indirect.gather [hbm4b:s5+s25], $0x80, s25, s25, $0xb8;
	[tilespmem:$0x1EA00] =	vst v63  }
.LBB2_5:
0x8b: {  	_ =	swait.ge [sflag:s29], $0x4000  }
0x8c: {  	[sflag:s29] =	ssyncset.done $0x0  }
0x8d: {  	[sflag:s29] =	ssyncadd.s32 $0xFFFFC000  }
0x8e: {  	[tilespmem:s30], [sflag:$0x5] =	stream.linear.gather [hbm4b:s7+s4], $0x80, $0x38;
	[tilespmem:$0x1EA00] =	vst v63  }
0x8f: {  	_ =	swait.ge [sflag:s24], $0x80  }
0x90: {  	[sflag:s24] =	ssyncset.done $0x0  }
0x91: {  	[sflag:s24] =	ssyncadd.s32 $0xFFFFFF80  }
0x92: {  	v2 =	vld [tilespmem:$0x100];
	_ =	sdelay $0x7  }
0x93: {  	[tilespmem:v2+s31+$0x0] =	vst.idx.add.f32.msk $0xffff, v1  }
0x94: {  	v2 =	vld [tilespmem:$0x110];
	_ =	sdelay $0x7  }
0x95: {  	[tilespmem:v2+s31+$0x0] =	vst.idx.add.f32.msk $0xffff, v1  }
0x96: {  	v2 =	vld [tilespmem:$0x120];
	_ =	sdelay $0x7  }
0x97: {  	[tilespmem:v2+s31+$0x0] =	vst.idx.add.f32.msk $0xffff, v1  }
0x98: {  	v2 =	vld [tilespmem:$0x130];
	_ =	sdelay $0x7  }
0x99: {  	[tilespmem:v2+s31+$0x0] =	vst.idx.add.f32.msk $0xffff, v1  }
0x9a: {  	v2 =	vld [tilespmem:$0x140];
	_ =	sdelay $0x7  }
0x9b: {  	[tilespmem:v2+s31+$0x0] =	vst.idx.add.f32.msk $0xffff, v1  }
0x9c: {  	v2 =	vld [tilespmem:$0x150];
	_ =	sdelay $0x7  }
0x9d: {  	[tilespmem:v2+s31+$0x0] =	vst.idx.add.f32.msk $0xffff, v1  }
0x9e: {  	v2 =	vld [tilespmem:$0x160];
	_ =	sdelay $0x7  }
0x9f: {  	[tilespmem:v2+s31+$0x0] =	vst.idx.add.f32.msk $0xffff, v1  }
0xa0: {  	v2 =	vld [tilespmem:$0x170];
	_ =	sdelay $0x4  }
0xa1: {  	p1 =	seq.s32 s3, $0x3C80;
	s17 =	sadd.s32 $0xFFFFFF80, s3  }
0xa2: {  	s17 =	simm.s32 @p1 $0x0  }
0xa3: {  	s17 =	sadd.s32 s6, s17  }
0xa4: {  	s17 =	sshrl.u32 s17, $0x3;
	[tilespmem:v2+s31+$0x0] =	vst.idx.add.f32.msk $0xffff, v1  }
0xa5: {  	[spmem:s2] =	stream.indirect.scatter.add.f32 [tilespmem:s26], [sflag:$0x3], $0x80, s30, s25, $0xb8;
	[tilespmem:$0x1EA00] =	vst v63  }
0xa6: {  	s17 =	sadd.s32 s1, s17  }
0xa7: {  	[tilespmem:s4], [sflag:$0x5] =	stream.linear.gather [hbm4b:s17+s4], $0x80, $0x38;
	[tilespmem:$0x1EA00] =	vst v63  }
0xa8: {  	_ =	swait.ge [sflag:s24], $0x80  }
0xa9: {  	[sflag:s24] =	ssyncset.done $0x0  }
0xaa: {  	[sflag:s24] =	ssyncadd.s32 $0xFFFFFF80  }
0xab: {  	_ =	swait.ge [sflag:s0], $0x4000  }
0xac: {  	[sflag:s0] =	ssyncset.done $0x0  }
0xad: {  	[sflag:s0] =	ssyncadd.s32 $0xFFFFC000  }
0xae: {  	[tilespmem:s26], [sflag:$0x1] =	stream.indirect.gather [hbm4b:s5+s25], $0x80, s4, s25, $0xb8;
	[tilespmem:$0x1EA00] =	vst v63  }
0xaf: {  	_ =	swait.ge [sflag:s13], $0x4000  }
0xb0: {  	[sflag:s13] =	ssyncset.done $0x0  }
0xb1: {  	s9 =	sadd.s32 $0x10, s7;
	[sflag:s13] =	ssyncadd.s32 $0xFFFFC000  }
0xb2: {  	[tilespmem:s15], [sflag:$0x5] =	stream.linear.gather [hbm4b:s9+s4], $0x80, $0x38;
	[tilespmem:$0x1EA00] =	vst v63  }
0xb3: {  	_ =	swait.ge [sflag:s24], $0x80  }
0xb4: {  	[sflag:s24] =	ssyncset.done $0x0  }
0xb5: {  	[sflag:s24] =	ssyncadd.s32 $0xFFFFFF80  }
0xb6: {  	v2 =	vld [tilespmem:$0x180];
	_ =	sdelay $0x7  }
0xb7: {  	[tilespmem:v2+s31+$0x0] =	vst.idx.add.f32.msk $0xffff, v1  }
0xb8: {  	v2 =	vld [tilespmem:$0x190];
	_ =	sdelay $0x7  }
0xb9: {  	[tilespmem:v2+s31+$0x0] =	vst.idx.add.f32.msk $0xffff, v1  }
0xba: {  	v2 =	vld [tilespmem:$0x1A0];
	_ =	sdelay $0x7  }
0xbb: {  	[tilespmem:v2+s31+$0x0] =	vst.idx.add.f32.msk $0xffff, v1  }
0xbc: {  	v2 =	vld [tilespmem:$0x1B0];
	_ =	sdelay $0x7  }
0xbd: {  	[tilespmem:v2+s31+$0x0] =	vst.idx.add.f32.msk $0xffff, v1  }
0xbe: {  	v2 =	vld [tilespmem:$0x1C0];
	_ =	sdelay $0x7  }
0xbf: {  	[tilespmem:v2+s31+$0x0] =	vst.idx.add.f32.msk $0xffff, v1  }
0xc0: {  	v2 =	vld [tilespmem:$0x1D0];
	_ =	sdelay $0x7  }
0xc1: {  	[tilespmem:v2+s31+$0x0] =	vst.idx.add.f32.msk $0xffff, v1  }
0xc2: {  	v2 =	vld [tilespmem:$0x1E0];
	_ =	sdelay $0x7  }
0xc3: {  	[tilespmem:v2+s31+$0x0] =	vst.idx.add.f32.msk $0xffff, v1  }
0xc4: {  	v2 =	vld [tilespmem:$0x1F0];
	_ =	sdelay $0x4  }
0xc5: {  	s17 =	smov.u32 s3  }
0xc6: {  	s17 =	simm.s32 @p1 $0x80  }
0xc7: {  	s17 =	sadd.s32 s6, s17  }
0xc8: {  	s17 =	sshrl.u32 s17, $0x3;
	[tilespmem:v2+s31+$0x0] =	vst.idx.add.f32.msk $0xffff, v1  }
0xc9: {  	[spmem:s2] =	stream.indirect.scatter.add.f32 [tilespmem:s28], [sflag:$0x4], $0x80, s15, s25, $0xb8;
	[tilespmem:$0x1EA00] =	vst v63  }
0xca: {  	s17 =	sadd.s32 s1, s17  }
0xcb: {  	[tilespmem:s25], [sflag:$0x5] =	stream.linear.gather [hbm4b:s17+s4], $0x80, $0x38;
	[tilespmem:$0x1EA00] =	vst v63  }
0xcc: {  	_ =	swait.ge [sflag:s24], $0x80  }
0xcd: {  	[sflag:s24] =	ssyncset.done $0x0  }
.Ltmp4:
0xce: {  	[sflag:s24] =	ssyncadd.s32 $0xFFFFFF80;
	(pc) =	sbr.rel @!p1 .LBB2_5-.Ltmp4, $4  }
0xcf: {  	_ =	swait.ge [sflag:s16], $0x4000  }
0xd0: {  	[sflag:s16] =	ssyncset.done $0x0  }
0xd1: {  	s7 =	sadd.s32 $0x20, s7;
	s3 =	sadd.s32 $0x100, s3;
	[sflag:s16] =	ssyncadd.s32 $0xFFFFC000  }
0xd2: {  	[tilespmem:s28], [sflag:$0x2] =	stream.indirect.gather [hbm4b:s5+s25], $0x80, s25, s25, $0xb8;
	[tilespmem:$0x1EA00] =	vst v63  }
.Ltmp5:
0xd3: {  	_ = 	snop;
	(pc) =	sbr.rel .LBB2_8-.Ltmp5, $1  }
0xd4: {  	_ =	sdelay $0x3  }
.LBB2_6:
0xd5: {  	s3 =	rddreg [dreg:$0x6]  }
0xd6: {  	[tilespmem:s4], [sflag:$0x5] =	stream.linear.gather [hbm4b:s3+s4], $0x80, $0x38;
	[tilespmem:$0x1EA00] =	vst v63  }
0xd7: {  	_ =	swait.ge [sflag:s24], $0x80  }
0xd8: {  	[sflag:s24] =	ssyncset.done $0x0  }
0xd9: {  	[sflag:s24] =	ssyncadd.s32 $0xFFFFFF80  }
0xda: {  	_ =	swait.ge [sflag:s0], $0x4000  }
0xdb: {  	[sflag:s0] =	ssyncset.done $0x0  }
0xdc: {  	[sflag:s0] =	ssyncadd.s32 $0xFFFFC000  }
0xdd: {  	[tilespmem:s26], [sflag:$0x1] =	stream.indirect.gather [hbm4b:s5+s25], $0x80, s4, s25, $0xb8;
	[tilespmem:$0x1EA00] =	vst v63  }
0xde: {  	_ =	swait.ge [sflag:s13], $0x4000  }
0xdf: {  	[sflag:s13] =	ssyncset.done $0x0  }
0xe0: {  	[sflag:s13] =	ssyncadd.s32 $0xFFFFC000  }
0xe1: {  	[tilespmem:s15], [sflag:$0x5] =	stream.linear.gather [hbm4b:s14+s4], $0x80, $0x38;
	[tilespmem:$0x1EA00] =	vst v63  }
0xe2: {  	_ =	swait.ge [sflag:s24], $0x80  }
0xe3: {  	[sflag:s24] =	ssyncset.done $0x0  }
0xe4: {  	[sflag:s24] =	ssyncadd.s32 $0xFFFFFF80  }
0xe5: {  	v2 =	vld [tilespmem:$0x180];
	_ =	sdelay $0x7  }
0xe6: {  	[tilespmem:v2+s31+$0x0] =	vst.idx.add.f32.msk $0xffff, v1  }
0xe7: {  	v2 =	vld [tilespmem:$0x190];
	_ =	sdelay $0x7  }
0xe8: {  	[tilespmem:v2+s31+$0x0] =	vst.idx.add.f32.msk $0xffff, v1  }
0xe9: {  	v2 =	vld [tilespmem:$0x1A0];
	_ =	sdelay $0x7  }
0xea: {  	[tilespmem:v2+s31+$0x0] =	vst.idx.add.f32.msk $0xffff, v1  }
0xeb: {  	v2 =	vld [tilespmem:$0x1B0];
	_ =	sdelay $0x7  }
0xec: {  	[tilespmem:v2+s31+$0x0] =	vst.idx.add.f32.msk $0xffff, v1  }
0xed: {  	v2 =	vld [tilespmem:$0x1C0];
	_ =	sdelay $0x7  }
0xee: {  	[tilespmem:v2+s31+$0x0] =	vst.idx.add.f32.msk $0xffff, v1  }
0xef: {  	v2 =	vld [tilespmem:$0x1D0];
	_ =	sdelay $0x7  }
0xf0: {  	[tilespmem:v2+s31+$0x0] =	vst.idx.add.f32.msk $0xffff, v1  }
0xf1: {  	v2 =	vld [tilespmem:$0x1E0];
	_ =	sdelay $0x7  }
0xf2: {  	[tilespmem:v2+s31+$0x0] =	vst.idx.add.f32.msk $0xffff, v1  }
0xf3: {  	v2 =	vld [tilespmem:$0x1F0];
	_ =	sdelay $0x7  }
0xf4: {  	[tilespmem:v2+s31+$0x0] =	vst.idx.add.f32.msk $0xffff, v1  }
0xf5: {  	[spmem:s2] =	stream.indirect.scatter.add.f32 [tilespmem:s28], [sflag:$0x4], $0x80, s15, s25, $0xb8;
	[tilespmem:$0x1EA00] =	vst v63  }
0xf6: {  	s17 =	rddreg [dreg:$0x7]  }
0xf7: {  	[tilespmem:s25], [sflag:$0x5] =	stream.linear.gather [hbm4b:s17+s4], $0x80, $0x38;
	[tilespmem:$0x1EA00] =	vst v63  }
0xf8: {  	_ =	swait.ge [sflag:s24], $0x80  }
0xf9: {  	[sflag:s24] =	ssyncset.done $0x0  }
0xfa: {  	[sflag:s24] =	ssyncadd.s32 $0xFFFFFF80  }
0xfb: {  	_ =	swait.ge [sflag:s16], $0x4000  }
0xfc: {  	[sflag:s16] =	ssyncset.done $0x0;
	s3 =	rddreg [dreg:$0xb]  }
0xfd: {  	s17 =	simm.s32 $0x280;
	s7 =	rddreg [dreg:$0xa];
	[sflag:s16] =	ssyncadd.s32 $0xFFFFC000  }
0xfe: {  	[tilespmem:s28], [sflag:$0x2] =	stream.indirect.gather [hbm4b:s5+s25], $0x80, s25, s25, $0xb8;
	[tilespmem:$0x1EA00] =	vst v63  }
.LBB2_7:
0xff: {  	_ =	swait.ge [sflag:s29], $0x4000  }
0x100: {  	[sflag:s29] =	ssyncset.done $0x0  }
0x101: {  	[sflag:s29] =	ssyncadd.s32 $0xFFFFC000  }
0x102: {  	[tilespmem:s30], [sflag:$0x5] =	stream.linear.gather [hbm4b:s7+s4], $0x80, $0x38;
	[tilespmem:$0x1EA00] =	vst v63  }
0x103: {  	_ =	swait.ge [sflag:s24], $0x80  }
0x104: {  	[sflag:s24] =	ssyncset.done $0x0  }
0x105: {  	[sflag:s24] =	ssyncadd.s32 $0xFFFFFF80  }
0x106: {  	v2 =	vld [tilespmem:$0x100];
	_ =	sdelay $0x7  }
0x107: {  	[tilespmem:v2+s31+$0x0] =	vst.idx.add.f32.msk $0xffff, v1  }
0x108: {  	v2 =	vld [tilespmem:$0x110];
	_ =	sdelay $0x7  }
0x109: {  	[tilespmem:v2+s31+$0x0] =	vst.idx.add.f32.msk $0xffff, v1  }
0x10a: {  	v2 =	vld [tilespmem:$0x120];
	_ =	sdelay $0x7  }
0x10b: {  	[tilespmem:v2+s31+$0x0] =	vst.idx.add.f32.msk $0xffff, v1  }
0x10c: {  	v2 =	vld [tilespmem:$0x130];
	_ =	sdelay $0x7  }
0x10d: {  	[tilespmem:v2+s31+$0x0] =	vst.idx.add.f32.msk $0xffff, v1  }
0x10e: {  	v2 =	vld [tilespmem:$0x140];
	_ =	sdelay $0x7  }
0x10f: {  	[tilespmem:v2+s31+$0x0] =	vst.idx.add.f32.msk $0xffff, v1  }
0x110: {  	v2 =	vld [tilespmem:$0x150];
	_ =	sdelay $0x7  }
0x111: {  	[tilespmem:v2+s31+$0x0] =	vst.idx.add.f32.msk $0xffff, v1  }
0x112: {  	v2 =	vld [tilespmem:$0x160];
	_ =	sdelay $0x7  }
0x113: {  	[tilespmem:v2+s31+$0x0] =	vst.idx.add.f32.msk $0xffff, v1  }
0x114: {  	v2 =	vld [tilespmem:$0x170];
	_ =	sdelay $0x4  }
0x115: {  	p1 =	seq.s32 s17, $0x1480;
	s9 =	sadd.s32 $0xFFFFFF80, s17  }
0x116: {  	s9 =	simm.s32 @p1 $0x0  }
0x117: {  	s9 =	sadd.s32 s8, s9  }
0x118: {  	s9 =	sshrl.u32 s9, $0x3;
	[tilespmem:v2+s31+$0x0] =	vst.idx.add.f32.msk $0xffff, v1  }
0x119: {  	[spmem:s2] =	stream.indirect.scatter.add.f32 [tilespmem:s26], [sflag:$0x3], $0x80, s30, s25, $0xb8;
	[tilespmem:$0x1EA00] =	vst v63  }
0x11a: {  	s9 =	sadd.s32 s1, s9  }
0x11b: {  	[tilespmem:s4], [sflag:$0x5] =	stream.linear.gather [hbm4b:s9+s4], $0x80, $0x38;
	[tilespmem:$0x1EA00] =	vst v63  }
0x11c: {  	_ =	swait.ge [sflag:s24], $0x80  }
0x11d: {  	[sflag:s24] =	ssyncset.done $0x0  }
0x11e: {  	[sflag:s24] =	ssyncadd.s32 $0xFFFFFF80  }
0x11f: {  	_ =	swait.ge [sflag:s0], $0x4000  }
0x120: {  	[sflag:s0] =	ssyncset.done $0x0  }
0x121: {  	[sflag:s0] =	ssyncadd.s32 $0xFFFFC000  }
0x122: {  	[tilespmem:s26], [sflag:$0x1] =	stream.indirect.gather [hbm4b:s5+s25], $0x80, s4, s25, $0xb8;
	[tilespmem:$0x1EA00] =	vst v63  }
0x123: {  	_ =	swait.ge [sflag:s13], $0x4000  }
0x124: {  	[sflag:s13] =	ssyncset.done $0x0  }
0x125: {  	[sflag:s13] =	ssyncadd.s32 $0xFFFFC000  }
0x126: {  	[tilespmem:s15], [sflag:$0x5] =	stream.linear.gather [hbm4b:s3+s4], $0x80, $0x38;
	[tilespmem:$0x1EA00] =	vst v63  }
0x127: {  	_ =	swait.ge [sflag:s24], $0x80  }
0x128: {  	[sflag:s24] =	ssyncset.done $0x0  }
0x129: {  	[sflag:s24] =	ssyncadd.s32 $0xFFFFFF80  }
0x12a: {  	v2 =	vld [tilespmem:$0x180];
	_ =	sdelay $0x7  }
0x12b: {  	[tilespmem:v2+s31+$0x0] =	vst.idx.add.f32.msk $0xffff, v1  }
0x12c: {  	v2 =	vld [tilespmem:$0x190];
	_ =	sdelay $0x7  }
0x12d: {  	[tilespmem:v2+s31+$0x0] =	vst.idx.add.f32.msk $0xffff, v1  }
0x12e: {  	v2 =	vld [tilespmem:$0x1A0];
	_ =	sdelay $0x7  }
0x12f: {  	[tilespmem:v2+s31+$0x0] =	vst.idx.add.f32.msk $0xffff, v1  }
0x130: {  	v2 =	vld [tilespmem:$0x1B0];
	_ =	sdelay $0x7  }
0x131: {  	[tilespmem:v2+s31+$0x0] =	vst.idx.add.f32.msk $0xffff, v1  }
0x132: {  	v2 =	vld [tilespmem:$0x1C0];
	_ =	sdelay $0x7  }
0x133: {  	[tilespmem:v2+s31+$0x0] =	vst.idx.add.f32.msk $0xffff, v1  }
0x134: {  	v2 =	vld [tilespmem:$0x1D0];
	_ =	sdelay $0x7  }
0x135: {  	[tilespmem:v2+s31+$0x0] =	vst.idx.add.f32.msk $0xffff, v1  }
0x136: {  	v2 =	vld [tilespmem:$0x1E0];
	_ =	sdelay $0x7  }
0x137: {  	[tilespmem:v2+s31+$0x0] =	vst.idx.add.f32.msk $0xffff, v1  }
0x138: {  	v2 =	vld [tilespmem:$0x1F0];
	_ =	sdelay $0x4  }
0x139: {  	s9 =	smov.u32 s17  }
0x13a: {  	s9 =	simm.s32 @p1 $0x80  }
0x13b: {  	s9 =	sadd.s32 s8, s9  }
0x13c: {  	s9 =	sshrl.u32 s9, $0x3;
	[tilespmem:v2+s31+$0x0] =	vst.idx.add.f32.msk $0xffff, v1  }
0x13d: {  	[spmem:s2] =	stream.indirect.scatter.add.f32 [tilespmem:s28], [sflag:$0x4], $0x80, s15, s25, $0xb8;
	[tilespmem:$0x1EA00] =	vst v63  }
0x13e: {  	s9 =	sadd.s32 s1, s9  }
0x13f: {  	[tilespmem:s25], [sflag:$0x5] =	stream.linear.gather [hbm4b:s9+s4], $0x80, $0x38;
	[tilespmem:$0x1EA00] =	vst v63  }
0x140: {  	_ =	swait.ge [sflag:s24], $0x80  }
0x141: {  	p1 =	sne.s32 s17, $0x1480;
	[sflag:s24] =	ssyncset.done $0x0  }
.Ltmp6:
0x142: {  	[sflag:s24] =	ssyncadd.s32 $0xFFFFFF80;
	(pc) =	sbr.rel @p1 .LBB2_7-.Ltmp6, $4  }
0x143: {  	_ =	swait.ge [sflag:s16], $0x4000  }
0x144: {  	s7 =	sadd.s32 $0x20, s7;
	[sflag:s16] =	ssyncset.done $0x0  }
0x145: {  	s17 =	sadd.s32 $0x100, s17;
	s3 =	sadd.s32 $0x20, s3;
	[sflag:s16] =	ssyncadd.s32 $0xFFFFC000  }
0x146: {  	[tilespmem:s28], [sflag:$0x2] =	stream.indirect.gather [hbm4b:s5+s25], $0x80, s25, s25, $0xb8;
	[tilespmem:$0x1EA00] =	vst v63  }
.Ltmp7:
0x147: {  	_ = 	snop;
	(pc) =	sbr.rel .LBB2_8-.Ltmp7, $1  }
0x148: {  	_ =	sdelay $0x3  }
.LBB2_9:
0x149: {  	_ =	sfence.sel $0x180000  }
0x14a: {  	[bflag:$0x0] =	sbarrier.arrive $0xFFFF  }
0x14b: {  	_ =	strace $0x9000004A  }
0x14c: {  	s0 =	stileid.u32;
	[bflag:$0x2] =	sbarrier.arrive $0xFFFF  }
0x14d: {  	p0 =	sne.s32 s0, $0x0;
	s0 =	rddreg [dreg:$0x3]  }
0x14e: {  	s0 =	sadd.s32 @!p0 $0x100000, s0  }
0x14f: {  	[sflag:s0] =	ssyncadd.tile.s32 @!p0 $0x1;
	_ =	shalt  }
.Lfunc_end2:
_tile_overlayer_lowered:
.L_overlay_start_2:
0x150: {  	(tag) =	ssettag $0x2  }
0x151: {  	s0 =	rddreg [dreg:$0x0];
	s2 =	stileid.u32  }
0x152: {  	s1 =	rddreg [dreg:$0x1];
	p0 =	sne.s32 s2, $0x0  }
0x153: {  	s3 =	rddreg [dreg:$0x2];
	[bflag:$0x3] =	sbarrier.arrive $0xFFFF;
	s2 =	simm.s32 @!p0 $0x1C05  }
0x154: {  	[timem:s3], [sflag:s2] =	dma.local @!p0 [hbm:s0], s1  }
0x155: {  	s0 =	simm.s32 @!p0 $0x5  }
0x156: {  	_ =	swait.ge @!p0 [sflag:s0], s1  }
0x157: {  	s1 =	ssub.s32 @!p0 $0x0, s1;
	[sflag:s0] =	ssyncset.done @!p0 $0x0  }
0x158: {  	[sflag:s0] =	ssyncadd.s32 @!p0 s1  }
0x159: {  	[bflag:$0x3] =	sbarrier.arrive $0xFFFF  }
0x15a: {  	_ =	shalt  }

</sc_bundles>
